<compile_context>
chip_gen: v7x
topology: tpu7x:2x2x1
jax: 0.10.2.dev20260603
libtpu: 0.0.44.dev20260713+nightly
codegen_flags: <defaults>
</compile_context>

<pallas_src>
import functools

import jax
import jax.numpy as jnp
from jax import lax
from jax.experimental import pallas as pl
from jax.experimental.pallas import tpu as pltpu
from jax.experimental.pallas import tpu_sc as plsc

N = 10000
E = 320000
R = 8
D = 128
RT = R + 1

NC = 2
NS = 16
NW = NC * NS
EPT = E // NW
CH = 80
NCHUNK = EPT // CH
NPT = N // NS
CPB = 25
NBLK = EPT // (CPB * CH)
NROW = NW * NBLK
ACH = 125
ACPB = 16
ABLK = EPT // (ACPB * ACH)
AROW = NW * ABLK

_mesh = functools.partial(
    plsc.VectorSubcoreMesh, core_axis_name="c", subcore_axis_name="s",
    num_cores=NC, num_subcores=NS)

_sc_params = pltpu.CompilerParams(needs_layout_passes=False)

_L = 16



EPS = E // NS
BPS = NBLK * NC


def _sc_prep_body(ei_h, rel_h, zeros_h,
                  gidx_h, norm_h,
                  src_v, dst_v, rel_v, gidx_v, comb_v, ones_v, norm_v,
                  cnt_v, sem, cnt_sp):
    c = lax.axis_index("c")
    s = lax.axis_index("s")
    wid = c * NS + s
    coff = jnp.minimum(s * 5120, N * R - 5120)
    pltpu.sync_copy(zeros_h.at[pl.ds(coff, 5120)], cnt_sp.at[pl.ds(coff, 5120)])

    def fill_ones(j, _):
        ones_v[pl.ds(j * _L, _L)] = jnp.ones((_L,), jnp.float32)
        return 0

    lax.fori_loop(0, CH // _L, fill_ones, 0)
    plsc.subcore_barrier()

    def blockA(bk, _):
        base = s * BPS + bk
        pltpu.sync_copy(ei_h.at[0, base], src_v)
        pltpu.sync_copy(ei_h.at[1, base], dst_v)
        pltpu.sync_copy(rel_h.at[base], rel_v)

        def lane(i, _):
            for m in range(CH // _L):
                sl = pl.ds(m * _L, _L)
                rv = rel_v[i, sl]
                gidx_v[i, sl] = rv * N + src_v[i, sl]
                comb_v[i, sl] = dst_v[i, sl] * R + rv
            return 0

        lax.fori_loop(0, CPB, lane, 0)

        @pl.when(c == 0)
        def _():
            pltpu.sync_copy(gidx_v, gidx_h.at[base])

        for j in range(CPB):
            pltpu.async_copy(ones_v, cnt_sp.at[comb_v.at[j]], sem, add=True)
        for j in range(CPB):
            pltpu.make_async_copy(ones_v, cnt_sp.at[comb_v.at[j]], sem).wait()
        return 0

    lax.fori_loop(0, BPS, blockA, 0)
    plsc.subcore_barrier()
    pltpu.sync_copy(cnt_sp, cnt_v)

    def blockB(bk, _):
        base = wid * NBLK + bk
        pltpu.sync_copy(ei_h.at[1, base], dst_v)
        pltpu.sync_copy(rel_h.at[base], rel_v)

        def lane(i, _):
            for m in range(CH // _L):
                sl = pl.ds(m * _L, _L)
                cb = dst_v[i, sl] * R + rel_v[i, sl]
                cv = plsc.load_gather(cnt_v, [cb])
                norm_v[i, sl] = 1.0 / jnp.maximum(cv, 1.0)
            return 0

        lax.fori_loop(0, CPB, lane, 0)
        pltpu.sync_copy(norm_v, norm_h.at[base])
        return 0

    lax.fori_loop(0, NBLK, blockB, 0)


def _sc_prep(ei, rel, zeros_nr):
    k = functools.partial(
        pl.kernel,
        out_type=[jax.ShapeDtypeStruct((NROW, CPB, CH), jnp.int32),
                  jax.ShapeDtypeStruct((NROW, CPB, CH), jnp.float32)],
        mesh=_mesh(),
        compiler_params=_sc_params,
        scratch_types=[
            pltpu.VMEM((CPB, CH), jnp.int32),
            pltpu.VMEM((CPB, CH), jnp.int32),
            pltpu.VMEM((CPB, CH), jnp.int32),
            pltpu.VMEM((CPB, CH), jnp.int32),
            pltpu.VMEM((CPB, CH), jnp.int32),
            pltpu.VMEM((CH,), jnp.float32),
            pltpu.VMEM((CPB, CH), jnp.float32),
            pltpu.VMEM((N * R,), jnp.float32),
            pltpu.SemaphoreType.DMA,
            pltpu.VMEM_SHARED((N * R,), jnp.float32),
        ],
    )(_sc_prep_body)
    return k(ei.reshape(2, NROW, CPB, CH), rel.reshape(NROW, CPB, CH),
             zeros_nr)



def _sc_agg_body(xw_h, gidx_h, ei_h, norm_h, zeros_h, parts_h,
                 gidx_v, dst_v, norm_v, r0, r1, g0, g1, s0, s1, acc_sp):
    rows = (r0, r1)
    gsem = (g0, g1)
    ssem = (s0, s1)
    c = lax.axis_index("c")
    s = lax.axis_index("s")
    wid = c * NS + s
    roff = jnp.minimum(s * 640, N - 640)
    pltpu.sync_copy(zeros_h.at[pl.ds(roff, 640), :],
                    acc_sp.at[pl.ds(roff, 640), :])
    plsc.subcore_barrier()

    def issue_gather(t, b):
        pltpu.async_copy(xw_h.at[gidx_v.at[t]], rows[b], gsem[b])

    def wait_gather(t, b):
        pltpu.make_async_copy(xw_h.at[gidx_v.at[t]], rows[b], gsem[b]).wait()

    def issue_scatter(t, b):
        pltpu.async_copy(rows[b], acc_sp.at[dst_v.at[t]], ssem[b], add=True)

    def drain_scatter(b):
        pltpu.make_async_copy(rows[b], acc_sp.at[dst_v.at[0]], ssem[b]).wait()

    def block(bk, _):
        base = wid * ABLK + bk
        pltpu.sync_copy(gidx_h.at[base], gidx_v)
        pltpu.sync_copy(ei_h.at[1, base], dst_v)
        pltpu.sync_copy(norm_h.at[base], norm_v)
        issue_gather(0, 0)

        def group(g, _):
            for b in range(2):
                t = g * 2 + b
                wait_gather(t, b)
                o = 1 - b
                if b == 0:
                    @pl.when(g >= 1)
                    def _():
                        drain_scatter(o)
                    issue_gather(t + 1, o)
                else:
                    drain_scatter(o)

                    @pl.when(g < ACPB // 2 - 1)
                    def _():
                        issue_gather(t + 1, o)

                def row(j, _):
                    nv = plsc.load_gather(
                        norm_v, [jnp.full((_L,), t, jnp.int32),
                                 jnp.full((_L,), j, jnp.int32)])
                    for kk in range(D // _L):
                        sl = pl.ds(kk * _L, _L)
                        rows[b][j, sl] = rows[b][j, sl] * nv
                    return 0

                lax.fori_loop(0, ACH, row, 0)
                issue_scatter(t, b)
            return 0

        lax.fori_loop(0, ACPB // 2, group, 0)
        drain_scatter(1)
        return 0

    lax.fori_loop(0, ABLK, block, 0)
    plsc.subcore_barrier()
    pltpu.sync_copy(acc_sp.at[pl.ds(roff, 640), :],
                    parts_h.at[c, pl.ds(roff, 640), :])


def _sc_agg(xw, gidx, ei, norm, zeros_nd):
    k = functools.partial(
        pl.kernel,
        out_type=jax.ShapeDtypeStruct((NC, N, D), jnp.float32),
        mesh=_mesh(),
        compiler_params=_sc_params,
        scratch_types=(
            [pltpu.VMEM((ACPB, ACH), jnp.int32),
             pltpu.VMEM((ACPB, ACH), jnp.int32),
             pltpu.VMEM((ACPB, ACH), jnp.float32)]
            + [pltpu.VMEM((ACH, D), jnp.float32)] * 2
            + [pltpu.SemaphoreType.DMA] * 4
            + [pltpu.VMEM_SHARED((N, D), jnp.float32)]
        ),
    )(_sc_agg_body)
    return k(xw.reshape(N * RT, D), gidx.reshape(AROW, ACPB, ACH),
             ei.reshape(2, AROW, ACPB, ACH), norm.reshape(AROW, ACPB, ACH),
             zeros_nd)



_BN = 400


def _einsum1_body(x_ref, w_ref, o_ref):
    xb = x_ref[...]
    for r in range(RT):
        o_ref[r] = jnp.dot(xb, w_ref[r], preferred_element_type=jnp.float32)


def _tc_einsum1(xb, Wall):
    return pl.pallas_call(
        _einsum1_body,
        grid=(N // _BN,),
        in_specs=[
            pl.BlockSpec((_BN, D), lambda i: (i, 0)),
            pl.BlockSpec((RT, D, D), lambda i: (0, 0, 0)),
        ],
        out_specs=pl.BlockSpec((RT, _BN, D), lambda i: (0, i, 0)),
        out_shape=jax.ShapeDtypeStruct((RT, N, D), jnp.float32),
    )(xb, Wall)


def _einsum2_body(p0_ref, p1_ref, xw_ref, b_ref, w_ref, o_ref):
    h = p0_ref[0] + p1_ref[0] + xw_ref[0] + b_ref[0]
    hb = jnp.maximum(h, 0.0).astype(jnp.bfloat16)
    for r in range(RT):
        o_ref[r] = jnp.dot(hb, w_ref[r], preferred_element_type=jnp.float32)


def _tc_einsum2(parts, xw1, b1, Wall):
    return pl.pallas_call(
        _einsum2_body,
        grid=(N // _BN,),
        in_specs=[
            pl.BlockSpec((1, _BN, D), lambda i: (0, i, 0)),
            pl.BlockSpec((1, _BN, D), lambda i: (1, i, 0)),
            pl.BlockSpec((1, _BN, D), lambda i: (R, i, 0)),
            pl.BlockSpec((1, D), lambda i: (0, 0)),
            pl.BlockSpec((RT, D, D), lambda i: (0, 0, 0)),
        ],
        out_specs=pl.BlockSpec((RT, _BN, D), lambda i: (0, i, 0)),
        out_shape=jax.ShapeDtypeStruct((RT, N, D), jnp.float32),
    )(parts, parts, xw1, b1, Wall)


def _combine_body(p0_ref, p1_ref, xw_ref, b_ref, o_ref):
    o_ref[...] = p0_ref[0] + p1_ref[0] + xw_ref[0] + b_ref[0]


def _tc_combine(parts, xw2, b2):
    return pl.pallas_call(
        _combine_body,
        grid=(N // _BN,),
        in_specs=[
            pl.BlockSpec((1, _BN, D), lambda i: (0, i, 0)),
            pl.BlockSpec((1, _BN, D), lambda i: (1, i, 0)),
            pl.BlockSpec((1, _BN, D), lambda i: (R, i, 0)),
            pl.BlockSpec((1, D), lambda i: (0, 0)),
        ],
        out_specs=pl.BlockSpec((_BN, D), lambda i: (i, 0)),
        out_shape=jax.ShapeDtypeStruct((N, D), jnp.float32),
    )(parts, parts, xw2, b2)




def kernel(x, edge_index, edge_type, W1, Wroot1, b1, W2, Wroot2, b2):
    rel = edge_type
    Wall1 = jnp.concatenate([W1, Wroot1[None]], axis=0).astype(jnp.bfloat16)
    Wall2 = jnp.concatenate([W2, Wroot2[None]], axis=0).astype(jnp.bfloat16)
    xb = x.astype(jnp.bfloat16)
    b1r = b1.reshape(1, D)
    b2r = b2.reshape(1, D)
    zeros_nr = jnp.zeros((N * R,), jnp.float32)
    zeros_nd = jnp.zeros((N, D), jnp.float32)

    gidx, norm = _sc_prep(edge_index, rel, zeros_nr)

    xw1 = _tc_einsum1(xb, Wall1)
    parts1 = _sc_agg(xw1, gidx, edge_index, norm, zeros_nd)
    xw2 = _tc_einsum2(parts1, xw1, b1r, Wall2)
    parts2 = _sc_agg(xw2, gidx, edge_index, norm, zeros_nd)
    out = _tc_combine(parts2, xw2, b2r)
    return out

# --- scband reference (transcript-rebuilt; emitter-appended) ---
"""Pipeline reference for scband-rgcn-11424613007387 (READ-ONLY COPY).

The authoritative reference and input builder live on the scoring server;
editing this copy changes nothing except your own understanding.
"""

import jax, jax.numpy as jnp
import numpy as np

N = 10000
E = 320000
R = 8
D_IN = 128
D_HID = 128
D_OUT = 128


def setup_inputs(seed: int = 0) -> dict:
    key = jax.random.key(seed)
    ks = jax.random.split(key, 12)
    x = jax.random.normal(ks[0], (N, D_IN), dtype=jnp.float32)
    edge_index = jax.random.randint(ks[1], (2, E), 0, N)
    edge_type = jax.random.randint(ks[2], (E,), 0, R)
    s1 = 1.0 / np.sqrt(D_IN)
    s2 = 1.0 / np.sqrt(D_HID)
    W1 = jax.random.normal(ks[3], (R, D_IN, D_HID), dtype=jnp.float32) * s1
    Wroot1 = jax.random.normal(ks[4], (D_IN, D_HID), dtype=jnp.float32) * s1
    b1 = jnp.zeros((D_HID,), dtype=jnp.float32)
    W2 = jax.random.normal(ks[5], (R, D_HID, D_OUT), dtype=jnp.float32) * s2
    Wroot2 = jax.random.normal(ks[6], (D_HID, D_OUT), dtype=jnp.float32) * s2
    b2 = jnp.zeros((D_OUT,), dtype=jnp.float32)
    return {"x": x, "edge_index": edge_index, "edge_type": edge_type,
            "W1": W1, "Wroot1": Wroot1, "b1": b1,
            "W2": W2, "Wroot2": Wroot2, "b2": b2}


def rgcn_layer(x, edge_index, edge_type, W, Wroot, b):
    src = edge_index[0]
    dst = edge_index[1]
    # relation-specific transform of all nodes: [N, R, d_out]
    xw = jnp.einsum('nd,rdo->nro', x, W)
    # gather per-edge message with its relation weight applied
    msg = xw[src, edge_type]  # [E, d_out]
    # normalization c_{i,r} = |N_r(i)| (mean aggregation per (dst, relation))
    comb = dst * R + edge_type
    cnt = jnp.bincount(comb, length=N * R).astype(jnp.float32)
    norm = 1.0 / jnp.maximum(cnt[comb], 1.0)
    agg = jax.ops.segment_sum(msg * norm[:, None], dst, num_segments=N)
    return agg + x @ Wroot + b


def reference(x, edge_index, edge_type, W1, Wroot1, b1, W2, Wroot2, b2):
    h = jax.nn.relu(rgcn_layer(x, edge_index, edge_type, W1, Wroot1, b1))
    out = rgcn_layer(h, edge_index, edge_type, W2, Wroot2, b2)
    return out

if __name__ == "__main__":
    import jax
    _d = setup_inputs()
    print(jax.jit(kernel)(*tuple(_d.values())))

</pallas_src>

<mosaic_0001>
#map = affine_map<(d0, d1) -> (0, 0)>
#map1 = affine_map<(d0, d1) -> (0, 0, 0)>
#map2 = affine_map<(d0, d1) -> (0, 0, 0, 0)>
module attributes {stable_mosaic.version = 14 : i64} {
  func.func @_sc_agg_body(%arg0: i32, %arg1: i32, %arg2: memref<90000x128xf32, #tpu.memory_space<hbm>>, %arg3: memref<160x16x125xi32, #tpu.memory_space<hbm>>, %arg4: memref<2x160x16x125xi32, #tpu.memory_space<hbm>>, %arg5: memref<160x16x125xf32, #tpu.memory_space<hbm>>, %arg6: memref<10000x128xf32, #tpu.memory_space<hbm>>, %arg7: memref<2x10000x128xf32, #tpu.memory_space<hbm>>, %arg8: memref<16x125xi32, #tpu.memory_space<vmem>>, %arg9: memref<16x125xi32, #tpu.memory_space<vmem>>, %arg10: memref<16x125xf32, #tpu.memory_space<vmem>>, %arg11: memref<125x128xf32, #tpu.memory_space<vmem>>, %arg12: memref<125x128xf32, #tpu.memory_space<vmem>>, %arg13: memref<!tpu.dma_semaphore, #tpu.memory_space<semaphore_mem>>, %arg14: memref<!tpu.dma_semaphore, #tpu.memory_space<semaphore_mem>>, %arg15: memref<!tpu.dma_semaphore, #tpu.memory_space<semaphore_mem>>, %arg16: memref<!tpu.dma_semaphore, #tpu.memory_space<semaphore_mem>>, %arg17: memref<10000x128xf32, #tpu.memory_space<vmem_shared>>) attributes {dimension_semantics = [#tpu.dimension_semantics<core_parallel>, #tpu.dimension_semantics<subcore_parallel>], iteration_bounds = array<i64: 2, 16>, scalar_prefetch = 0 : i64, scratch_operands = 10 : i64, tpu.core_type = #tpu.core_type<sc_vector_subcore>, window_params = [{transform_indices = #map}, {transform_indices = #map1}, {transform_indices = #map2}, {transform_indices = #map1}, {transform_indices = #map}, {transform_indices = #map1}]} {
    %mul3A = arith.constant 16 : i32
    %mul3A_0 = arith.muli %arg0, %mul3A : i32
    %add3A = arith.addi %mul3A_0, %arg1 : i32
    %mul3A_1 = arith.constant 640 : i32
    %mul3A_2 = arith.muli %arg1, %mul3A_1 : i32
    %min3A = arith.constant 9360 : i32
    %min3A_3 = arith.minsi %mul3A_2, %min3A : i32
    "tpu.region"() ({
      %run_scoped3A = tpu.sem_alloc : memref<!tpu.dma_semaphore, #tpu.memory_space<semaphore_mem>>
      %dma_start3A = arith.constant 0 : i32
      %dma_start3A_11 = tpu.memref_slice %arg17[%min3A_3, %dma_start3A] : memref<10000x128xf32, #tpu.memory_space<vmem_shared>> -> memref<640x128xf32, #tpu.memory_space<vmem_shared>>
      %dma_start3A_12 = arith.constant 0 : i32
      %dma_start3A_13 = tpu.memref_slice %arg6[%min3A_3, %dma_start3A_12] : memref<10000x128xf32, #tpu.memory_space<hbm>> -> memref<640x128xf32, #tpu.memory_space<hbm>>
      tpu.enqueue_dma source(%dma_start3A_13 : memref<640x128xf32, #tpu.memory_space<hbm>>) target(%dma_start3A_11 : memref<640x128xf32, #tpu.memory_space<vmem_shared>>) target_semaphore(%run_scoped3A : memref<!tpu.dma_semaphore, #tpu.memory_space<semaphore_mem>>)
      %dma_wait3A = arith.constant 0 : i32
      %dma_wait3A_14 = tpu.memref_slice %arg17[%min3A_3, %dma_wait3A] : memref<10000x128xf32, #tpu.memory_space<vmem_shared>> -> memref<640x128xf32, #tpu.memory_space<vmem_shared>>
      %dma_wait3A_15 = arith.constant 0 : i32
      %dma_wait3A_16 = tpu.memref_slice %arg6[%min3A_3, %dma_wait3A_15] : memref<10000x128xf32, #tpu.memory_space<hbm>> -> memref<640x128xf32, #tpu.memory_space<hbm>>
      tpu.wait_dma2 semaphore(%run_scoped3A : memref<!tpu.dma_semaphore, #tpu.memory_space<semaphore_mem>>) src(%dma_wait3A_16 : memref<640x128xf32, #tpu.memory_space<hbm>>) dst(%dma_wait3A_14 : memref<640x128xf32, #tpu.memory_space<vmem_shared>>)
      tpu.yield
    }) : () -> ()
    %barrier3A = arith.constant 0 : index
    tpu.barrier barrier_id(%barrier3A)
    %scan3A = arith.constant 0 : i32
    %scan3A_4 = arith.constant 0 : i32
    %scan3A_5 = arith.constant 5 : i32
    %scan3A_6 = arith.addi %scan3A_4, %scan3A_5 : i32
    %scan3A_7 = arith.constant 1 : i32
    %scan3A_8 = scf.for %scan3A_11 = %scan3A_4 to %scan3A_6 step %scan3A_7 iter_args(%scan3A_12 = %scan3A) -> (i32)  : i32 {
      %mul3A_13 = arith.constant 5 : i32
      %mul3A_14 = arith.muli %add3A, %mul3A_13 : i32
      %add3A_15 = arith.addi %mul3A_14, %scan3A_11 : i32
      "tpu.region"() ({
        %run_scoped3A_36 = tpu.sem_alloc : memref<!tpu.dma_semaphore, #tpu.memory_space<semaphore_mem>>
        %dma_start3A_37 = arith.constant 0 : i32
        %dma_start3A_38 = arith.constant 0 : i32
        %dma_start3A_39 = tpu.memref_slice %arg3[%add3A_15, %dma_start3A_37, %dma_start3A_38] : memref<160x16x125xi32, #tpu.memory_space<hbm>> -> memref<1x16x125xi32, #tpu.memory_space<hbm>>
        %dma_start3A_40 = tpu.memref_squeeze %dma_start3A_39 : memref<1x16x125xi32, #tpu.memory_space<hbm>> -> memref<16x125xi32, #tpu.memory_space<hbm>>
        %dma_start3A_41 = arith.constant 0 : i32
        %dma_start3A_42 = arith.constant 0 : i32
        %dma_start3A_43 = tpu.memref_slice %arg3[%add3A_15, %dma_start3A_41, %dma_start3A_42] : memref<160x16x125xi32, #tpu.memory_space<hbm>> -> memref<1x16x125xi32, #tpu.memory_space<hbm>>
        %dma_start3A_44 = tpu.memref_squeeze %dma_start3A_43 : memref<1x16x125xi32, #tpu.memory_space<hbm>> -> memref<16x125xi32, #tpu.memory_space<hbm>>
        tpu.enqueue_dma source(%dma_start3A_44 : memref<16x125xi32, #tpu.memory_space<hbm>>) target(%arg8 : memref<16x125xi32, #tpu.memory_space<vmem>>) target_semaphore(%run_scoped3A_36 : memref<!tpu.dma_semaphore, #tpu.memory_space<semaphore_mem>>)
        %dma_wait3A_45 = arith.constant 0 : i32
        %dma_wait3A_46 = arith.constant 0 : i32
        %dma_wait3A_47 = tpu.memref_slice %arg3[%add3A_15, %dma_wait3A_45, %dma_wait3A_46] : memref<160x16x125xi32, #tpu.memory_space<hbm>> -> memref<1x16x125xi32, #tpu.memory_space<hbm>>
        %dma_wait3A_48 = tpu.memref_squeeze %dma_wait3A_47 : memref<1x16x125xi32, #tpu.memory_space<hbm>> -> memref<16x125xi32, #tpu.memory_space<hbm>>
        %dma_wait3A_49 = arith.constant 0 : i32
        %dma_wait3A_50 = arith.constant 0 : i32
        %dma_wait3A_51 = tpu.memref_slice %arg3[%add3A_15, %dma_wait3A_49, %dma_wait3A_50] : memref<160x16x125xi32, #tpu.memory_space<hbm>> -> memref<1x16x125xi32, #tpu.memory_space<hbm>>
        %dma_wait3A_52 = tpu.memref_squeeze %dma_wait3A_51 : memref<1x16x125xi32, #tpu.memory_space<hbm>> -> memref<16x125xi32, #tpu.memory_space<hbm>>
        tpu.wait_dma2 semaphore(%run_scoped3A_36 : memref<!tpu.dma_semaphore, #tpu.memory_space<semaphore_mem>>) src(%dma_wait3A_52 : memref<16x125xi32, #tpu.memory_space<hbm>>) dst(%arg8 : memref<16x125xi32, #tpu.memory_space<vmem>>)
        tpu.yield
      }) : () -> ()
      %run_scoped3A = arith.constant 1 : i32
      "tpu.region"() ({
        %run_scoped3A_36 = tpu.sem_alloc : memref<!tpu.dma_semaphore, #tpu.memory_space<semaphore_mem>>
        %dma_start3A_37 = arith.constant 0 : i32
        %dma_start3A_38 = arith.constant 0 : i32
        %dma_start3A_39 = tpu.memref_slice %arg4[%run_scoped3A, %add3A_15, %dma_start3A_37, %dma_start3A_38] : memref<2x160x16x125xi32, #tpu.memory_space<hbm>> -> memref<1x1x16x125xi32, #tpu.memory_space<hbm>>
        %dma_start3A_40 = tpu.memref_squeeze %dma_start3A_39 : memref<1x1x16x125xi32, #tpu.memory_space<hbm>> -> memref<16x125xi32, #tpu.memory_space<hbm>>
        %dma_start3A_41 = arith.constant 0 : i32
        %dma_start3A_42 = arith.constant 0 : i32
        %dma_start3A_43 = tpu.memref_slice %arg4[%run_scoped3A, %add3A_15, %dma_start3A_41, %dma_start3A_42] : memref<2x160x16x125xi32, #tpu.memory_space<hbm>> -> memref<1x1x16x125xi32, #tpu.memory_space<hbm>>
        %dma_start3A_44 = tpu.memref_squeeze %dma_start3A_43 : memref<1x1x16x125xi32, #tpu.memory_space<hbm>> -> memref<16x125xi32, #tpu.memory_space<hbm>>
        tpu.enqueue_dma source(%dma_start3A_44 : memref<16x125xi32, #tpu.memory_space<hbm>>) target(%arg9 : memref<16x125xi32, #tpu.memory_space<vmem>>) target_semaphore(%run_scoped3A_36 : memref<!tpu.dma_semaphore, #tpu.memory_space<semaphore_mem>>)
        %dma_wait3A_45 = arith.constant 0 : i32
        %dma_wait3A_46 = arith.constant 0 : i32
        %dma_wait3A_47 = tpu.memref_slice %arg4[%run_scoped3A, %add3A_15, %dma_wait3A_45, %dma_wait3A_46] : memref<2x160x16x125xi32, #tpu.memory_space<hbm>> -> memref<1x1x16x125xi32, #tpu.memory_space<hbm>>
        %dma_wait3A_48 = tpu.memref_squeeze %dma_wait3A_47 : memref<1x1x16x125xi32, #tpu.memory_space<hbm>> -> memref<16x125xi32, #tpu.memory_space<hbm>>
        %dma_wait3A_49 = arith.constant 0 : i32
        %dma_wait3A_50 = arith.constant 0 : i32
        %dma_wait3A_51 = tpu.memref_slice %arg4[%run_scoped3A, %add3A_15, %dma_wait3A_49, %dma_wait3A_50] : memref<2x160x16x125xi32, #tpu.memory_space<hbm>> -> memref<1x1x16x125xi32, #tpu.memory_space<hbm>>
        %dma_wait3A_52 = tpu.memref_squeeze %dma_wait3A_51 : memref<1x1x16x125xi32, #tpu.memory_space<hbm>> -> memref<16x125xi32, #tpu.memory_space<hbm>>
        tpu.wait_dma2 semaphore(%run_scoped3A_36 : memref<!tpu.dma_semaphore, #tpu.memory_space<semaphore_mem>>) src(%dma_wait3A_52 : memref<16x125xi32, #tpu.memory_space<hbm>>) dst(%arg9 : memref<16x125xi32, #tpu.memory_space<vmem>>)
        tpu.yield
      }) : () -> ()
      "tpu.region"() ({
        %run_scoped3A_36 = tpu.sem_alloc : memref<!tpu.dma_semaphore, #tpu.memory_space<semaphore_mem>>
        %dma_start3A_37 = arith.constant 0 : i32
        %dma_start3A_38 = arith.constant 0 : i32
        %dma_start3A_39 = tpu.memref_slice %arg5[%add3A_15, %dma_start3A_37, %dma_start3A_38] : memref<160x16x125xf32, #tpu.memory_space<hbm>> -> memref<1x16x125xf32, #tpu.memory_space<hbm>>
        %dma_start3A_40 = tpu.memref_squeeze %dma_start3A_39 : memref<1x16x125xf32, #tpu.memory_space<hbm>> -> memref<16x125xf32, #tpu.memory_space<hbm>>
        %dma_start3A_41 = arith.constant 0 : i32
        %dma_start3A_42 = arith.constant 0 : i32
        %dma_start3A_43 = tpu.memref_slice %arg5[%add3A_15, %dma_start3A_41, %dma_start3A_42] : memref<160x16x125xf32, #tpu.memory_space<hbm>> -> memref<1x16x125xf32, #tpu.memory_space<hbm>>
        %dma_start3A_44 = tpu.memref_squeeze %dma_start3A_43 : memref<1x16x125xf32, #tpu.memory_space<hbm>> -> memref<16x125xf32, #tpu.memory_space<hbm>>
        tpu.enqueue_dma source(%dma_start3A_44 : memref<16x125xf32, #tpu.memory_space<hbm>>) target(%arg10 : memref<16x125xf32, #tpu.memory_space<vmem>>) target_semaphore(%run_scoped3A_36 : memref<!tpu.dma_semaphore, #tpu.memory_space<semaphore_mem>>)
        %dma_wait3A_45 = arith.constant 0 : i32
        %dma_wait3A_46 = arith.constant 0 : i32
        %dma_wait3A_47 = tpu.memref_slice %arg5[%add3A_15, %dma_wait3A_45, %dma_wait3A_46] : memref<160x16x125xf32, #tpu.memory_space<hbm>> -> memref<1x16x125xf32, #tpu.memory_space<hbm>>
        %dma_wait3A_48 = tpu.memref_squeeze %dma_wait3A_47 : memref<1x16x125xf32, #tpu.memory_space<hbm>> -> memref<16x125xf32, #tpu.memory_space<hbm>>
        %dma_wait3A_49 = arith.constant 0 : i32
        %dma_wait3A_50 = arith.constant 0 : i32
        %dma_wait3A_51 = tpu.memref_slice %arg5[%add3A_15, %dma_wait3A_49, %dma_wait3A_50] : memref<160x16x125xf32, #tpu.memory_space<hbm>> -> memref<1x16x125xf32, #tpu.memory_space<hbm>>
        %dma_wait3A_52 = tpu.memref_squeeze %dma_wait3A_51 : memref<1x16x125xf32, #tpu.memory_space<hbm>> -> memref<16x125xf32, #tpu.memory_space<hbm>>
        tpu.wait_dma2 semaphore(%run_scoped3A_36 : memref<!tpu.dma_semaphore, #tpu.memory_space<semaphore_mem>>) src(%dma_wait3A_52 : memref<16x125xf32, #tpu.memory_space<hbm>>) dst(%arg10 : memref<16x125xf32, #tpu.memory_space<vmem>>)
        tpu.yield
      }) : () -> ()
      %dma_start3A = arith.constant 0 : i32
      %dma_start3A_16 = arith.constant 0 : i32
      %dma_start3A_17 = tpu.memref_slice %arg8[%dma_start3A, %dma_start3A_16] : memref<16x125xi32, #tpu.memory_space<vmem>> -> memref<1x125xi32, #tpu.memory_space<vmem>>
      %dma_start3A_18 = tpu.memref_squeeze %dma_start3A_17 : memref<1x125xi32, #tpu.memory_space<vmem>> -> memref<125xi32, #tpu.memory_space<vmem>>
      %dma_start3A_19 = arith.constant 0 : i32
      %dma_start3A_20 = arith.constant 0 : i32
      %dma_start3A_21 = tpu.memref_slice %arg2[%dma_start3A_19, %dma_start3A_20] : memref<90000x128xf32, #tpu.memory_space<hbm>> -> memref<90000x128xf32, #tpu.memory_space<hbm>>
      tpu.enqueue_indirect_dma source(%dma_start3A_21 : memref<90000x128xf32, #tpu.memory_space<hbm>>) target(%arg11 : memref<125x128xf32, #tpu.memory_space<vmem>>) offsets(%dma_start3A_18 : memref<125xi32, #tpu.memory_space<vmem>>) semaphore(%arg13 : memref<!tpu.dma_semaphore, #tpu.memory_space<semaphore_mem>>)
      %scan3A_22 = arith.constant 0 : i32
      %scan3A_23 = arith.constant 0 : i32
      %scan3A_24 = arith.constant 8 : i32
      %scan3A_25 = arith.addi %scan3A_23, %scan3A_24 : i32
      %scan3A_26 = arith.constant 1 : i32
      %scan3A_27 = scf.for %scan3A_36 = %scan3A_23 to %scan3A_25 step %scan3A_26 iter_args(%scan3A_37 = %scan3A_22) -> (i32)  : i32 {
        %mul3A_38 = arith.constant 2 : i32
        %mul3A_39 = arith.muli %scan3A_36, %mul3A_38 : i32
        %add3A_40 = arith.constant 0 : i32
        %add3A_41 = arith.addi %mul3A_39, %add3A_40 : i32
        %dma_wait3A_42 = arith.constant 0 : i32
        %dma_wait3A_43 = tpu.memref_slice %arg8[%add3A_41, %dma_wait3A_42] : memref<16x125xi32, #tpu.memory_space<vmem>> -> memref<1x125xi32, #tpu.memory_space<vmem>>
        %dma_wait3A_44 = tpu.memref_squeeze %dma_wait3A_43 : memref<1x125xi32, #tpu.memory_space<vmem>> -> memref<125xi32, #tpu.memory_space<vmem>>
        %dma_wait3A_45 = arith.constant 0 : i32
        %dma_wait3A_46 = arith.constant 0 : i32
        %dma_wait3A_47 = tpu.memref_slice %arg2[%dma_wait3A_45, %dma_wait3A_46] : memref<90000x128xf32, #tpu.memory_space<hbm>> -> memref<90000x128xf32, #tpu.memory_space<hbm>>
        tpu.wait_indirect_dma semaphore(%arg13 : memref<!tpu.dma_semaphore, #tpu.memory_space<semaphore_mem>>) src(%dma_wait3A_47 : memref<90000x128xf32, #tpu.memory_space<hbm>>) dst(%arg11 : memref<125x128xf32, #tpu.memory_space<vmem>>)
        %ge3A = arith.constant 1 : i32
        %ge3A_48 = arith.cmpi sge, %scan3A_36, %ge3A : i32
        %convert_element_type3A = arith.extui %ge3A_48 : i1 to i32
        %cond3A = arith.constant 0 : i32
        %cond3A_49 = arith.cmpi ne, %convert_element_type3A, %cond3A : i32
        scf.if %cond3A_49 {
          %dma_wait3A_106 = arith.constant 0 : i32
          %dma_wait3A_107 = arith.constant 0 : i32
          %dma_wait3A_108 = tpu.memref_slice %arg9[%dma_wait3A_106, %dma_wait3A_107] : memref<16x125xi32, #tpu.memory_space<vmem>> -> memref<1x125xi32, #tpu.memory_space<vmem>>
          %dma_wait3A_109 = tpu.memref_squeeze %dma_wait3A_108 : memref<1x125xi32, #tpu.memory_space<vmem>> -> memref<125xi32, #tpu.memory_space<vmem>>
          %dma_wait3A_110 = arith.constant 0 : i32
          %dma_wait3A_111 = arith.constant 0 : i32
          %dma_wait3A_112 = tpu.memref_slice %arg17[%dma_wait3A_110, %dma_wait3A_111] : memref<10000x128xf32, #tpu.memory_space<vmem_shared>> -> memref<10000x128xf32, #tpu.memory_space<vmem_shared>>
          tpu.wait_indirect_dma semaphore(%arg16 : memref<!tpu.dma_semaphore, #tpu.memory_space<semaphore_mem>>) src(%arg12 : memref<125x128xf32, #tpu.memory_space<vmem>>) dst(%dma_wait3A_112 : memref<10000x128xf32, #tpu.memory_space<vmem_shared>>)
        } else {
        }
        %add3A_50 = arith.constant 1 : i32
        %add3A_51 = arith.addi %add3A_41, %add3A_50 : i32
        %dma_start3A_52 = arith.constant 0 : i32
        %dma_start3A_53 = tpu.memref_slice %arg8[%add3A_51, %dma_start3A_52] : memref<16x125xi32, #tpu.memory_space<vmem>> -> memref<1x125xi32, #tpu.memory_space<vmem>>
        %dma_start3A_54 = tpu.memref_squeeze %dma_start3A_53 : memref<1x125xi32, #tpu.memory_space<vmem>> -> memref<125xi32, #tpu.memory_space<vmem>>
        %dma_start3A_55 = arith.constant 0 : i32
        %dma_start3A_56 = arith.constant 0 : i32
        %dma_start3A_57 = tpu.memref_slice %arg2[%dma_start3A_55, %dma_start3A_56] : memref<90000x128xf32, #tpu.memory_space<hbm>> -> memref<90000x128xf32, #tpu.memory_space<hbm>>
        tpu.enqueue_indirect_dma source(%dma_start3A_57 : memref<90000x128xf32, #tpu.memory_space<hbm>>) target(%arg12 : memref<125x128xf32, #tpu.memory_space<vmem>>) offsets(%dma_start3A_54 : memref<125xi32, #tpu.memory_space<vmem>>) semaphore(%arg14 : memref<!tpu.dma_semaphore, #tpu.memory_space<semaphore_mem>>)
        %scan3A_58 = arith.constant 0 : i32
        %scan3A_59 = arith.constant 0 : i32
        %scan3A_60 = arith.constant 125 : i32
        %scan3A_61 = arith.addi %scan3A_59, %scan3A_60 : i32
        %scan3A_62 = arith.constant 1 : i32
        %scan3A_63 = scf.for %scan3A_106 = %scan3A_59 to %scan3A_61 step %scan3A_62 iter_args(%scan3A_107 = %scan3A_58) -> (i32)  : i32 {
          %broadcast_in_dim3A = vector.broadcast %add3A_41 : i32 to vector<16xi32>
          %broadcast_in_dim3A_108 = vector.broadcast %scan3A_106 : i32 to vector<16xi32>
          %gather3A = tpu.vector_load_idx %arg10[%broadcast_in_dim3A, %broadcast_in_dim3A_108] : memref<16x125xf32, #tpu.memory_space<vmem>>[vector<16xi32>, vector<16xi32>], vector<16xf32>,
          %get3A = arith.index_cast %scan3A_106 : i32 to index
          %get3A_109 = arith.constant 0 : index
          %get3A_110 = tpu.vector_load %arg11[%get3A, %get3A_109] {strides = array<i32>} : memref<125x128xf32, #tpu.memory_space<vmem>>, vector<16xf32>,
          %mul3A_111 = arith.mulf %get3A_110, %gather3A : vector<16xf32>
          %swap3A = arith.index_cast %scan3A_106 : i32 to index
          %swap3A_112 = arith.constant 0 : index
          %swap3A_113 = tpu.vector_load %arg11[%swap3A, %swap3A_112] {strides = array<i32>} : memref<125x128xf32, #tpu.memory_space<vmem>>, vector<16xf32>,
          tpu.vector_store %arg11[%swap3A, %swap3A_112], %mul3A_111 {strides = array<i32>} : memref<125x128xf32, #tpu.memory_space<vmem>>, vector<16xf32>,
          %get3A_114 = arith.index_cast %scan3A_106 : i32 to index
          %get3A_115 = arith.constant 16 : index
          %get3A_116 = tpu.vector_load %arg11[%get3A_114, %get3A_115] {strides = array<i32>} : memref<125x128xf32, #tpu.memory_space<vmem>>, vector<16xf32>,
          %mul3A_117 = arith.mulf %get3A_116, %gather3A : vector<16xf32>
          %swap3A_118 = arith.index_cast %scan3A_106 : i32 to index
          %swap3A_119 = arith.constant 16 : index
          %swap3A_120 = tpu.vector_load %arg11[%swap3A_118, %swap3A_119] {strides = array<i32>} : memref<125x128xf32, #tpu.memory_space<vmem>>, vector<16xf32>,
          tpu.vector_store %arg11[%swap3A_118, %swap3A_119], %mul3A_117 {strides = array<i32>} : memref<125x128xf32, #tpu.memory_space<vmem>>, vector<16xf32>,
          %get3A_121 = arith.index_cast %scan3A_106 : i32 to index
          %get3A_122 = arith.constant 32 : index
          %get3A_123 = tpu.vector_load %arg11[%get3A_121, %get3A_122] {strides = array<i32>} : memref<125x128xf32, #tpu.memory_space<vmem>>, vector<16xf32>,
          %mul3A_124 = arith.mulf %get3A_123, %gather3A : vector<16xf32>
          %swap3A_125 = arith.index_cast %scan3A_106 : i32 to index
          %swap3A_126 = arith.constant 32 : index
          %swap3A_127 = tpu.vector_load %arg11[%swap3A_125, %swap3A_126] {strides = array<i32>} : memref<125x128xf32, #tpu.memory_space<vmem>>, vector<16xf32>,
          tpu.vector_store %arg11[%swap3A_125, %swap3A_126], %mul3A_124 {strides = array<i32>} : memref<125x128xf32, #tpu.memory_space<vmem>>, vector<16xf32>,
          %get3A_128 = arith.index_cast %scan3A_106 : i32 to index
          %get3A_129 = arith.constant 48 : index
          %get3A_130 = tpu.vector_load %arg11[%get3A_128, %get3A_129] {strides = array<i32>} : memref<125x128xf32, #tpu.memory_space<vmem>>, vector<16xf32>,
          %mul3A_131 = arith.mulf %get3A_130, %gather3A : vector<16xf32>
          %swap3A_132 = arith.index_cast %scan3A_106 : i32 to index
          %swap3A_133 = arith.constant 48 : index
          %swap3A_134 = tpu.vector_load %arg11[%swap3A_132, %swap3A_133] {strides = array<i32>} : memref<125x128xf32, #tpu.memory_space<vmem>>, vector<16xf32>,
          tpu.vector_store %arg11[%swap3A_132, %swap3A_133], %mul3A_131 {strides = array<i32>} : memref<125x128xf32, #tpu.memory_space<vmem>>, vector<16xf32>,
          %get3A_135 = arith.index_cast %scan3A_106 : i32 to index
          %get3A_136 = arith.constant 64 : index
          %get3A_137 = tpu.vector_load %arg11[%get3A_135, %get3A_136] {strides = array<i32>} : memref<125x128xf32, #tpu.memory_space<vmem>>, vector<16xf32>,
          %mul3A_138 = arith.mulf %get3A_137, %gather3A : vector<16xf32>
          %swap3A_139 = arith.index_cast %scan3A_106 : i32 to index
          %swap3A_140 = arith.constant 64 : index
          %swap3A_141 = tpu.vector_load %arg11[%swap3A_139, %swap3A_140] {strides = array<i32>} : memref<125x128xf32, #tpu.memory_space<vmem>>, vector<16xf32>,
          tpu.vector_store %arg11[%swap3A_139, %swap3A_140], %mul3A_138 {strides = array<i32>} : memref<125x128xf32, #tpu.memory_space<vmem>>, vector<16xf32>,
          %get3A_142 = arith.index_cast %scan3A_106 : i32 to index
          %get3A_143 = arith.constant 80 : index
          %get3A_144 = tpu.vector_load %arg11[%get3A_142, %get3A_143] {strides = array<i32>} : memref<125x128xf32, #tpu.memory_space<vmem>>, vector<16xf32>,
          %mul3A_145 = arith.mulf %get3A_144, %gather3A : vector<16xf32>
          %swap3A_146 = arith.index_cast %scan3A_106 : i32 to index
          %swap3A_147 = arith.constant 80 : index
          %swap3A_148 = tpu.vector_load %arg11[%swap3A_146, %swap3A_147] {strides = array<i32>} : memref<125x128xf32, #tpu.memory_space<vmem>>, vector<16xf32>,
          tpu.vector_store %arg11[%swap3A_146, %swap3A_147], %mul3A_145 {strides = array<i32>} : memref<125x128xf32, #tpu.memory_space<vmem>>, vector<16xf32>,
          %get3A_149 = arith.index_cast %scan3A_106 : i32 to index
          %get3A_150 = arith.constant 96 : index
          %get3A_151 = tpu.vector_load %arg11[%get3A_149, %get3A_150] {strides = array<i32>} : memref<125x128xf32, #tpu.memory_space<vmem>>, vector<16xf32>,
          %mul3A_152 = arith.mulf %get3A_151, %gather3A : vector<16xf32>
          %swap3A_153 = arith.index_cast %scan3A_106 : i32 to index
          %swap3A_154 = arith.constant 96 : index
          %swap3A_155 = tpu.vector_load %arg11[%swap3A_153, %swap3A_154] {strides = array<i32>} : memref<125x128xf32, #tpu.memory_space<vmem>>, vector<16xf32>,
          tpu.vector_store %arg11[%swap3A_153, %swap3A_154], %mul3A_152 {strides = array<i32>} : memref<125x128xf32, #tpu.memory_space<vmem>>, vector<16xf32>,
          %get3A_156 = arith.index_cast %scan3A_106 : i32 to index
          %get3A_157 = arith.constant 112 : index
          %get3A_158 = tpu.vector_load %arg11[%get3A_156, %get3A_157] {strides = array<i32>} : memref<125x128xf32, #tpu.memory_space<vmem>>, vector<16xf32>,
          %mul3A_159 = arith.mulf %get3A_158, %gather3A : vector<16xf32>
          %swap3A_160 = arith.index_cast %scan3A_106 : i32 to index
          %swap3A_161 = arith.constant 112 : index
          %swap3A_162 = tpu.vector_load %arg11[%swap3A_160, %swap3A_161] {strides = array<i32>} : memref<125x128xf32, #tpu.memory_space<vmem>>, vector<16xf32>,
          tpu.vector_store %arg11[%swap3A_160, %swap3A_161], %mul3A_159 {strides = array<i32>} : memref<125x128xf32, #tpu.memory_space<vmem>>, vector<16xf32>,
          %scan3A_163 = arith.constant 0 : i32
          scf.yield %scan3A_163 : i32
        }
        %scan3A_64 = arith.constant 125 : i32
        %dma_start3A_65 = arith.constant 0 : i32
        %dma_start3A_66 = tpu.memref_slice %arg9[%add3A_41, %dma_start3A_65] : memref<16x125xi32, #tpu.memory_space<vmem>> -> memref<1x125xi32, #tpu.memory_space<vmem>>
        %dma_start3A_67 = tpu.memref_squeeze %dma_start3A_66 : memref<1x125xi32, #tpu.memory_space<vmem>> -> memref<125xi32, #tpu.memory_space<vmem>>
        %dma_start3A_68 = arith.constant 0 : i32
        %dma_start3A_69 = arith.constant 0 : i32
        %dma_start3A_70 = tpu.memref_slice %arg17[%dma_start3A_68, %dma_start3A_69] : memref<10000x128xf32, #tpu.memory_space<vmem_shared>> -> memref<10000x128xf32, #tpu.memory_space<vmem_shared>>
        tpu.enqueue_indirect_dma source(%arg11 : memref<125x128xf32, #tpu.memory_space<vmem>>) target(%dma_start3A_70 : memref<10000x128xf32, #tpu.memory_space<vmem_shared>>) offsets(%dma_start3A_67 : memref<125xi32, #tpu.memory_space<vmem>>) semaphore(%arg15 : memref<!tpu.dma_semaphore, #tpu.memory_space<semaphore_mem>>) {add = true}
        %mul3A_71 = arith.constant 2 : i32
        %mul3A_72 = arith.muli %scan3A_36, %mul3A_71 : i32
        %add3A_73 = arith.constant 1 : i32
        %add3A_74 = arith.addi %mul3A_72, %add3A_73 : i32
        %dma_wait3A_75 = arith.constant 0 : i32
        %dma_wait3A_76 = tpu.memref_slice %arg8[%add3A_74, %dma_wait3A_75] : memref<16x125xi32, #tpu.memory_space<vmem>> -> memref<1x125xi32, #tpu.memory_space<vmem>>
        %dma_wait3A_77 = tpu.memref_squeeze %dma_wait3A_76 : memref<1x125xi32, #tpu.memory_space<vmem>> -> memref<125xi32, #tpu.memory_space<vmem>>
        %dma_wait3A_78 = arith.constant 0 : i32
        %dma_wait3A_79 = arith.constant 0 : i32
        %dma_wait3A_80 = tpu.memref_slice %arg2[%dma_wait3A_78, %dma_wait3A_79] : memref<90000x128xf32, #tpu.memory_space<hbm>> -> memref<90000x128xf32, #tpu.memory_space<hbm>>
        tpu.wait_indirect_dma semaphore(%arg14 : memref<!tpu.dma_semaphore, #tpu.memory_space<semaphore_mem>>) src(%dma_wait3A_80 : memref<90000x128xf32, #tpu.memory_space<hbm>>) dst(%arg12 : memref<125x128xf32, #tpu.memory_space<vmem>>)
        %dma_wait3A_81 = arith.constant 0 : i32
        %dma_wait3A_82 = arith.constant 0 : i32
        %dma_wait3A_83 = tpu.memref_slice %arg9[%dma_wait3A_81, %dma_wait3A_82] : memref<16x125xi32, #tpu.memory_space<vmem>> -> memref<1x125xi32, #tpu.memory_space<vmem>>
        %dma_wait3A_84 = tpu.memref_squeeze %dma_wait3A_83 : memref<1x125xi32, #tpu.memory_space<vmem>> -> memref<125xi32, #tpu.memory_space<vmem>>
        %dma_wait3A_85 = arith.constant 0 : i32
        %dma_wait3A_86 = arith.constant 0 : i32
        %dma_wait3A_87 = tpu.memref_slice %arg17[%dma_wait3A_85, %dma_wait3A_86] : memref<10000x128xf32, #tpu.memory_space<vmem_shared>> -> memref<10000x128xf32, #tpu.memory_space<vmem_shared>>
        tpu.wait_indirect_dma semaphore(%arg15 : memref<!tpu.dma_semaphore, #tpu.memory_space<semaphore_mem>>) src(%arg11 : memref<125x128xf32, #tpu.memory_space<vmem>>) dst(%dma_wait3A_87 : memref<10000x128xf32, #tpu.memory_space<vmem_shared>>)
        %lt3A = arith.constant 7 : i32
        %lt3A_88 = arith.cmpi slt, %scan3A_36, %lt3A : i32
        %convert_element_type3A_89 = arith.extui %lt3A_88 : i1 to i32
        %cond3A_90 = arith.constant 0 : i32
        %cond3A_91 = arith.cmpi ne, %convert_element_type3A_89, %cond3A_90 : i32
        scf.if %cond3A_91 {
          %add3A_106 = arith.constant 1 : i32
          %add3A_107 = arith.addi %add3A_74, %add3A_106 : i32
          %dma_start3A_108 = arith.constant 0 : i32
          %dma_start3A_109 = tpu.memref_slice %arg8[%add3A_107, %dma_start3A_108] : memref<16x125xi32, #tpu.memory_space<vmem>> -> memref<1x125xi32, #tpu.memory_space<vmem>>
          %dma_start3A_110 = tpu.memref_squeeze %dma_start3A_109 : memref<1x125xi32, #tpu.memory_space<vmem>> -> memref<125xi32, #tpu.memory_space<vmem>>
          %dma_start3A_111 = arith.constant 0 : i32
          %dma_start3A_112 = arith.constant 0 : i32
          %dma_start3A_113 = tpu.memref_slice %arg2[%dma_start3A_111, %dma_start3A_112] : memref<90000x128xf32, #tpu.memory_space<hbm>> -> memref<90000x128xf32, #tpu.memory_space<hbm>>
          tpu.enqueue_indirect_dma source(%dma_start3A_113 : memref<90000x128xf32, #tpu.memory_space<hbm>>) target(%arg11 : memref<125x128xf32, #tpu.memory_space<vmem>>) offsets(%dma_start3A_110 : memref<125xi32, #tpu.memory_space<vmem>>) semaphore(%arg13 : memref<!tpu.dma_semaphore, #tpu.memory_space<semaphore_mem>>)
        } else {
        }
        %scan3A_92 = arith.constant 0 : i32
        %scan3A_93 = arith.constant 0 : i32
        %scan3A_94 = arith.constant 125 : i32
        %scan3A_95 = arith.addi %scan3A_93, %scan3A_94 : i32
        %scan3A_96 = arith.constant 1 : i32
        %scan3A_97 = scf.for %scan3A_106 = %scan3A_93 to %scan3A_95 step %scan3A_96 iter_args(%scan3A_107 = %scan3A_92) -> (i32)  : i32 {
          %broadcast_in_dim3A = vector.broadcast %add3A_74 : i32 to vector<16xi32>
          %broadcast_in_dim3A_108 = vector.broadcast %scan3A_106 : i32 to vector<16xi32>
          %gather3A = tpu.vector_load_idx %arg10[%broadcast_in_dim3A, %broadcast_in_dim3A_108] : memref<16x125xf32, #tpu.memory_space<vmem>>[vector<16xi32>, vector<16xi32>], vector<16xf32>,
          %get3A = arith.index_cast %scan3A_106 : i32 to index
          %get3A_109 = arith.constant 0 : index
          %get3A_110 = tpu.vector_load %arg12[%get3A, %get3A_109] {strides = array<i32>} : memref<125x128xf32, #tpu.memory_space<vmem>>, vector<16xf32>,
          %mul3A_111 = arith.mulf %get3A_110, %gather3A : vector<16xf32>
          %swap3A = arith.index_cast %scan3A_106 : i32 to index
          %swap3A_112 = arith.constant 0 : index
          %swap3A_113 = tpu.vector_load %arg12[%swap3A, %swap3A_112] {strides = array<i32>} : memref<125x128xf32, #tpu.memory_space<vmem>>, vector<16xf32>,
          tpu.vector_store %arg12[%swap3A, %swap3A_112], %mul3A_111 {strides = array<i32>} : memref<125x128xf32, #tpu.memory_space<vmem>>, vector<16xf32>,
          %get3A_114 = arith.index_cast %scan3A_106 : i32 to index
          %get3A_115 = arith.constant 16 : index
          %get3A_116 = tpu.vector_load %arg12[%get3A_114, %get3A_115] {strides = array<i32>} : memref<125x128xf32, #tpu.memory_space<vmem>>, vector<16xf32>,
          %mul3A_117 = arith.mulf %get3A_116, %gather3A : vector<16xf32>
          %swap3A_118 = arith.index_cast %scan3A_106 : i32 to index
          %swap3A_119 = arith.constant 16 : index
          %swap3A_120 = tpu.vector_load %arg12[%swap3A_118, %swap3A_119] {strides = array<i32>} : memref<125x128xf32, #tpu.memory_space<vmem>>, vector<16xf32>,
          tpu.vector_store %arg12[%swap3A_118, %swap3A_119], %mul3A_117 {strides = array<i32>} : memref<125x128xf32, #tpu.memory_space<vmem>>, vector<16xf32>,
          %get3A_121 = arith.index_cast %scan3A_106 : i32 to index
          %get3A_122 = arith.constant 32 : index
          %get3A_123 = tpu.vector_load %arg12[%get3A_121, %get3A_122] {strides = array<i32>} : memref<125x128xf32, #tpu.memory_space<vmem>>, vector<16xf32>,
          %mul3A_124 = arith.mulf %get3A_123, %gather3A : vector<16xf32>
          %swap3A_125 = arith.index_cast %scan3A_106 : i32 to index
          %swap3A_126 = arith.constant 32 : index
          %swap3A_127 = tpu.vector_load %arg12[%swap3A_125, %swap3A_126] {strides = array<i32>} : memref<125x128xf32, #tpu.memory_space<vmem>>, vector<16xf32>,
          tpu.vector_store %arg12[%swap3A_125, %swap3A_126], %mul3A_124 {strides = array<i32>} : memref<125x128xf32, #tpu.memory_space<vmem>>, vector<16xf32>,
          %get3A_128 = arith.index_cast %scan3A_106 : i32 to index
          %get3A_129 = arith.constant 48 : index
          %get3A_130 = tpu.vector_load %arg12[%get3A_128, %get3A_129] {strides = array<i32>} : memref<125x128xf32, #tpu.memory_space<vmem>>, vector<16xf32>,
          %mul3A_131 = arith.mulf %get3A_130, %gather3A : vector<16xf32>
          %swap3A_132 = arith.index_cast %scan3A_106 : i32 to index
          %swap3A_133 = arith.constant 48 : index
          %swap3A_134 = tpu.vector_load %arg12[%swap3A_132, %swap3A_133] {strides = array<i32>} : memref<125x128xf32, #tpu.memory_space<vmem>>, vector<16xf32>,
          tpu.vector_store %arg12[%swap3A_132, %swap3A_133], %mul3A_131 {strides = array<i32>} : memref<125x128xf32, #tpu.memory_space<vmem>>, vector<16xf32>,
          %get3A_135 = arith.index_cast %scan3A_106 : i32 to index
          %get3A_136 = arith.constant 64 : index
          %get3A_137 = tpu.vector_load %arg12[%get3A_135, %get3A_136] {strides = array<i32>} : memref<125x128xf32, #tpu.memory_space<vmem>>, vector<16xf32>,
          %mul3A_138 = arith.mulf %get3A_137, %gather3A : vector<16xf32>
          %swap3A_139 = arith.index_cast %scan3A_106 : i32 to index
          %swap3A_140 = arith.constant 64 : index
          %swap3A_141 = tpu.vector_load %arg12[%swap3A_139, %swap3A_140] {strides = array<i32>} : memref<125x128xf32, #tpu.memory_space<vmem>>, vector<16xf32>,
          tpu.vector_store %arg12[%swap3A_139, %swap3A_140], %mul3A_138 {strides = array<i32>} : memref<125x128xf32, #tpu.memory_space<vmem>>, vector<16xf32>,
          %get3A_142 = arith.index_cast %scan3A_106 : i32 to index
          %get3A_143 = arith.constant 80 : index
          %get3A_144 = tpu.vector_load %arg12[%get3A_142, %get3A_143] {strides = array<i32>} : memref<125x128xf32, #tpu.memory_space<vmem>>, vector<16xf32>,
          %mul3A_145 = arith.mulf %get3A_144, %gather3A : vector<16xf32>
          %swap3A_146 = arith.index_cast %scan3A_106 : i32 to index
          %swap3A_147 = arith.constant 80 : index
          %swap3A_148 = tpu.vector_load %arg12[%swap3A_146, %swap3A_147] {strides = array<i32>} : memref<125x128xf32, #tpu.memory_space<vmem>>, vector<16xf32>,
          tpu.vector_store %arg12[%swap3A_146, %swap3A_147], %mul3A_145 {strides = array<i32>} : memref<125x128xf32, #tpu.memory_space<vmem>>, vector<16xf32>,
          %get3A_149 = arith.index_cast %scan3A_106 : i32 to index
          %get3A_150 = arith.constant 96 : index
          %get3A_151 = tpu.vector_load %arg12[%get3A_149, %get3A_150] {strides = array<i32>} : memref<125x128xf32, #tpu.memory_space<vmem>>, vector<16xf32>,
          %mul3A_152 = arith.mulf %get3A_151, %gather3A : vector<16xf32>
          %swap3A_153 = arith.index_cast %scan3A_106 : i32 to index
          %swap3A_154 = arith.constant 96 : index
          %swap3A_155 = tpu.vector_load %arg12[%swap3A_153, %swap3A_154] {strides = array<i32>} : memref<125x128xf32, #tpu.memory_space<vmem>>, vector<16xf32>,
          tpu.vector_store %arg12[%swap3A_153, %swap3A_154], %mul3A_152 {strides = array<i32>} : memref<125x128xf32, #tpu.memory_space<vmem>>, vector<16xf32>,
          %get3A_156 = arith.index_cast %scan3A_106 : i32 to index
          %get3A_157 = arith.constant 112 : index
          %get3A_158 = tpu.vector_load %arg12[%get3A_156, %get3A_157] {strides = array<i32>} : memref<125x128xf32, #tpu.memory_space<vmem>>, vector<16xf32>,
          %mul3A_159 = arith.mulf %get3A_158, %gather3A : vector<16xf32>
          %swap3A_160 = arith.index_cast %scan3A_106 : i32 to index
          %swap3A_161 = arith.constant 112 : index
          %swap3A_162 = tpu.vector_load %arg12[%swap3A_160, %swap3A_161] {strides = array<i32>} : memref<125x128xf32, #tpu.memory_space<vmem>>, vector<16xf32>,
          tpu.vector_store %arg12[%swap3A_160, %swap3A_161], %mul3A_159 {strides = array<i32>} : memref<125x128xf32, #tpu.memory_space<vmem>>, vector<16xf32>,
          %scan3A_163 = arith.constant 0 : i32
          scf.yield %scan3A_163 : i32
        }
        %scan3A_98 = arith.constant 125 : i32
        %dma_start3A_99 = arith.constant 0 : i32
        %dma_start3A_100 = tpu.memref_slice %arg9[%add3A_74, %dma_start3A_99] : memref<16x125xi32, #tpu.memory_space<vmem>> -> memref<1x125xi32, #tpu.memory_space<vmem>>
        %dma_start3A_101 = tpu.memref_squeeze %dma_start3A_100 : memref<1x125xi32, #tpu.memory_space<vmem>> -> memref<125xi32, #tpu.memory_space<vmem>>
        %dma_start3A_102 = arith.constant 0 : i32
        %dma_start3A_103 = arith.constant 0 : i32
        %dma_start3A_104 = tpu.memref_slice %arg17[%dma_start3A_102, %dma_start3A_103] : memref<10000x128xf32, #tpu.memory_space<vmem_shared>> -> memref<10000x128xf32, #tpu.memory_space<vmem_shared>>
        tpu.enqueue_indirect_dma source(%arg12 : memref<125x128xf32, #tpu.memory_space<vmem>>) target(%dma_start3A_104 : memref<10000x128xf32, #tpu.memory_space<vmem_shared>>) offsets(%dma_start3A_101 : memref<125xi32, #tpu.memory_space<vmem>>) semaphore(%arg16 : memref<!tpu.dma_semaphore, #tpu.memory_space<semaphore_mem>>) {add = true}
        %scan3A_105 = arith.constant 0 : i32
        scf.yield %scan3A_105 : i32
      }
      %scan3A_28 = arith.constant 8 : i32
      %dma_wait3A = arith.constant 0 : i32
      %dma_wait3A_29 = arith.constant 0 : i32
      %dma_wait3A_30 = tpu.memref_slice %arg9[%dma_wait3A, %dma_wait3A_29] : memref<16x125xi32, #tpu.memory_space<vmem>> -> memref<1x125xi32, #tpu.memory_space<vmem>>
      %dma_wait3A_31 = tpu.memref_squeeze %dma_wait3A_30 : memref<1x125xi32, #tpu.memory_space<vmem>> -> memref<125xi32, #tpu.memory_space<vmem>>
      %dma_wait3A_32 = arith.constant 0 : i32
      %dma_wait3A_33 = arith.constant 0 : i32
      %dma_wait3A_34 = tpu.memref_slice %arg17[%dma_wait3A_32, %dma_wait3A_33] : memref<10000x128xf32, #tpu.memory_space<vmem_shared>> -> memref<10000x128xf32, #tpu.memory_space<vmem_shared>>
      tpu.wait_indirect_dma semaphore(%arg16 : memref<!tpu.dma_semaphore, #tpu.memory_space<semaphore_mem>>) src(%arg12 : memref<125x128xf32, #tpu.memory_space<vmem>>) dst(%dma_wait3A_34 : memref<10000x128xf32, #tpu.memory_space<vmem_shared>>)
      %scan3A_35 = arith.constant 0 : i32
      scf.yield %scan3A_35 : i32
    }
    %scan3A_9 = arith.constant 5 : i32
    %barrier3A_10 = arith.constant 0 : index
    tpu.barrier barrier_id(%barrier3A_10)
    "tpu.region"() ({
      %run_scoped3A = tpu.sem_alloc : memref<!tpu.dma_semaphore, #tpu.memory_space<semaphore_mem>>
      %dma_start3A = arith.constant 0 : i32
      %dma_start3A_11 = tpu.memref_slice %arg7[%arg0, %min3A_3, %dma_start3A] : memref<2x10000x128xf32, #tpu.memory_space<hbm>> -> memref<1x640x128xf32, #tpu.memory_space<hbm>>
      %dma_start3A_12 = tpu.memref_squeeze %dma_start3A_11 : memref<1x640x128xf32, #tpu.memory_space<hbm>> -> memref<640x128xf32, #tpu.memory_space<hbm>>
      %dma_start3A_13 = arith.constant 0 : i32
      %dma_start3A_14 = tpu.memref_slice %arg17[%min3A_3, %dma_start3A_13] : memref<10000x128xf32, #tpu.memory_space<vmem_shared>> -> memref<640x128xf32, #tpu.memory_space<vmem_shared>>
      tpu.enqueue_dma source(%dma_start3A_14 : memref<640x128xf32, #tpu.memory_space<vmem_shared>>) target(%dma_start3A_12 : memref<640x128xf32, #tpu.memory_space<hbm>>) target_semaphore(%run_scoped3A : memref<!tpu.dma_semaphore, #tpu.memory_space<semaphore_mem>>)
      %dma_wait3A = arith.constant 0 : i32
      %dma_wait3A_15 = tpu.memref_slice %arg7[%arg0, %min3A_3, %dma_wait3A] : memref<2x10000x128xf32, #tpu.memory_space<hbm>> -> memref<1x640x128xf32, #tpu.memory_space<hbm>>
      %dma_wait3A_16 = tpu.memref_squeeze %dma_wait3A_15 : memref<1x640x128xf32, #tpu.memory_space<hbm>> -> memref<640x128xf32, #tpu.memory_space<hbm>>
      %dma_wait3A_17 = arith.constant 0 : i32
      %dma_wait3A_18 = tpu.memref_slice %arg17[%min3A_3, %dma_wait3A_17] : memref<10000x128xf32, #tpu.memory_space<vmem_shared>> -> memref<640x128xf32, #tpu.memory_space<vmem_shared>>
      tpu.wait_dma2 semaphore(%run_scoped3A : memref<!tpu.dma_semaphore, #tpu.memory_space<semaphore_mem>>) src(%dma_wait3A_18 : memref<640x128xf32, #tpu.memory_space<vmem_shared>>) dst(%dma_wait3A_16 : memref<640x128xf32, #tpu.memory_space<hbm>>)
      tpu.yield
    }) : () -> ()
    return
  }
}

#map = affine_map<(d0, d1) -> (0, 0, 0, 0)>
#map1 = affine_map<(d0, d1) -> (0, 0, 0)>
#map2 = affine_map<(d0, d1) -> (0)>
module attributes {stable_mosaic.version = 14 : i64} {
  func.func @_sc_prep_body(%arg0: i32, %arg1: i32, %arg2: memref<2x160x25x80xi32, #tpu.memory_space<hbm>>, %arg3: memref<160x25x80xi32, #tpu.memory_space<hbm>>, %arg4: memref<80000xf32, #tpu.memory_space<hbm>>, %arg5: memref<160x25x80xi32, #tpu.memory_space<hbm>>, %arg6: memref<160x25x80xf32, #tpu.memory_space<hbm>>, %arg7: memref<25x80xi32, #tpu.memory_space<vmem>>, %arg8: memref<25x80xi32, #tpu.memory_space<vmem>>, %arg9: memref<25x80xi32, #tpu.memory_space<vmem>>, %arg10: memref<25x80xi32, #tpu.memory_space<vmem>>, %arg11: memref<25x80xi32, #tpu.memory_space<vmem>>, %arg12: memref<80xf32, #tpu.memory_space<vmem>>, %arg13: memref<25x80xf32, #tpu.memory_space<vmem>>, %arg14: memref<80000xf32, #tpu.memory_space<vmem>>, %arg15: memref<!tpu.dma_semaphore, #tpu.memory_space<semaphore_mem>>, %arg16: memref<80000xf32, #tpu.memory_space<vmem_shared>>) attributes {dimension_semantics = [#tpu.dimension_semantics<core_parallel>, #tpu.dimension_semantics<subcore_parallel>], iteration_bounds = array<i64: 2, 16>, scalar_prefetch = 0 : i64, scratch_operands = 10 : i64, tpu.core_type = #tpu.core_type<sc_vector_subcore>, window_params = [{transform_indices = #map}, {transform_indices = #map1}, {transform_indices = #map2}, {transform_indices = #map1}, {transform_indices = #map1}]} {
    %mul3A = arith.constant 16 : i32
    %mul3A_0 = arith.muli %arg0, %mul3A : i32
    %add3A = arith.addi %mul3A_0, %arg1 : i32
    %mul3A_1 = arith.constant 5120 : i32
    %mul3A_2 = arith.muli %arg1, %mul3A_1 : i32
    %min3A = arith.constant 74880 : i32
    %min3A_3 = arith.minsi %mul3A_2, %min3A : i32
    "tpu.region"() ({
      %run_scoped3A = tpu.sem_alloc : memref<!tpu.dma_semaphore, #tpu.memory_space<semaphore_mem>>
      %dma_start3A = tpu.memref_slice %arg16[%min3A_3] : memref<80000xf32, #tpu.memory_space<vmem_shared>> -> memref<5120xf32, #tpu.memory_space<vmem_shared>>
      %dma_start3A_25 = tpu.memref_slice %arg4[%min3A_3] : memref<80000xf32, #tpu.memory_space<hbm>> -> memref<5120xf32, #tpu.memory_space<hbm>>
      tpu.enqueue_dma source(%dma_start3A_25 : memref<5120xf32, #tpu.memory_space<hbm>>) target(%dma_start3A : memref<5120xf32, #tpu.memory_space<vmem_shared>>) target_semaphore(%run_scoped3A : memref<!tpu.dma_semaphore, #tpu.memory_space<semaphore_mem>>)
      %dma_wait3A = tpu.memref_slice %arg16[%min3A_3] : memref<80000xf32, #tpu.memory_space<vmem_shared>> -> memref<5120xf32, #tpu.memory_space<vmem_shared>>
      %dma_wait3A_26 = tpu.memref_slice %arg4[%min3A_3] : memref<80000xf32, #tpu.memory_space<hbm>> -> memref<5120xf32, #tpu.memory_space<hbm>>
      tpu.wait_dma2 semaphore(%run_scoped3A : memref<!tpu.dma_semaphore, #tpu.memory_space<semaphore_mem>>) src(%dma_wait3A_26 : memref<5120xf32, #tpu.memory_space<hbm>>) dst(%dma_wait3A : memref<5120xf32, #tpu.memory_space<vmem_shared>>)
      tpu.yield
    }) : () -> ()
    %scan3A = arith.constant 0 : i32
    %scan3A_4 = arith.constant 0 : i32
    %scan3A_5 = arith.constant 5 : i32
    %scan3A_6 = arith.addi %scan3A_4, %scan3A_5 : i32
    %scan3A_7 = arith.constant 1 : i32
    %scan3A_8 = scf.for %scan3A_25 = %scan3A_4 to %scan3A_6 step %scan3A_7 iter_args(%scan3A_26 = %scan3A) -> (i32)  : i32 {
      %broadcast_in_dim3A = arith.constant 1.000000e+00 : f32
      %broadcast_in_dim3A_27 = vector.broadcast %broadcast_in_dim3A : f32 to vector<16xf32>
      %mul3A_28 = arith.constant 16 : i32
      %mul3A_29 = arith.muli %scan3A_25, %mul3A_28 : i32
      %swap3A = arith.index_cast %mul3A_29 : i32 to index
      %swap3A_30 = tpu.vector_load %arg12[%swap3A] {strides = array<i32>} : memref<80xf32, #tpu.memory_space<vmem>>, vector<16xf32>,
      tpu.vector_store %arg12[%swap3A], %broadcast_in_dim3A_27 {strides = array<i32>} : memref<80xf32, #tpu.memory_space<vmem>>, vector<16xf32>,
      %scan3A_31 = arith.constant 0 : i32
      scf.yield %scan3A_31 : i32
    }
    %scan3A_9 = arith.constant 5 : i32
    %barrier3A = arith.constant 0 : index
    tpu.barrier barrier_id(%barrier3A)
    %scan3A_10 = arith.constant 0 : i32
    %scan3A_11 = arith.constant 0 : i32
    %scan3A_12 = arith.constant 10 : i32
    %scan3A_13 = arith.addi %scan3A_11, %scan3A_12 : i32
    %scan3A_14 = arith.constant 1 : i32
    %scan3A_15 = scf.for %scan3A_25 = %scan3A_11 to %scan3A_13 step %scan3A_14 iter_args(%scan3A_26 = %scan3A_10) -> (i32)  : i32 {
      %mul3A_27 = arith.constant 10 : i32
      %mul3A_28 = arith.muli %arg1, %mul3A_27 : i32
      %add3A_29 = arith.addi %mul3A_28, %scan3A_25 : i32
      %run_scoped3A = arith.constant 0 : i32
      "tpu.region"() ({
        %run_scoped3A_339 = tpu.sem_alloc : memref<!tpu.dma_semaphore, #tpu.memory_space<semaphore_mem>>
        %dma_start3A_340 = arith.constant 0 : i32
        %dma_start3A_341 = arith.constant 0 : i32
        %dma_start3A_342 = tpu.memref_slice %arg2[%run_scoped3A, %add3A_29, %dma_start3A_340, %dma_start3A_341] : memref<2x160x25x80xi32, #tpu.memory_space<hbm>> -> memref<1x1x25x80xi32, #tpu.memory_space<hbm>>
        %dma_start3A_343 = tpu.memref_squeeze %dma_start3A_342 : memref<1x1x25x80xi32, #tpu.memory_space<hbm>> -> memref<25x80xi32, #tpu.memory_space<hbm>>
        %dma_start3A_344 = arith.constant 0 : i32
        %dma_start3A_345 = arith.constant 0 : i32
        %dma_start3A_346 = tpu.memref_slice %arg2[%run_scoped3A, %add3A_29, %dma_start3A_344, %dma_start3A_345] : memref<2x160x25x80xi32, #tpu.memory_space<hbm>> -> memref<1x1x25x80xi32, #tpu.memory_space<hbm>>
        %dma_start3A_347 = tpu.memref_squeeze %dma_start3A_346 : memref<1x1x25x80xi32, #tpu.memory_space<hbm>> -> memref<25x80xi32, #tpu.memory_space<hbm>>
        tpu.enqueue_dma source(%dma_start3A_347 : memref<25x80xi32, #tpu.memory_space<hbm>>) target(%arg7 : memref<25x80xi32, #tpu.memory_space<vmem>>) target_semaphore(%run_scoped3A_339 : memref<!tpu.dma_semaphore, #tpu.memory_space<semaphore_mem>>)
        %dma_wait3A_348 = arith.constant 0 : i32
        %dma_wait3A_349 = arith.constant 0 : i32
        %dma_wait3A_350 = tpu.memref_slice %arg2[%run_scoped3A, %add3A_29, %dma_wait3A_348, %dma_wait3A_349] : memref<2x160x25x80xi32, #tpu.memory_space<hbm>> -> memref<1x1x25x80xi32, #tpu.memory_space<hbm>>
        %dma_wait3A_351 = tpu.memref_squeeze %dma_wait3A_350 : memref<1x1x25x80xi32, #tpu.memory_space<hbm>> -> memref<25x80xi32, #tpu.memory_space<hbm>>
        %dma_wait3A_352 = arith.constant 0 : i32
        %dma_wait3A_353 = arith.constant 0 : i32
        %dma_wait3A_354 = tpu.memref_slice %arg2[%run_scoped3A, %add3A_29, %dma_wait3A_352, %dma_wait3A_353] : memref<2x160x25x80xi32, #tpu.memory_space<hbm>> -> memref<1x1x25x80xi32, #tpu.memory_space<hbm>>
        %dma_wait3A_355 = tpu.memref_squeeze %dma_wait3A_354 : memref<1x1x25x80xi32, #tpu.memory_space<hbm>> -> memref<25x80xi32, #tpu.memory_space<hbm>>
        tpu.wait_dma2 semaphore(%run_scoped3A_339 : memref<!tpu.dma_semaphore, #tpu.memory_space<semaphore_mem>>) src(%dma_wait3A_355 : memref<25x80xi32, #tpu.memory_space<hbm>>) dst(%arg7 : memref<25x80xi32, #tpu.memory_space<vmem>>)
        tpu.yield
      }) : () -> ()
      %run_scoped3A_30 = arith.constant 1 : i32
      "tpu.region"() ({
        %run_scoped3A_339 = tpu.sem_alloc : memref<!tpu.dma_semaphore, #tpu.memory_space<semaphore_mem>>
        %dma_start3A_340 = arith.constant 0 : i32
        %dma_start3A_341 = arith.constant 0 : i32
        %dma_start3A_342 = tpu.memref_slice %arg2[%run_scoped3A_30, %add3A_29, %dma_start3A_340, %dma_start3A_341] : memref<2x160x25x80xi32, #tpu.memory_space<hbm>> -> memref<1x1x25x80xi32, #tpu.memory_space<hbm>>
        %dma_start3A_343 = tpu.memref_squeeze %dma_start3A_342 : memref<1x1x25x80xi32, #tpu.memory_space<hbm>> -> memref<25x80xi32, #tpu.memory_space<hbm>>
        %dma_start3A_344 = arith.constant 0 : i32
        %dma_start3A_345 = arith.constant 0 : i32
        %dma_start3A_346 = tpu.memref_slice %arg2[%run_scoped3A_30, %add3A_29, %dma_start3A_344, %dma_start3A_345] : memref<2x160x25x80xi32, #tpu.memory_space<hbm>> -> memref<1x1x25x80xi32, #tpu.memory_space<hbm>>
        %dma_start3A_347 = tpu.memref_squeeze %dma_start3A_346 : memref<1x1x25x80xi32, #tpu.memory_space<hbm>> -> memref<25x80xi32, #tpu.memory_space<hbm>>
        tpu.enqueue_dma source(%dma_start3A_347 : memref<25x80xi32, #tpu.memory_space<hbm>>) target(%arg8 : memref<25x80xi32, #tpu.memory_space<vmem>>) target_semaphore(%run_scoped3A_339 : memref<!tpu.dma_semaphore, #tpu.memory_space<semaphore_mem>>)
        %dma_wait3A_348 = arith.constant 0 : i32
        %dma_wait3A_349 = arith.constant 0 : i32
        %dma_wait3A_350 = tpu.memref_slice %arg2[%run_scoped3A_30, %add3A_29, %dma_wait3A_348, %dma_wait3A_349] : memref<2x160x25x80xi32, #tpu.memory_space<hbm>> -> memref<1x1x25x80xi32, #tpu.memory_space<hbm>>
        %dma_wait3A_351 = tpu.memref_squeeze %dma_wait3A_350 : memref<1x1x25x80xi32, #tpu.memory_space<hbm>> -> memref<25x80xi32, #tpu.memory_space<hbm>>
        %dma_wait3A_352 = arith.constant 0 : i32
        %dma_wait3A_353 = arith.constant 0 : i32
        %dma_wait3A_354 = tpu.memref_slice %arg2[%run_scoped3A_30, %add3A_29, %dma_wait3A_352, %dma_wait3A_353] : memref<2x160x25x80xi32, #tpu.memory_space<hbm>> -> memref<1x1x25x80xi32, #tpu.memory_space<hbm>>
        %dma_wait3A_355 = tpu.memref_squeeze %dma_wait3A_354 : memref<1x1x25x80xi32, #tpu.memory_space<hbm>> -> memref<25x80xi32, #tpu.memory_space<hbm>>
        tpu.wait_dma2 semaphore(%run_scoped3A_339 : memref<!tpu.dma_semaphore, #tpu.memory_space<semaphore_mem>>) src(%dma_wait3A_355 : memref<25x80xi32, #tpu.memory_space<hbm>>) dst(%arg8 : memref<25x80xi32, #tpu.memory_space<vmem>>)
        tpu.yield
      }) : () -> ()
      "tpu.region"() ({
        %run_scoped3A_339 = tpu.sem_alloc : memref<!tpu.dma_semaphore, #tpu.memory_space<semaphore_mem>>
        %dma_start3A_340 = arith.constant 0 : i32
        %dma_start3A_341 = arith.constant 0 : i32
        %dma_start3A_342 = tpu.memref_slice %arg3[%add3A_29, %dma_start3A_340, %dma_start3A_341] : memref<160x25x80xi32, #tpu.memory_space<hbm>> -> memref<1x25x80xi32, #tpu.memory_space<hbm>>
        %dma_start3A_343 = tpu.memref_squeeze %dma_start3A_342 : memref<1x25x80xi32, #tpu.memory_space<hbm>> -> memref<25x80xi32, #tpu.memory_space<hbm>>
        %dma_start3A_344 = arith.constant 0 : i32
        %dma_start3A_345 = arith.constant 0 : i32
        %dma_start3A_346 = tpu.memref_slice %arg3[%add3A_29, %dma_start3A_344, %dma_start3A_345] : memref<160x25x80xi32, #tpu.memory_space<hbm>> -> memref<1x25x80xi32, #tpu.memory_space<hbm>>
        %dma_start3A_347 = tpu.memref_squeeze %dma_start3A_346 : memref<1x25x80xi32, #tpu.memory_space<hbm>> -> memref<25x80xi32, #tpu.memory_space<hbm>>
        tpu.enqueue_dma source(%dma_start3A_347 : memref<25x80xi32, #tpu.memory_space<hbm>>) target(%arg9 : memref<25x80xi32, #tpu.memory_space<vmem>>) target_semaphore(%run_scoped3A_339 : memref<!tpu.dma_semaphore, #tpu.memory_space<semaphore_mem>>)
        %dma_wait3A_348 = arith.constant 0 : i32
        %dma_wait3A_349 = arith.constant 0 : i32
        %dma_wait3A_350 = tpu.memref_slice %arg3[%add3A_29, %dma_wait3A_348, %dma_wait3A_349] : memref<160x25x80xi32, #tpu.memory_space<hbm>> -> memref<1x25x80xi32, #tpu.memory_space<hbm>>
        %dma_wait3A_351 = tpu.memref_squeeze %dma_wait3A_350 : memref<1x25x80xi32, #tpu.memory_space<hbm>> -> memref<25x80xi32, #tpu.memory_space<hbm>>
        %dma_wait3A_352 = arith.constant 0 : i32
        %dma_wait3A_353 = arith.constant 0 : i32
        %dma_wait3A_354 = tpu.memref_slice %arg3[%add3A_29, %dma_wait3A_352, %dma_wait3A_353] : memref<160x25x80xi32, #tpu.memory_space<hbm>> -> memref<1x25x80xi32, #tpu.memory_space<hbm>>
        %dma_wait3A_355 = tpu.memref_squeeze %dma_wait3A_354 : memref<1x25x80xi32, #tpu.memory_space<hbm>> -> memref<25x80xi32, #tpu.memory_space<hbm>>
        tpu.wait_dma2 semaphore(%run_scoped3A_339 : memref<!tpu.dma_semaphore, #tpu.memory_space<semaphore_mem>>) src(%dma_wait3A_355 : memref<25x80xi32, #tpu.memory_space<hbm>>) dst(%arg9 : memref<25x80xi32, #tpu.memory_space<vmem>>)
        tpu.yield
      }) : () -> ()
      %scan3A_31 = arith.constant 0 : i32
      %scan3A_32 = arith.constant 0 : i32
      %scan3A_33 = arith.constant 25 : i32
      %scan3A_34 = arith.addi %scan3A_32, %scan3A_33 : i32
      %scan3A_35 = arith.constant 1 : i32
      %scan3A_36 = scf.for %scan3A_339 = %scan3A_32 to %scan3A_34 step %scan3A_35 iter_args(%scan3A_340 = %scan3A_31) -> (i32)  : i32 {
        %get3A = arith.index_cast %scan3A_339 : i32 to index
        %get3A_341 = arith.constant 0 : index
        %get3A_342 = tpu.vector_load %arg9[%get3A, %get3A_341] {strides = array<i32>} : memref<25x80xi32, #tpu.memory_space<vmem>>, vector<16xi32>,
        %mul3A_343 = arith.constant 10000 : i32
        %mul3A_344 = vector.broadcast %mul3A_343 : i32 to vector<16xi32>
        %mul3A_345 = arith.muli %get3A_342, %mul3A_344 : vector<16xi32>
        %get3A_346 = arith.index_cast %scan3A_339 : i32 to index
        %get3A_347 = arith.constant 0 : index
        %get3A_348 = tpu.vector_load %arg7[%get3A_346, %get3A_347] {strides = array<i32>} : memref<25x80xi32, #tpu.memory_space<vmem>>, vector<16xi32>,
        %add3A_349 = arith.addi %mul3A_345, %get3A_348 : vector<16xi32>
        %swap3A = arith.index_cast %scan3A_339 : i32 to index
        %swap3A_350 = arith.constant 0 : index
        %swap3A_351 = tpu.vector_load %arg10[%swap3A, %swap3A_350] {strides = array<i32>} : memref<25x80xi32, #tpu.memory_space<vmem>>, vector<16xi32>,
        tpu.vector_store %arg10[%swap3A, %swap3A_350], %add3A_349 {strides = array<i32>} : memref<25x80xi32, #tpu.memory_space<vmem>>, vector<16xi32>,
        %get3A_352 = arith.index_cast %scan3A_339 : i32 to index
        %get3A_353 = arith.constant 0 : index
        %get3A_354 = tpu.vector_load %arg8[%get3A_352, %get3A_353] {strides = array<i32>} : memref<25x80xi32, #tpu.memory_space<vmem>>, vector<16xi32>,
        %mul3A_355 = arith.constant 8 : i32
        %mul3A_356 = vector.broadcast %mul3A_355 : i32 to vector<16xi32>
        %mul3A_357 = arith.muli %get3A_354, %mul3A_356 : vector<16xi32>
        %add3A_358 = arith.addi %mul3A_357, %get3A_342 : vector<16xi32>
        %swap3A_359 = arith.index_cast %scan3A_339 : i32 to index
        %swap3A_360 = arith.constant 0 : index
        %swap3A_361 = tpu.vector_load %arg11[%swap3A_359, %swap3A_360] {strides = array<i32>} : memref<25x80xi32, #tpu.memory_space<vmem>>, vector<16xi32>,
        tpu.vector_store %arg11[%swap3A_359, %swap3A_360], %add3A_358 {strides = array<i32>} : memref<25x80xi32, #tpu.memory_space<vmem>>, vector<16xi32>,
        %get3A_362 = arith.index_cast %scan3A_339 : i32 to index
        %get3A_363 = arith.constant 16 : index
        %get3A_364 = tpu.vector_load %arg9[%get3A_362, %get3A_363] {strides = array<i32>} : memref<25x80xi32, #tpu.memory_space<vmem>>, vector<16xi32>,
        %mul3A_365 = arith.constant 10000 : i32
        %mul3A_366 = vector.broadcast %mul3A_365 : i32 to vector<16xi32>
        %mul3A_367 = arith.muli %get3A_364, %mul3A_366 : vector<16xi32>
        %get3A_368 = arith.index_cast %scan3A_339 : i32 to index
        %get3A_369 = arith.constant 16 : index
        %get3A_370 = tpu.vector_load %arg7[%get3A_368, %get3A_369] {strides = array<i32>} : memref<25x80xi32, #tpu.memory_space<vmem>>, vector<16xi32>,
        %add3A_371 = arith.addi %mul3A_367, %get3A_370 : vector<16xi32>
        %swap3A_372 = arith.index_cast %scan3A_339 : i32 to index
        %swap3A_373 = arith.constant 16 : index
        %swap3A_374 = tpu.vector_load %arg10[%swap3A_372, %swap3A_373] {strides = array<i32>} : memref<25x80xi32, #tpu.memory_space<vmem>>, vector<16xi32>,
        tpu.vector_store %arg10[%swap3A_372, %swap3A_373], %add3A_371 {strides = array<i32>} : memref<25x80xi32, #tpu.memory_space<vmem>>, vector<16xi32>,
        %get3A_375 = arith.index_cast %scan3A_339 : i32 to index
        %get3A_376 = arith.constant 16 : index
        %get3A_377 = tpu.vector_load %arg8[%get3A_375, %get3A_376] {strides = array<i32>} : memref<25x80xi32, #tpu.memory_space<vmem>>, vector<16xi32>,
        %mul3A_378 = arith.constant 8 : i32
        %mul3A_379 = vector.broadcast %mul3A_378 : i32 to vector<16xi32>
        %mul3A_380 = arith.muli %get3A_377, %mul3A_379 : vector<16xi32>
        %add3A_381 = arith.addi %mul3A_380, %get3A_364 : vector<16xi32>
        %swap3A_382 = arith.index_cast %scan3A_339 : i32 to index
        %swap3A_383 = arith.constant 16 : index
        %swap3A_384 = tpu.vector_load %arg11[%swap3A_382, %swap3A_383] {strides = array<i32>} : memref<25x80xi32, #tpu.memory_space<vmem>>, vector<16xi32>,
        tpu.vector_store %arg11[%swap3A_382, %swap3A_383], %add3A_381 {strides = array<i32>} : memref<25x80xi32, #tpu.memory_space<vmem>>, vector<16xi32>,
        %get3A_385 = arith.index_cast %scan3A_339 : i32 to index
        %get3A_386 = arith.constant 32 : index
        %get3A_387 = tpu.vector_load %arg9[%get3A_385, %get3A_386] {strides = array<i32>} : memref<25x80xi32, #tpu.memory_space<vmem>>, vector<16xi32>,
        %mul3A_388 = arith.constant 10000 : i32
        %mul3A_389 = vector.broadcast %mul3A_388 : i32 to vector<16xi32>
        %mul3A_390 = arith.muli %get3A_387, %mul3A_389 : vector<16xi32>
        %get3A_391 = arith.index_cast %scan3A_339 : i32 to index
        %get3A_392 = arith.constant 32 : index
        %get3A_393 = tpu.vector_load %arg7[%get3A_391, %get3A_392] {strides = array<i32>} : memref<25x80xi32, #tpu.memory_space<vmem>>, vector<16xi32>,
        %add3A_394 = arith.addi %mul3A_390, %get3A_393 : vector<16xi32>
        %swap3A_395 = arith.index_cast %scan3A_339 : i32 to index
        %swap3A_396 = arith.constant 32 : index
        %swap3A_397 = tpu.vector_load %arg10[%swap3A_395, %swap3A_396] {strides = array<i32>} : memref<25x80xi32, #tpu.memory_space<vmem>>, vector<16xi32>,
        tpu.vector_store %arg10[%swap3A_395, %swap3A_396], %add3A_394 {strides = array<i32>} : memref<25x80xi32, #tpu.memory_space<vmem>>, vector<16xi32>,
        %get3A_398 = arith.index_cast %scan3A_339 : i32 to index
        %get3A_399 = arith.constant 32 : index
        %get3A_400 = tpu.vector_load %arg8[%get3A_398, %get3A_399] {strides = array<i32>} : memref<25x80xi32, #tpu.memory_space<vmem>>, vector<16xi32>,
        %mul3A_401 = arith.constant 8 : i32
        %mul3A_402 = vector.broadcast %mul3A_401 : i32 to vector<16xi32>
        %mul3A_403 = arith.muli %get3A_400, %mul3A_402 : vector<16xi32>
        %add3A_404 = arith.addi %mul3A_403, %get3A_387 : vector<16xi32>
        %swap3A_405 = arith.index_cast %scan3A_339 : i32 to index
        %swap3A_406 = arith.constant 32 : index
        %swap3A_407 = tpu.vector_load %arg11[%swap3A_405, %swap3A_406] {strides = array<i32>} : memref<25x80xi32, #tpu.memory_space<vmem>>, vector<16xi32>,
        tpu.vector_store %arg11[%swap3A_405, %swap3A_406], %add3A_404 {strides = array<i32>} : memref<25x80xi32, #tpu.memory_space<vmem>>, vector<16xi32>,
        %get3A_408 = arith.index_cast %scan3A_339 : i32 to index
        %get3A_409 = arith.constant 48 : index
        %get3A_410 = tpu.vector_load %arg9[%get3A_408, %get3A_409] {strides = array<i32>} : memref<25x80xi32, #tpu.memory_space<vmem>>, vector<16xi32>,
        %mul3A_411 = arith.constant 10000 : i32
        %mul3A_412 = vector.broadcast %mul3A_411 : i32 to vector<16xi32>
        %mul3A_413 = arith.muli %get3A_410, %mul3A_412 : vector<16xi32>
        %get3A_414 = arith.index_cast %scan3A_339 : i32 to index
        %get3A_415 = arith.constant 48 : index
        %get3A_416 = tpu.vector_load %arg7[%get3A_414, %get3A_415] {strides = array<i32>} : memref<25x80xi32, #tpu.memory_space<vmem>>, vector<16xi32>,
        %add3A_417 = arith.addi %mul3A_413, %get3A_416 : vector<16xi32>
        %swap3A_418 = arith.index_cast %scan3A_339 : i32 to index
        %swap3A_419 = arith.constant 48 : index
        %swap3A_420 = tpu.vector_load %arg10[%swap3A_418, %swap3A_419] {strides = array<i32>} : memref<25x80xi32, #tpu.memory_space<vmem>>, vector<16xi32>,
        tpu.vector_store %arg10[%swap3A_418, %swap3A_419], %add3A_417 {strides = array<i32>} : memref<25x80xi32, #tpu.memory_space<vmem>>, vector<16xi32>,
        %get3A_421 = arith.index_cast %scan3A_339 : i32 to index
        %get3A_422 = arith.constant 48 : index
        %get3A_423 = tpu.vector_load %arg8[%get3A_421, %get3A_422] {strides = array<i32>} : memref<25x80xi32, #tpu.memory_space<vmem>>, vector<16xi32>,
        %mul3A_424 = arith.constant 8 : i32
        %mul3A_425 = vector.broadcast %mul3A_424 : i32 to vector<16xi32>
        %mul3A_426 = arith.muli %get3A_423, %mul3A_425 : vector<16xi32>
        %add3A_427 = arith.addi %mul3A_426, %get3A_410 : vector<16xi32>
        %swap3A_428 = arith.index_cast %scan3A_339 : i32 to index
        %swap3A_429 = arith.constant 48 : index
        %swap3A_430 = tpu.vector_load %arg11[%swap3A_428, %swap3A_429] {strides = array<i32>} : memref<25x80xi32, #tpu.memory_space<vmem>>, vector<16xi32>,
        tpu.vector_store %arg11[%swap3A_428, %swap3A_429], %add3A_427 {strides = array<i32>} : memref<25x80xi32, #tpu.memory_space<vmem>>, vector<16xi32>,
        %get3A_431 = arith.index_cast %scan3A_339 : i32 to index
        %get3A_432 = arith.constant 64 : index
        %get3A_433 = tpu.vector_load %arg9[%get3A_431, %get3A_432] {strides = array<i32>} : memref<25x80xi32, #tpu.memory_space<vmem>>, vector<16xi32>,
        %mul3A_434 = arith.constant 10000 : i32
        %mul3A_435 = vector.broadcast %mul3A_434 : i32 to vector<16xi32>
        %mul3A_436 = arith.muli %get3A_433, %mul3A_435 : vector<16xi32>
        %get3A_437 = arith.index_cast %scan3A_339 : i32 to index
        %get3A_438 = arith.constant 64 : index
        %get3A_439 = tpu.vector_load %arg7[%get3A_437, %get3A_438] {strides = array<i32>} : memref<25x80xi32, #tpu.memory_space<vmem>>, vector<16xi32>,
        %add3A_440 = arith.addi %mul3A_436, %get3A_439 : vector<16xi32>
        %swap3A_441 = arith.index_cast %scan3A_339 : i32 to index
        %swap3A_442 = arith.constant 64 : index
        %swap3A_443 = tpu.vector_load %arg10[%swap3A_441, %swap3A_442] {strides = array<i32>} : memref<25x80xi32, #tpu.memory_space<vmem>>, vector<16xi32>,
        tpu.vector_store %arg10[%swap3A_441, %swap3A_442], %add3A_440 {strides = array<i32>} : memref<25x80xi32, #tpu.memory_space<vmem>>, vector<16xi32>,
        %get3A_444 = arith.index_cast %scan3A_339 : i32 to index
        %get3A_445 = arith.constant 64 : index
        %get3A_446 = tpu.vector_load %arg8[%get3A_444, %get3A_445] {strides = array<i32>} : memref<25x80xi32, #tpu.memory_space<vmem>>, vector<16xi32>,
        %mul3A_447 = arith.constant 8 : i32
        %mul3A_448 = vector.broadcast %mul3A_447 : i32 to vector<16xi32>
        %mul3A_449 = arith.muli %get3A_446, %mul3A_448 : vector<16xi32>
        %add3A_450 = arith.addi %mul3A_449, %get3A_433 : vector<16xi32>
        %swap3A_451 = arith.index_cast %scan3A_339 : i32 to index
        %swap3A_452 = arith.constant 64 : index
        %swap3A_453 = tpu.vector_load %arg11[%swap3A_451, %swap3A_452] {strides = array<i32>} : memref<25x80xi32, #tpu.memory_space<vmem>>, vector<16xi32>,
        tpu.vector_store %arg11[%swap3A_451, %swap3A_452], %add3A_450 {strides = array<i32>} : memref<25x80xi32, #tpu.memory_space<vmem>>, vector<16xi32>,
        %scan3A_454 = arith.constant 0 : i32
        scf.yield %scan3A_454 : i32
      }
      %scan3A_37 = arith.constant 25 : i32
      %eq3A = arith.constant 0 : i32
      %eq3A_38 = arith.cmpi eq, %arg0, %eq3A : i32
      %convert_element_type3A = arith.extui %eq3A_38 : i1 to i32
      %cond3A = arith.constant 0 : i32
      %cond3A_39 = arith.cmpi ne, %convert_element_type3A, %cond3A : i32
      scf.if %cond3A_39 {
        "tpu.region"() ({
          %run_scoped3A_339 = tpu.sem_alloc : memref<!tpu.dma_semaphore, #tpu.memory_space<semaphore_mem>>
          %dma_start3A_340 = arith.constant 0 : i32
          %dma_start3A_341 = arith.constant 0 : i32
          %dma_start3A_342 = tpu.memref_slice %arg5[%add3A_29, %dma_start3A_340, %dma_start3A_341] : memref<160x25x80xi32, #tpu.memory_space<hbm>> -> memref<1x25x80xi32, #tpu.memory_space<hbm>>
          %dma_start3A_343 = tpu.memref_squeeze %dma_start3A_342 : memref<1x25x80xi32, #tpu.memory_space<hbm>> -> memref<25x80xi32, #tpu.memory_space<hbm>>
          %dma_start3A_344 = arith.constant 0 : i32
          %dma_start3A_345 = arith.constant 0 : i32
          %dma_start3A_346 = tpu.memref_slice %arg5[%add3A_29, %dma_start3A_344, %dma_start3A_345] : memref<160x25x80xi32, #tpu.memory_space<hbm>> -> memref<1x25x80xi32, #tpu.memory_space<hbm>>
          %dma_start3A_347 = tpu.memref_squeeze %dma_start3A_346 : memref<1x25x80xi32, #tpu.memory_space<hbm>> -> memref<25x80xi32, #tpu.memory_space<hbm>>
          tpu.enqueue_dma source(%arg10 : memref<25x80xi32, #tpu.memory_space<vmem>>) target(%dma_start3A_347 : memref<25x80xi32, #tpu.memory_space<hbm>>) target_semaphore(%run_scoped3A_339 : memref<!tpu.dma_semaphore, #tpu.memory_space<semaphore_mem>>)
          %dma_wait3A_348 = arith.constant 0 : i32
          %dma_wait3A_349 = arith.constant 0 : i32
          %dma_wait3A_350 = tpu.memref_slice %arg5[%add3A_29, %dma_wait3A_348, %dma_wait3A_349] : memref<160x25x80xi32, #tpu.memory_space<hbm>> -> memref<1x25x80xi32, #tpu.memory_space<hbm>>
          %dma_wait3A_351 = tpu.memref_squeeze %dma_wait3A_350 : memref<1x25x80xi32, #tpu.memory_space<hbm>> -> memref<25x80xi32, #tpu.memory_space<hbm>>
          %dma_wait3A_352 = arith.constant 0 : i32
          %dma_wait3A_353 = arith.constant 0 : i32
          %dma_wait3A_354 = tpu.memref_slice %arg5[%add3A_29, %dma_wait3A_352, %dma_wait3A_353] : memref<160x25x80xi32, #tpu.memory_space<hbm>> -> memref<1x25x80xi32, #tpu.memory_space<hbm>>
          %dma_wait3A_355 = tpu.memref_squeeze %dma_wait3A_354 : memref<1x25x80xi32, #tpu.memory_space<hbm>> -> memref<25x80xi32, #tpu.memory_space<hbm>>
          tpu.wait_dma2 semaphore(%run_scoped3A_339 : memref<!tpu.dma_semaphore, #tpu.memory_space<semaphore_mem>>) src(%arg10 : memref<25x80xi32, #tpu.memory_space<vmem>>) dst(%dma_wait3A_355 : memref<25x80xi32, #tpu.memory_space<hbm>>)
          tpu.yield
        }) : () -> ()
      } else {
      }
      %dma_start3A = arith.constant 0 : i32
      %dma_start3A_40 = arith.constant 0 : i32
      %dma_start3A_41 = tpu.memref_slice %arg11[%dma_start3A, %dma_start3A_40] : memref<25x80xi32, #tpu.memory_space<vmem>> -> memref<1x80xi32, #tpu.memory_space<vmem>>
      %dma_start3A_42 = tpu.memref_squeeze %dma_start3A_41 : memref<1x80xi32, #tpu.memory_space<vmem>> -> memref<80xi32, #tpu.memory_space<vmem>>
      %dma_start3A_43 = arith.constant 0 : i32
      %dma_start3A_44 = tpu.memref_slice %arg16[%dma_start3A_43] : memref<80000xf32, #tpu.memory_space<vmem_shared>> -> memref<80000xf32, #tpu.memory_space<vmem_shared>>
      tpu.enqueue_indirect_dma source(%arg12 : memref<80xf32, #tpu.memory_space<vmem>>) target(%dma_start3A_44 : memref<80000xf32, #tpu.memory_space<vmem_shared>>) offsets(%dma_start3A_42 : memref<80xi32, #tpu.memory_space<vmem>>) semaphore(%arg15 : memref<!tpu.dma_semaphore, #tpu.memory_space<semaphore_mem>>) {add = true}
      %dma_start3A_45 = arith.constant 1 : i32
      %dma_start3A_46 = arith.constant 0 : i32
      %dma_start3A_47 = tpu.memref_slice %arg11[%dma_start3A_45, %dma_start3A_46] : memref<25x80xi32, #tpu.memory_space<vmem>> -> memref<1x80xi32, #tpu.memory_space<vmem>>
      %dma_start3A_48 = tpu.memref_squeeze %dma_start3A_47 : memref<1x80xi32, #tpu.memory_space<vmem>> -> memref<80xi32, #tpu.memory_space<vmem>>
      %dma_start3A_49 = arith.constant 0 : i32
      %dma_start3A_50 = tpu.memref_slice %arg16[%dma_start3A_49] : memref<80000xf32, #tpu.memory_space<vmem_shared>> -> memref<80000xf32, #tpu.memory_space<vmem_shared>>
      tpu.enqueue_indirect_dma source(%arg12 : memref<80xf32, #tpu.memory_space<vmem>>) target(%dma_start3A_50 : memref<80000xf32, #tpu.memory_space<vmem_shared>>) offsets(%dma_start3A_48 : memref<80xi32, #tpu.memory_space<vmem>>) semaphore(%arg15 : memref<!tpu.dma_semaphore, #tpu.memory_space<semaphore_mem>>) {add = true}
      %dma_start3A_51 = arith.constant 2 : i32
      %dma_start3A_52 = arith.constant 0 : i32
      %dma_start3A_53 = tpu.memref_slice %arg11[%dma_start3A_51, %dma_start3A_52] : memref<25x80xi32, #tpu.memory_space<vmem>> -> memref<1x80xi32, #tpu.memory_space<vmem>>
      %dma_start3A_54 = tpu.memref_squeeze %dma_start3A_53 : memref<1x80xi32, #tpu.memory_space<vmem>> -> memref<80xi32, #tpu.memory_space<vmem>>
      %dma_start3A_55 = arith.constant 0 : i32
      %dma_start3A_56 = tpu.memref_slice %arg16[%dma_start3A_55] : memref<80000xf32, #tpu.memory_space<vmem_shared>> -> memref<80000xf32, #tpu.memory_space<vmem_shared>>
      tpu.enqueue_indirect_dma source(%arg12 : memref<80xf32, #tpu.memory_space<vmem>>) target(%dma_start3A_56 : memref<80000xf32, #tpu.memory_space<vmem_shared>>) offsets(%dma_start3A_54 : memref<80xi32, #tpu.memory_space<vmem>>) semaphore(%arg15 : memref<!tpu.dma_semaphore, #tpu.memory_space<semaphore_mem>>) {add = true}
      %dma_start3A_57 = arith.constant 3 : i32
      %dma_start3A_58 = arith.constant 0 : i32
      %dma_start3A_59 = tpu.memref_slice %arg11[%dma_start3A_57, %dma_start3A_58] : memref<25x80xi32, #tpu.memory_space<vmem>> -> memref<1x80xi32, #tpu.memory_space<vmem>>
      %dma_start3A_60 = tpu.memref_squeeze %dma_start3A_59 : memref<1x80xi32, #tpu.memory_space<vmem>> -> memref<80xi32, #tpu.memory_space<vmem>>
      %dma_start3A_61 = arith.constant 0 : i32
      %dma_start3A_62 = tpu.memref_slice %arg16[%dma_start3A_61] : memref<80000xf32, #tpu.memory_space<vmem_shared>> -> memref<80000xf32, #tpu.memory_space<vmem_shared>>
      tpu.enqueue_indirect_dma source(%arg12 : memref<80xf32, #tpu.memory_space<vmem>>) target(%dma_start3A_62 : memref<80000xf32, #tpu.memory_space<vmem_shared>>) offsets(%dma_start3A_60 : memref<80xi32, #tpu.memory_space<vmem>>) semaphore(%arg15 : memref<!tpu.dma_semaphore, #tpu.memory_space<semaphore_mem>>) {add = true}
      %dma_start3A_63 = arith.constant 4 : i32
      %dma_start3A_64 = arith.constant 0 : i32
      %dma_start3A_65 = tpu.memref_slice %arg11[%dma_start3A_63, %dma_start3A_64] : memref<25x80xi32, #tpu.memory_space<vmem>> -> memref<1x80xi32, #tpu.memory_space<vmem>>
      %dma_start3A_66 = tpu.memref_squeeze %dma_start3A_65 : memref<1x80xi32, #tpu.memory_space<vmem>> -> memref<80xi32, #tpu.memory_space<vmem>>
      %dma_start3A_67 = arith.constant 0 : i32
      %dma_start3A_68 = tpu.memref_slice %arg16[%dma_start3A_67] : memref<80000xf32, #tpu.memory_space<vmem_shared>> -> memref<80000xf32, #tpu.memory_space<vmem_shared>>
      tpu.enqueue_indirect_dma source(%arg12 : memref<80xf32, #tpu.memory_space<vmem>>) target(%dma_start3A_68 : memref<80000xf32, #tpu.memory_space<vmem_shared>>) offsets(%dma_start3A_66 : memref<80xi32, #tpu.memory_space<vmem>>) semaphore(%arg15 : memref<!tpu.dma_semaphore, #tpu.memory_space<semaphore_mem>>) {add = true}
      %dma_start3A_69 = arith.constant 5 : i32
      %dma_start3A_70 = arith.constant 0 : i32
      %dma_start3A_71 = tpu.memref_slice %arg11[%dma_start3A_69, %dma_start3A_70] : memref<25x80xi32, #tpu.memory_space<vmem>> -> memref<1x80xi32, #tpu.memory_space<vmem>>
      %dma_start3A_72 = tpu.memref_squeeze %dma_start3A_71 : memref<1x80xi32, #tpu.memory_space<vmem>> -> memref<80xi32, #tpu.memory_space<vmem>>
      %dma_start3A_73 = arith.constant 0 : i32
      %dma_start3A_74 = tpu.memref_slice %arg16[%dma_start3A_73] : memref<80000xf32, #tpu.memory_space<vmem_shared>> -> memref<80000xf32, #tpu.memory_space<vmem_shared>>
      tpu.enqueue_indirect_dma source(%arg12 : memref<80xf32, #tpu.memory_space<vmem>>) target(%dma_start3A_74 : memref<80000xf32, #tpu.memory_space<vmem_shared>>) offsets(%dma_start3A_72 : memref<80xi32, #tpu.memory_space<vmem>>) semaphore(%arg15 : memref<!tpu.dma_semaphore, #tpu.memory_space<semaphore_mem>>) {add = true}
      %dma_start3A_75 = arith.constant 6 : i32
      %dma_start3A_76 = arith.constant 0 : i32
      %dma_start3A_77 = tpu.memref_slice %arg11[%dma_start3A_75, %dma_start3A_76] : memref<25x80xi32, #tpu.memory_space<vmem>> -> memref<1x80xi32, #tpu.memory_space<vmem>>
      %dma_start3A_78 = tpu.memref_squeeze %dma_start3A_77 : memref<1x80xi32, #tpu.memory_space<vmem>> -> memref<80xi32, #tpu.memory_space<vmem>>
      %dma_start3A_79 = arith.constant 0 : i32
      %dma_start3A_80 = tpu.memref_slice %arg16[%dma_start3A_79] : memref<80000xf32, #tpu.memory_space<vmem_shared>> -> memref<80000xf32, #tpu.memory_space<vmem_shared>>
      tpu.enqueue_indirect_dma source(%arg12 : memref<80xf32, #tpu.memory_space<vmem>>) target(%dma_start3A_80 : memref<80000xf32, #tpu.memory_space<vmem_shared>>) offsets(%dma_start3A_78 : memref<80xi32, #tpu.memory_space<vmem>>) semaphore(%arg15 : memref<!tpu.dma_semaphore, #tpu.memory_space<semaphore_mem>>) {add = true}
      %dma_start3A_81 = arith.constant 7 : i32
      %dma_start3A_82 = arith.constant 0 : i32
      %dma_start3A_83 = tpu.memref_slice %arg11[%dma_start3A_81, %dma_start3A_82] : memref<25x80xi32, #tpu.memory_space<vmem>> -> memref<1x80xi32, #tpu.memory_space<vmem>>
      %dma_start3A_84 = tpu.memref_squeeze %dma_start3A_83 : memref<1x80xi32, #tpu.memory_space<vmem>> -> memref<80xi32, #tpu.memory_space<vmem>>
      %dma_start3A_85 = arith.constant 0 : i32
      %dma_start3A_86 = tpu.memref_slice %arg16[%dma_start3A_85] : memref<80000xf32, #tpu.memory_space<vmem_shared>> -> memref<80000xf32, #tpu.memory_space<vmem_shared>>
      tpu.enqueue_indirect_dma source(%arg12 : memref<80xf32, #tpu.memory_space<vmem>>) target(%dma_start3A_86 : memref<80000xf32, #tpu.memory_space<vmem_shared>>) offsets(%dma_start3A_84 : memref<80xi32, #tpu.memory_space<vmem>>) semaphore(%arg15 : memref<!tpu.dma_semaphore, #tpu.memory_space<semaphore_mem>>) {add = true}
      %dma_start3A_87 = arith.constant 8 : i32
      %dma_start3A_88 = arith.constant 0 : i32
      %dma_start3A_89 = tpu.memref_slice %arg11[%dma_start3A_87, %dma_start3A_88] : memref<25x80xi32, #tpu.memory_space<vmem>> -> memref<1x80xi32, #tpu.memory_space<vmem>>
      %dma_start3A_90 = tpu.memref_squeeze %dma_start3A_89 : memref<1x80xi32, #tpu.memory_space<vmem>> -> memref<80xi32, #tpu.memory_space<vmem>>
      %dma_start3A_91 = arith.constant 0 : i32
      %dma_start3A_92 = tpu.memref_slice %arg16[%dma_start3A_91] : memref<80000xf32, #tpu.memory_space<vmem_shared>> -> memref<80000xf32, #tpu.memory_space<vmem_shared>>
      tpu.enqueue_indirect_dma source(%arg12 : memref<80xf32, #tpu.memory_space<vmem>>) target(%dma_start3A_92 : memref<80000xf32, #tpu.memory_space<vmem_shared>>) offsets(%dma_start3A_90 : memref<80xi32, #tpu.memory_space<vmem>>) semaphore(%arg15 : memref<!tpu.dma_semaphore, #tpu.memory_space<semaphore_mem>>) {add = true}
      %dma_start3A_93 = arith.constant 9 : i32
      %dma_start3A_94 = arith.constant 0 : i32
      %dma_start3A_95 = tpu.memref_slice %arg11[%dma_start3A_93, %dma_start3A_94] : memref<25x80xi32, #tpu.memory_space<vmem>> -> memref<1x80xi32, #tpu.memory_space<vmem>>
      %dma_start3A_96 = tpu.memref_squeeze %dma_start3A_95 : memref<1x80xi32, #tpu.memory_space<vmem>> -> memref<80xi32, #tpu.memory_space<vmem>>
      %dma_start3A_97 = arith.constant 0 : i32
      %dma_start3A_98 = tpu.memref_slice %arg16[%dma_start3A_97] : memref<80000xf32, #tpu.memory_space<vmem_shared>> -> memref<80000xf32, #tpu.memory_space<vmem_shared>>
      tpu.enqueue_indirect_dma source(%arg12 : memref<80xf32, #tpu.memory_space<vmem>>) target(%dma_start3A_98 : memref<80000xf32, #tpu.memory_space<vmem_shared>>) offsets(%dma_start3A_96 : memref<80xi32, #tpu.memory_space<vmem>>) semaphore(%arg15 : memref<!tpu.dma_semaphore, #tpu.memory_space<semaphore_mem>>) {add = true}
      %dma_start3A_99 = arith.constant 10 : i32
      %dma_start3A_100 = arith.constant 0 : i32
      %dma_start3A_101 = tpu.memref_slice %arg11[%dma_start3A_99, %dma_start3A_100] : memref<25x80xi32, #tpu.memory_space<vmem>> -> memref<1x80xi32, #tpu.memory_space<vmem>>
      %dma_start3A_102 = tpu.memref_squeeze %dma_start3A_101 : memref<1x80xi32, #tpu.memory_space<vmem>> -> memref<80xi32, #tpu.memory_space<vmem>>
      %dma_start3A_103 = arith.constant 0 : i32
      %dma_start3A_104 = tpu.memref_slice %arg16[%dma_start3A_103] : memref<80000xf32, #tpu.memory_space<vmem_shared>> -> memref<80000xf32, #tpu.memory_space<vmem_shared>>
      tpu.enqueue_indirect_dma source(%arg12 : memref<80xf32, #tpu.memory_space<vmem>>) target(%dma_start3A_104 : memref<80000xf32, #tpu.memory_space<vmem_shared>>) offsets(%dma_start3A_102 : memref<80xi32, #tpu.memory_space<vmem>>) semaphore(%arg15 : memref<!tpu.dma_semaphore, #tpu.memory_space<semaphore_mem>>) {add = true}
      %dma_start3A_105 = arith.constant 11 : i32
      %dma_start3A_106 = arith.constant 0 : i32
      %dma_start3A_107 = tpu.memref_slice %arg11[%dma_start3A_105, %dma_start3A_106] : memref<25x80xi32, #tpu.memory_space<vmem>> -> memref<1x80xi32, #tpu.memory_space<vmem>>
      %dma_start3A_108 = tpu.memref_squeeze %dma_start3A_107 : memref<1x80xi32, #tpu.memory_space<vmem>> -> memref<80xi32, #tpu.memory_space<vmem>>
      %dma_start3A_109 = arith.constant 0 : i32
      %dma_start3A_110 = tpu.memref_slice %arg16[%dma_start3A_109] : memref<80000xf32, #tpu.memory_space<vmem_shared>> -> memref<80000xf32, #tpu.memory_space<vmem_shared>>
      tpu.enqueue_indirect_dma source(%arg12 : memref<80xf32, #tpu.memory_space<vmem>>) target(%dma_start3A_110 : memref<80000xf32, #tpu.memory_space<vmem_shared>>) offsets(%dma_start3A_108 : memref<80xi32, #tpu.memory_space<vmem>>) semaphore(%arg15 : memref<!tpu.dma_semaphore, #tpu.memory_space<semaphore_mem>>) {add = true}
      %dma_start3A_111 = arith.constant 12 : i32
      %dma_start3A_112 = arith.constant 0 : i32
      %dma_start3A_113 = tpu.memref_slice %arg11[%dma_start3A_111, %dma_start3A_112] : memref<25x80xi32, #tpu.memory_space<vmem>> -> memref<1x80xi32, #tpu.memory_space<vmem>>
      %dma_start3A_114 = tpu.memref_squeeze %dma_start3A_113 : memref<1x80xi32, #tpu.memory_space<vmem>> -> memref<80xi32, #tpu.memory_space<vmem>>
      %dma_start3A_115 = arith.constant 0 : i32
      %dma_start3A_116 = tpu.memref_slice %arg16[%dma_start3A_115] : memref<80000xf32, #tpu.memory_space<vmem_shared>> -> memref<80000xf32, #tpu.memory_space<vmem_shared>>
      tpu.enqueue_indirect_dma source(%arg12 : memref<80xf32, #tpu.memory_space<vmem>>) target(%dma_start3A_116 : memref<80000xf32, #tpu.memory_space<vmem_shared>>) offsets(%dma_start3A_114 : memref<80xi32, #tpu.memory_space<vmem>>) semaphore(%arg15 : memref<!tpu.dma_semaphore, #tpu.memory_space<semaphore_mem>>) {add = true}
      %dma_start3A_117 = arith.constant 13 : i32
      %dma_start3A_118 = arith.constant 0 : i32
      %dma_start3A_119 = tpu.memref_slice %arg11[%dma_start3A_117, %dma_start3A_118] : memref<25x80xi32, #tpu.memory_space<vmem>> -> memref<1x80xi32, #tpu.memory_space<vmem>>
      %dma_start3A_120 = tpu.memref_squeeze %dma_start3A_119 : memref<1x80xi32, #tpu.memory_space<vmem>> -> memref<80xi32, #tpu.memory_space<vmem>>
      %dma_start3A_121 = arith.constant 0 : i32
      %dma_start3A_122 = tpu.memref_slice %arg16[%dma_start3A_121] : memref<80000xf32, #tpu.memory_space<vmem_shared>> -> memref<80000xf32, #tpu.memory_space<vmem_shared>>
      tpu.enqueue_indirect_dma source(%arg12 : memref<80xf32, #tpu.memory_space<vmem>>) target(%dma_start3A_122 : memref<80000xf32, #tpu.memory_space<vmem_shared>>) offsets(%dma_start3A_120 : memref<80xi32, #tpu.memory_space<vmem>>) semaphore(%arg15 : memref<!tpu.dma_semaphore, #tpu.memory_space<semaphore_mem>>) {add = true}
      %dma_start3A_123 = arith.constant 14 : i32
      %dma_start3A_124 = arith.constant 0 : i32
      %dma_start3A_125 = tpu.memref_slice %arg11[%dma_start3A_123, %dma_start3A_124] : memref<25x80xi32, #tpu.memory_space<vmem>> -> memref<1x80xi32, #tpu.memory_space<vmem>>
      %dma_start3A_126 = tpu.memref_squeeze %dma_start3A_125 : memref<1x80xi32, #tpu.memory_space<vmem>> -> memref<80xi32, #tpu.memory_space<vmem>>
      %dma_start3A_127 = arith.constant 0 : i32
      %dma_start3A_128 = tpu.memref_slice %arg16[%dma_start3A_127] : memref<80000xf32, #tpu.memory_space<vmem_shared>> -> memref<80000xf32, #tpu.memory_space<vmem_shared>>
      tpu.enqueue_indirect_dma source(%arg12 : memref<80xf32, #tpu.memory_space<vmem>>) target(%dma_start3A_128 : memref<80000xf32, #tpu.memory_space<vmem_shared>>) offsets(%dma_start3A_126 : memref<80xi32, #tpu.memory_space<vmem>>) semaphore(%arg15 : memref<!tpu.dma_semaphore, #tpu.memory_space<semaphore_mem>>) {add = true}
      %dma_start3A_129 = arith.constant 15 : i32
      %dma_start3A_130 = arith.constant 0 : i32
      %dma_start3A_131 = tpu.memref_slice %arg11[%dma_start3A_129, %dma_start3A_130] : memref<25x80xi32, #tpu.memory_space<vmem>> -> memref<1x80xi32, #tpu.memory_space<vmem>>
      %dma_start3A_132 = tpu.memref_squeeze %dma_start3A_131 : memref<1x80xi32, #tpu.memory_space<vmem>> -> memref<80xi32, #tpu.memory_space<vmem>>
      %dma_start3A_133 = arith.constant 0 : i32
      %dma_start3A_134 = tpu.memref_slice %arg16[%dma_start3A_133] : memref<80000xf32, #tpu.memory_space<vmem_shared>> -> memref<80000xf32, #tpu.memory_space<vmem_shared>>
      tpu.enqueue_indirect_dma source(%arg12 : memref<80xf32, #tpu.memory_space<vmem>>) target(%dma_start3A_134 : memref<80000xf32, #tpu.memory_space<vmem_shared>>) offsets(%dma_start3A_132 : memref<80xi32, #tpu.memory_space<vmem>>) semaphore(%arg15 : memref<!tpu.dma_semaphore, #tpu.memory_space<semaphore_mem>>) {add = true}
      %dma_start3A_135 = arith.constant 16 : i32
      %dma_start3A_136 = arith.constant 0 : i32
      %dma_start3A_137 = tpu.memref_slice %arg11[%dma_start3A_135, %dma_start3A_136] : memref<25x80xi32, #tpu.memory_space<vmem>> -> memref<1x80xi32, #tpu.memory_space<vmem>>
      %dma_start3A_138 = tpu.memref_squeeze %dma_start3A_137 : memref<1x80xi32, #tpu.memory_space<vmem>> -> memref<80xi32, #tpu.memory_space<vmem>>
      %dma_start3A_139 = arith.constant 0 : i32
      %dma_start3A_140 = tpu.memref_slice %arg16[%dma_start3A_139] : memref<80000xf32, #tpu.memory_space<vmem_shared>> -> memref<80000xf32, #tpu.memory_space<vmem_shared>>
      tpu.enqueue_indirect_dma source(%arg12 : memref<80xf32, #tpu.memory_space<vmem>>) target(%dma_start3A_140 : memref<80000xf32, #tpu.memory_space<vmem_shared>>) offsets(%dma_start3A_138 : memref<80xi32, #tpu.memory_space<vmem>>) semaphore(%arg15 : memref<!tpu.dma_semaphore, #tpu.memory_space<semaphore_mem>>) {add = true}
      %dma_start3A_141 = arith.constant 17 : i32
      %dma_start3A_142 = arith.constant 0 : i32
      %dma_start3A_143 = tpu.memref_slice %arg11[%dma_start3A_141, %dma_start3A_142] : memref<25x80xi32, #tpu.memory_space<vmem>> -> memref<1x80xi32, #tpu.memory_space<vmem>>
      %dma_start3A_144 = tpu.memref_squeeze %dma_start3A_143 : memref<1x80xi32, #tpu.memory_space<vmem>> -> memref<80xi32, #tpu.memory_space<vmem>>
      %dma_start3A_145 = arith.constant 0 : i32
      %dma_start3A_146 = tpu.memref_slice %arg16[%dma_start3A_145] : memref<80000xf32, #tpu.memory_space<vmem_shared>> -> memref<80000xf32, #tpu.memory_space<vmem_shared>>
      tpu.enqueue_indirect_dma source(%arg12 : memref<80xf32, #tpu.memory_space<vmem>>) target(%dma_start3A_146 : memref<80000xf32, #tpu.memory_space<vmem_shared>>) offsets(%dma_start3A_144 : memref<80xi32, #tpu.memory_space<vmem>>) semaphore(%arg15 : memref<!tpu.dma_semaphore, #tpu.memory_space<semaphore_mem>>) {add = true}
      %dma_start3A_147 = arith.constant 18 : i32
      %dma_start3A_148 = arith.constant 0 : i32
      %dma_start3A_149 = tpu.memref_slice %arg11[%dma_start3A_147, %dma_start3A_148] : memref<25x80xi32, #tpu.memory_space<vmem>> -> memref<1x80xi32, #tpu.memory_space<vmem>>
      %dma_start3A_150 = tpu.memref_squeeze %dma_start3A_149 : memref<1x80xi32, #tpu.memory_space<vmem>> -> memref<80xi32, #tpu.memory_space<vmem>>
      %dma_start3A_151 = arith.constant 0 : i32
      %dma_start3A_152 = tpu.memref_slice %arg16[%dma_start3A_151] : memref<80000xf32, #tpu.memory_space<vmem_shared>> -> memref<80000xf32, #tpu.memory_space<vmem_shared>>
      tpu.enqueue_indirect_dma source(%arg12 : memref<80xf32, #tpu.memory_space<vmem>>) target(%dma_start3A_152 : memref<80000xf32, #tpu.memory_space<vmem_shared>>) offsets(%dma_start3A_150 : memref<80xi32, #tpu.memory_space<vmem>>) semaphore(%arg15 : memref<!tpu.dma_semaphore, #tpu.memory_space<semaphore_mem>>) {add = true}
      %dma_start3A_153 = arith.constant 19 : i32
      %dma_start3A_154 = arith.constant 0 : i32
      %dma_start3A_155 = tpu.memref_slice %arg11[%dma_start3A_153, %dma_start3A_154] : memref<25x80xi32, #tpu.memory_space<vmem>> -> memref<1x80xi32, #tpu.memory_space<vmem>>
      %dma_start3A_156 = tpu.memref_squeeze %dma_start3A_155 : memref<1x80xi32, #tpu.memory_space<vmem>> -> memref<80xi32, #tpu.memory_space<vmem>>
      %dma_start3A_157 = arith.constant 0 : i32
      %dma_start3A_158 = tpu.memref_slice %arg16[%dma_start3A_157] : memref<80000xf32, #tpu.memory_space<vmem_shared>> -> memref<80000xf32, #tpu.memory_space<vmem_shared>>
      tpu.enqueue_indirect_dma source(%arg12 : memref<80xf32, #tpu.memory_space<vmem>>) target(%dma_start3A_158 : memref<80000xf32, #tpu.memory_space<vmem_shared>>) offsets(%dma_start3A_156 : memref<80xi32, #tpu.memory_space<vmem>>) semaphore(%arg15 : memref<!tpu.dma_semaphore, #tpu.memory_space<semaphore_mem>>) {add = true}
      %dma_start3A_159 = arith.constant 20 : i32
      %dma_start3A_160 = arith.constant 0 : i32
      %dma_start3A_161 = tpu.memref_slice %arg11[%dma_start3A_159, %dma_start3A_160] : memref<25x80xi32, #tpu.memory_space<vmem>> -> memref<1x80xi32, #tpu.memory_space<vmem>>
      %dma_start3A_162 = tpu.memref_squeeze %dma_start3A_161 : memref<1x80xi32, #tpu.memory_space<vmem>> -> memref<80xi32, #tpu.memory_space<vmem>>
      %dma_start3A_163 = arith.constant 0 : i32
      %dma_start3A_164 = tpu.memref_slice %arg16[%dma_start3A_163] : memref<80000xf32, #tpu.memory_space<vmem_shared>> -> memref<80000xf32, #tpu.memory_space<vmem_shared>>
      tpu.enqueue_indirect_dma source(%arg12 : memref<80xf32, #tpu.memory_space<vmem>>) target(%dma_start3A_164 : memref<80000xf32, #tpu.memory_space<vmem_shared>>) offsets(%dma_start3A_162 : memref<80xi32, #tpu.memory_space<vmem>>) semaphore(%arg15 : memref<!tpu.dma_semaphore, #tpu.memory_space<semaphore_mem>>) {add = true}
      %dma_start3A_165 = arith.constant 21 : i32
      %dma_start3A_166 = arith.constant 0 : i32
      %dma_start3A_167 = tpu.memref_slice %arg11[%dma_start3A_165, %dma_start3A_166] : memref<25x80xi32, #tpu.memory_space<vmem>> -> memref<1x80xi32, #tpu.memory_space<vmem>>
      %dma_start3A_168 = tpu.memref_squeeze %dma_start3A_167 : memref<1x80xi32, #tpu.memory_space<vmem>> -> memref<80xi32, #tpu.memory_space<vmem>>
      %dma_start3A_169 = arith.constant 0 : i32
      %dma_start3A_170 = tpu.memref_slice %arg16[%dma_start3A_169] : memref<80000xf32, #tpu.memory_space<vmem_shared>> -> memref<80000xf32, #tpu.memory_space<vmem_shared>>
      tpu.enqueue_indirect_dma source(%arg12 : memref<80xf32, #tpu.memory_space<vmem>>) target(%dma_start3A_170 : memref<80000xf32, #tpu.memory_space<vmem_shared>>) offsets(%dma_start3A_168 : memref<80xi32, #tpu.memory_space<vmem>>) semaphore(%arg15 : memref<!tpu.dma_semaphore, #tpu.memory_space<semaphore_mem>>) {add = true}
      %dma_start3A_171 = arith.constant 22 : i32
      %dma_start3A_172 = arith.constant 0 : i32
      %dma_start3A_173 = tpu.memref_slice %arg11[%dma_start3A_171, %dma_start3A_172] : memref<25x80xi32, #tpu.memory_space<vmem>> -> memref<1x80xi32, #tpu.memory_space<vmem>>
      %dma_start3A_174 = tpu.memref_squeeze %dma_start3A_173 : memref<1x80xi32, #tpu.memory_space<vmem>> -> memref<80xi32, #tpu.memory_space<vmem>>
      %dma_start3A_175 = arith.constant 0 : i32
      %dma_start3A_176 = tpu.memref_slice %arg16[%dma_start3A_175] : memref<80000xf32, #tpu.memory_space<vmem_shared>> -> memref<80000xf32, #tpu.memory_space<vmem_shared>>
      tpu.enqueue_indirect_dma source(%arg12 : memref<80xf32, #tpu.memory_space<vmem>>) target(%dma_start3A_176 : memref<80000xf32, #tpu.memory_space<vmem_shared>>) offsets(%dma_start3A_174 : memref<80xi32, #tpu.memory_space<vmem>>) semaphore(%arg15 : memref<!tpu.dma_semaphore, #tpu.memory_space<semaphore_mem>>) {add = true}
      %dma_start3A_177 = arith.constant 23 : i32
      %dma_start3A_178 = arith.constant 0 : i32
      %dma_start3A_179 = tpu.memref_slice %arg11[%dma_start3A_177, %dma_start3A_178] : memref<25x80xi32, #tpu.memory_space<vmem>> -> memref<1x80xi32, #tpu.memory_space<vmem>>
      %dma_start3A_180 = tpu.memref_squeeze %dma_start3A_179 : memref<1x80xi32, #tpu.memory_space<vmem>> -> memref<80xi32, #tpu.memory_space<vmem>>
      %dma_start3A_181 = arith.constant 0 : i32
      %dma_start3A_182 = tpu.memref_slice %arg16[%dma_start3A_181] : memref<80000xf32, #tpu.memory_space<vmem_shared>> -> memref<80000xf32, #tpu.memory_space<vmem_shared>>
      tpu.enqueue_indirect_dma source(%arg12 : memref<80xf32, #tpu.memory_space<vmem>>) target(%dma_start3A_182 : memref<80000xf32, #tpu.memory_space<vmem_shared>>) offsets(%dma_start3A_180 : memref<80xi32, #tpu.memory_space<vmem>>) semaphore(%arg15 : memref<!tpu.dma_semaphore, #tpu.memory_space<semaphore_mem>>) {add = true}
      %dma_start3A_183 = arith.constant 24 : i32
      %dma_start3A_184 = arith.constant 0 : i32
      %dma_start3A_185 = tpu.memref_slice %arg11[%dma_start3A_183, %dma_start3A_184] : memref<25x80xi32, #tpu.memory_space<vmem>> -> memref<1x80xi32, #tpu.memory_space<vmem>>
      %dma_start3A_186 = tpu.memref_squeeze %dma_start3A_185 : memref<1x80xi32, #tpu.memory_space<vmem>> -> memref<80xi32, #tpu.memory_space<vmem>>
      %dma_start3A_187 = arith.constant 0 : i32
      %dma_start3A_188 = tpu.memref_slice %arg16[%dma_start3A_187] : memref<80000xf32, #tpu.memory_space<vmem_shared>> -> memref<80000xf32, #tpu.memory_space<vmem_shared>>
      tpu.enqueue_indirect_dma source(%arg12 : memref<80xf32, #tpu.memory_space<vmem>>) target(%dma_start3A_188 : memref<80000xf32, #tpu.memory_space<vmem_shared>>) offsets(%dma_start3A_186 : memref<80xi32, #tpu.memory_space<vmem>>) semaphore(%arg15 : memref<!tpu.dma_semaphore, #tpu.memory_space<semaphore_mem>>) {add = true}
      %dma_wait3A = arith.constant 0 : i32
      %dma_wait3A_189 = arith.constant 0 : i32
      %dma_wait3A_190 = tpu.memref_slice %arg11[%dma_wait3A, %dma_wait3A_189] : memref<25x80xi32, #tpu.memory_space<vmem>> -> memref<1x80xi32, #tpu.memory_space<vmem>>
      %dma_wait3A_191 = tpu.memref_squeeze %dma_wait3A_190 : memref<1x80xi32, #tpu.memory_space<vmem>> -> memref<80xi32, #tpu.memory_space<vmem>>
      %dma_wait3A_192 = arith.constant 0 : i32
      %dma_wait3A_193 = tpu.memref_slice %arg16[%dma_wait3A_192] : memref<80000xf32, #tpu.memory_space<vmem_shared>> -> memref<80000xf32, #tpu.memory_space<vmem_shared>>
      tpu.wait_indirect_dma semaphore(%arg15 : memref<!tpu.dma_semaphore, #tpu.memory_space<semaphore_mem>>) src(%arg12 : memref<80xf32, #tpu.memory_space<vmem>>) dst(%dma_wait3A_193 : memref<80000xf32, #tpu.memory_space<vmem_shared>>)
      %dma_wait3A_194 = arith.constant 1 : i32
      %dma_wait3A_195 = arith.constant 0 : i32
      %dma_wait3A_196 = tpu.memref_slice %arg11[%dma_wait3A_194, %dma_wait3A_195] : memref<25x80xi32, #tpu.memory_space<vmem>> -> memref<1x80xi32, #tpu.memory_space<vmem>>
      %dma_wait3A_197 = tpu.memref_squeeze %dma_wait3A_196 : memref<1x80xi32, #tpu.memory_space<vmem>> -> memref<80xi32, #tpu.memory_space<vmem>>
      %dma_wait3A_198 = arith.constant 0 : i32
      %dma_wait3A_199 = tpu.memref_slice %arg16[%dma_wait3A_198] : memref<80000xf32, #tpu.memory_space<vmem_shared>> -> memref<80000xf32, #tpu.memory_space<vmem_shared>>
      tpu.wait_indirect_dma semaphore(%arg15 : memref<!tpu.dma_semaphore, #tpu.memory_space<semaphore_mem>>) src(%arg12 : memref<80xf32, #tpu.memory_space<vmem>>) dst(%dma_wait3A_199 : memref<80000xf32, #tpu.memory_space<vmem_shared>>)
      %dma_wait3A_200 = arith.constant 2 : i32
      %dma_wait3A_201 = arith.constant 0 : i32
      %dma_wait3A_202 = tpu.memref_slice %arg11[%dma_wait3A_200, %dma_wait3A_201] : memref<25x80xi32, #tpu.memory_space<vmem>> -> memref<1x80xi32, #tpu.memory_space<vmem>>
      %dma_wait3A_203 = tpu.memref_squeeze %dma_wait3A_202 : memref<1x80xi32, #tpu.memory_space<vmem>> -> memref<80xi32, #tpu.memory_space<vmem>>
      %dma_wait3A_204 = arith.constant 0 : i32
      %dma_wait3A_205 = tpu.memref_slice %arg16[%dma_wait3A_204] : memref<80000xf32, #tpu.memory_space<vmem_shared>> -> memref<80000xf32, #tpu.memory_space<vmem_shared>>
      tpu.wait_indirect_dma semaphore(%arg15 : memref<!tpu.dma_semaphore, #tpu.memory_space<semaphore_mem>>) src(%arg12 : memref<80xf32, #tpu.memory_space<vmem>>) dst(%dma_wait3A_205 : memref<80000xf32, #tpu.memory_space<vmem_shared>>)
      %dma_wait3A_206 = arith.constant 3 : i32
      %dma_wait3A_207 = arith.constant 0 : i32
      %dma_wait3A_208 = tpu.memref_slice %arg11[%dma_wait3A_206, %dma_wait3A_207] : memref<25x80xi32, #tpu.memory_space<vmem>> -> memref<1x80xi32, #tpu.memory_space<vmem>>
      %dma_wait3A_209 = tpu.memref_squeeze %dma_wait3A_208 : memref<1x80xi32, #tpu.memory_space<vmem>> -> memref<80xi32, #tpu.memory_space<vmem>>
      %dma_wait3A_210 = arith.constant 0 : i32
      %dma_wait3A_211 = tpu.memref_slice %arg16[%dma_wait3A_210] : memref<80000xf32, #tpu.memory_space<vmem_shared>> -> memref<80000xf32, #tpu.memory_space<vmem_shared>>
      tpu.wait_indirect_dma semaphore(%arg15 : memref<!tpu.dma_semaphore, #tpu.memory_space<semaphore_mem>>) src(%arg12 : memref<80xf32, #tpu.memory_space<vmem>>) dst(%dma_wait3A_211 : memref<80000xf32, #tpu.memory_space<vmem_shared>>)
      %dma_wait3A_212 = arith.constant 4 : i32
      %dma_wait3A_213 = arith.constant 0 : i32
      %dma_wait3A_214 = tpu.memref_slice %arg11[%dma_wait3A_212, %dma_wait3A_213] : memref<25x80xi32, #tpu.memory_space<vmem>> -> memref<1x80xi32, #tpu.memory_space<vmem>>
      %dma_wait3A_215 = tpu.memref_squeeze %dma_wait3A_214 : memref<1x80xi32, #tpu.memory_space<vmem>> -> memref<80xi32, #tpu.memory_space<vmem>>
      %dma_wait3A_216 = arith.constant 0 : i32
      %dma_wait3A_217 = tpu.memref_slice %arg16[%dma_wait3A_216] : memref<80000xf32, #tpu.memory_space<vmem_shared>> -> memref<80000xf32, #tpu.memory_space<vmem_shared>>
      tpu.wait_indirect_dma semaphore(%arg15 : memref<!tpu.dma_semaphore, #tpu.memory_space<semaphore_mem>>) src(%arg12 : memref<80xf32, #tpu.memory_space<vmem>>) dst(%dma_wait3A_217 : memref<80000xf32, #tpu.memory_space<vmem_shared>>)
      %dma_wait3A_218 = arith.constant 5 : i32
      %dma_wait3A_219 = arith.constant 0 : i32
      %dma_wait3A_220 = tpu.memref_slice %arg11[%dma_wait3A_218, %dma_wait3A_219] : memref<25x80xi32, #tpu.memory_space<vmem>> -> memref<1x80xi32, #tpu.memory_space<vmem>>
      %dma_wait3A_221 = tpu.memref_squeeze %dma_wait3A_220 : memref<1x80xi32, #tpu.memory_space<vmem>> -> memref<80xi32, #tpu.memory_space<vmem>>
      %dma_wait3A_222 = arith.constant 0 : i32
      %dma_wait3A_223 = tpu.memref_slice %arg16[%dma_wait3A_222] : memref<80000xf32, #tpu.memory_space<vmem_shared>> -> memref<80000xf32, #tpu.memory_space<vmem_shared>>
      tpu.wait_indirect_dma semaphore(%arg15 : memref<!tpu.dma_semaphore, #tpu.memory_space<semaphore_mem>>) src(%arg12 : memref<80xf32, #tpu.memory_space<vmem>>) dst(%dma_wait3A_223 : memref<80000xf32, #tpu.memory_space<vmem_shared>>)
      %dma_wait3A_224 = arith.constant 6 : i32
      %dma_wait3A_225 = arith.constant 0 : i32
      %dma_wait3A_226 = tpu.memref_slice %arg11[%dma_wait3A_224, %dma_wait3A_225] : memref<25x80xi32, #tpu.memory_space<vmem>> -> memref<1x80xi32, #tpu.memory_space<vmem>>
      %dma_wait3A_227 = tpu.memref_squeeze %dma_wait3A_226 : memref<1x80xi32, #tpu.memory_space<vmem>> -> memref<80xi32, #tpu.memory_space<vmem>>
      %dma_wait3A_228 = arith.constant 0 : i32
      %dma_wait3A_229 = tpu.memref_slice %arg16[%dma_wait3A_228] : memref<80000xf32, #tpu.memory_space<vmem_shared>> -> memref<80000xf32, #tpu.memory_space<vmem_shared>>
      tpu.wait_indirect_dma semaphore(%arg15 : memref<!tpu.dma_semaphore, #tpu.memory_space<semaphore_mem>>) src(%arg12 : memref<80xf32, #tpu.memory_space<vmem>>) dst(%dma_wait3A_229 : memref<80000xf32, #tpu.memory_space<vmem_shared>>)
      %dma_wait3A_230 = arith.constant 7 : i32
      %dma_wait3A_231 = arith.constant 0 : i32
      %dma_wait3A_232 = tpu.memref_slice %arg11[%dma_wait3A_230, %dma_wait3A_231] : memref<25x80xi32, #tpu.memory_space<vmem>> -> memref<1x80xi32, #tpu.memory_space<vmem>>
      %dma_wait3A_233 = tpu.memref_squeeze %dma_wait3A_232 : memref<1x80xi32, #tpu.memory_space<vmem>> -> memref<80xi32, #tpu.memory_space<vmem>>
      %dma_wait3A_234 = arith.constant 0 : i32
      %dma_wait3A_235 = tpu.memref_slice %arg16[%dma_wait3A_234] : memref<80000xf32, #tpu.memory_space<vmem_shared>> -> memref<80000xf32, #tpu.memory_space<vmem_shared>>
      tpu.wait_indirect_dma semaphore(%arg15 : memref<!tpu.dma_semaphore, #tpu.memory_space<semaphore_mem>>) src(%arg12 : memref<80xf32, #tpu.memory_space<vmem>>) dst(%dma_wait3A_235 : memref<80000xf32, #tpu.memory_space<vmem_shared>>)
      %dma_wait3A_236 = arith.constant 8 : i32
      %dma_wait3A_237 = arith.constant 0 : i32
      %dma_wait3A_238 = tpu.memref_slice %arg11[%dma_wait3A_236, %dma_wait3A_237] : memref<25x80xi32, #tpu.memory_space<vmem>> -> memref<1x80xi32, #tpu.memory_space<vmem>>
      %dma_wait3A_239 = tpu.memref_squeeze %dma_wait3A_238 : memref<1x80xi32, #tpu.memory_space<vmem>> -> memref<80xi32, #tpu.memory_space<vmem>>
      %dma_wait3A_240 = arith.constant 0 : i32
      %dma_wait3A_241 = tpu.memref_slice %arg16[%dma_wait3A_240] : memref<80000xf32, #tpu.memory_space<vmem_shared>> -> memref<80000xf32, #tpu.memory_space<vmem_shared>>
      tpu.wait_indirect_dma semaphore(%arg15 : memref<!tpu.dma_semaphore, #tpu.memory_space<semaphore_mem>>) src(%arg12 : memref<80xf32, #tpu.memory_space<vmem>>) dst(%dma_wait3A_241 : memref<80000xf32, #tpu.memory_space<vmem_shared>>)
      %dma_wait3A_242 = arith.constant 9 : i32
      %dma_wait3A_243 = arith.constant 0 : i32
      %dma_wait3A_244 = tpu.memref_slice %arg11[%dma_wait3A_242, %dma_wait3A_243] : memref<25x80xi32, #tpu.memory_space<vmem>> -> memref<1x80xi32, #tpu.memory_space<vmem>>
      %dma_wait3A_245 = tpu.memref_squeeze %dma_wait3A_244 : memref<1x80xi32, #tpu.memory_space<vmem>> -> memref<80xi32, #tpu.memory_space<vmem>>
      %dma_wait3A_246 = arith.constant 0 : i32
      %dma_wait3A_247 = tpu.memref_slice %arg16[%dma_wait3A_246] : memref<80000xf32, #tpu.memory_space<vmem_shared>> -> memref<80000xf32, #tpu.memory_space<vmem_shared>>
      tpu.wait_indirect_dma semaphore(%arg15 : memref<!tpu.dma_semaphore, #tpu.memory_space<semaphore_mem>>) src(%arg12 : memref<80xf32, #tpu.memory_space<vmem>>) dst(%dma_wait3A_247 : memref<80000xf32, #tpu.memory_space<vmem_shared>>)
      %dma_wait3A_248 = arith.constant 10 : i32
      %dma_wait3A_249 = arith.constant 0 : i32
      %dma_wait3A_250 = tpu.memref_slice %arg11[%dma_wait3A_248, %dma_wait3A_249] : memref<25x80xi32, #tpu.memory_space<vmem>> -> memref<1x80xi32, #tpu.memory_space<vmem>>
      %dma_wait3A_251 = tpu.memref_squeeze %dma_wait3A_250 : memref<1x80xi32, #tpu.memory_space<vmem>> -> memref<80xi32, #tpu.memory_space<vmem>>
      %dma_wait3A_252 = arith.constant 0 : i32
      %dma_wait3A_253 = tpu.memref_slice %arg16[%dma_wait3A_252] : memref<80000xf32, #tpu.memory_space<vmem_shared>> -> memref<80000xf32, #tpu.memory_space<vmem_shared>>
      tpu.wait_indirect_dma semaphore(%arg15 : memref<!tpu.dma_semaphore, #tpu.memory_space<semaphore_mem>>) src(%arg12 : memref<80xf32, #tpu.memory_space<vmem>>) dst(%dma_wait3A_253 : memref<80000xf32, #tpu.memory_space<vmem_shared>>)
      %dma_wait3A_254 = arith.constant 11 : i32
      %dma_wait3A_255 = arith.constant 0 : i32
      %dma_wait3A_256 = tpu.memref_slice %arg11[%dma_wait3A_254, %dma_wait3A_255] : memref<25x80xi32, #tpu.memory_space<vmem>> -> memref<1x80xi32, #tpu.memory_space<vmem>>
      %dma_wait3A_257 = tpu.memref_squeeze %dma_wait3A_256 : memref<1x80xi32, #tpu.memory_space<vmem>> -> memref<80xi32, #tpu.memory_space<vmem>>
      %dma_wait3A_258 = arith.constant 0 : i32
      %dma_wait3A_259 = tpu.memref_slice %arg16[%dma_wait3A_258] : memref<80000xf32, #tpu.memory_space<vmem_shared>> -> memref<80000xf32, #tpu.memory_space<vmem_shared>>
      tpu.wait_indirect_dma semaphore(%arg15 : memref<!tpu.dma_semaphore, #tpu.memory_space<semaphore_mem>>) src(%arg12 : memref<80xf32, #tpu.memory_space<vmem>>) dst(%dma_wait3A_259 : memref<80000xf32, #tpu.memory_space<vmem_shared>>)
      %dma_wait3A_260 = arith.constant 12 : i32
      %dma_wait3A_261 = arith.constant 0 : i32
      %dma_wait3A_262 = tpu.memref_slice %arg11[%dma_wait3A_260, %dma_wait3A_261] : memref<25x80xi32, #tpu.memory_space<vmem>> -> memref<1x80xi32, #tpu.memory_space<vmem>>
      %dma_wait3A_263 = tpu.memref_squeeze %dma_wait3A_262 : memref<1x80xi32, #tpu.memory_space<vmem>> -> memref<80xi32, #tpu.memory_space<vmem>>
      %dma_wait3A_264 = arith.constant 0 : i32
      %dma_wait3A_265 = tpu.memref_slice %arg16[%dma_wait3A_264] : memref<80000xf32, #tpu.memory_space<vmem_shared>> -> memref<80000xf32, #tpu.memory_space<vmem_shared>>
      tpu.wait_indirect_dma semaphore(%arg15 : memref<!tpu.dma_semaphore, #tpu.memory_space<semaphore_mem>>) src(%arg12 : memref<80xf32, #tpu.memory_space<vmem>>) dst(%dma_wait3A_265 : memref<80000xf32, #tpu.memory_space<vmem_shared>>)
      %dma_wait3A_266 = arith.constant 13 : i32
      %dma_wait3A_267 = arith.constant 0 : i32
      %dma_wait3A_268 = tpu.memref_slice %arg11[%dma_wait3A_266, %dma_wait3A_267] : memref<25x80xi32, #tpu.memory_space<vmem>> -> memref<1x80xi32, #tpu.memory_space<vmem>>
      %dma_wait3A_269 = tpu.memref_squeeze %dma_wait3A_268 : memref<1x80xi32, #tpu.memory_space<vmem>> -> memref<80xi32, #tpu.memory_space<vmem>>
      %dma_wait3A_270 = arith.constant 0 : i32
      %dma_wait3A_271 = tpu.memref_slice %arg16[%dma_wait3A_270] : memref<80000xf32, #tpu.memory_space<vmem_shared>> -> memref<80000xf32, #tpu.memory_space<vmem_shared>>
      tpu.wait_indirect_dma semaphore(%arg15 : memref<!tpu.dma_semaphore, #tpu.memory_space<semaphore_mem>>) src(%arg12 : memref<80xf32, #tpu.memory_space<vmem>>) dst(%dma_wait3A_271 : memref<80000xf32, #tpu.memory_space<vmem_shared>>)
      %dma_wait3A_272 = arith.constant 14 : i32
      %dma_wait3A_273 = arith.constant 0 : i32
      %dma_wait3A_274 = tpu.memref_slice %arg11[%dma_wait3A_272, %dma_wait3A_273] : memref<25x80xi32, #tpu.memory_space<vmem>> -> memref<1x80xi32, #tpu.memory_space<vmem>>
      %dma_wait3A_275 = tpu.memref_squeeze %dma_wait3A_274 : memref<1x80xi32, #tpu.memory_space<vmem>> -> memref<80xi32, #tpu.memory_space<vmem>>
      %dma_wait3A_276 = arith.constant 0 : i32
      %dma_wait3A_277 = tpu.memref_slice %arg16[%dma_wait3A_276] : memref<80000xf32, #tpu.memory_space<vmem_shared>> -> memref<80000xf32, #tpu.memory_space<vmem_shared>>
      tpu.wait_indirect_dma semaphore(%arg15 : memref<!tpu.dma_semaphore, #tpu.memory_space<semaphore_mem>>) src(%arg12 : memref<80xf32, #tpu.memory_space<vmem>>) dst(%dma_wait3A_277 : memref<80000xf32, #tpu.memory_space<vmem_shared>>)
      %dma_wait3A_278 = arith.constant 15 : i32
      %dma_wait3A_279 = arith.constant 0 : i32
      %dma_wait3A_280 = tpu.memref_slice %arg11[%dma_wait3A_278, %dma_wait3A_279] : memref<25x80xi32, #tpu.memory_space<vmem>> -> memref<1x80xi32, #tpu.memory_space<vmem>>
      %dma_wait3A_281 = tpu.memref_squeeze %dma_wait3A_280 : memref<1x80xi32, #tpu.memory_space<vmem>> -> memref<80xi32, #tpu.memory_space<vmem>>
      %dma_wait3A_282 = arith.constant 0 : i32
      %dma_wait3A_283 = tpu.memref_slice %arg16[%dma_wait3A_282] : memref<80000xf32, #tpu.memory_space<vmem_shared>> -> memref<80000xf32, #tpu.memory_space<vmem_shared>>
      tpu.wait_indirect_dma semaphore(%arg15 : memref<!tpu.dma_semaphore, #tpu.memory_space<semaphore_mem>>) src(%arg12 : memref<80xf32, #tpu.memory_space<vmem>>) dst(%dma_wait3A_283 : memref<80000xf32, #tpu.memory_space<vmem_shared>>)
      %dma_wait3A_284 = arith.constant 16 : i32
      %dma_wait3A_285 = arith.constant 0 : i32
      %dma_wait3A_286 = tpu.memref_slice %arg11[%dma_wait3A_284, %dma_wait3A_285] : memref<25x80xi32, #tpu.memory_space<vmem>> -> memref<1x80xi32, #tpu.memory_space<vmem>>
      %dma_wait3A_287 = tpu.memref_squeeze %dma_wait3A_286 : memref<1x80xi32, #tpu.memory_space<vmem>> -> memref<80xi32, #tpu.memory_space<vmem>>
      %dma_wait3A_288 = arith.constant 0 : i32
      %dma_wait3A_289 = tpu.memref_slice %arg16[%dma_wait3A_288] : memref<80000xf32, #tpu.memory_space<vmem_shared>> -> memref<80000xf32, #tpu.memory_space<vmem_shared>>
      tpu.wait_indirect_dma semaphore(%arg15 : memref<!tpu.dma_semaphore, #tpu.memory_space<semaphore_mem>>) src(%arg12 : memref<80xf32, #tpu.memory_space<vmem>>) dst(%dma_wait3A_289 : memref<80000xf32, #tpu.memory_space<vmem_shared>>)
      %dma_wait3A_290 = arith.constant 17 : i32
      %dma_wait3A_291 = arith.constant 0 : i32
      %dma_wait3A_292 = tpu.memref_slice %arg11[%dma_wait3A_290, %dma_wait3A_291] : memref<25x80xi32, #tpu.memory_space<vmem>> -> memref<1x80xi32, #tpu.memory_space<vmem>>
      %dma_wait3A_293 = tpu.memref_squeeze %dma_wait3A_292 : memref<1x80xi32, #tpu.memory_space<vmem>> -> memref<80xi32, #tpu.memory_space<vmem>>
      %dma_wait3A_294 = arith.constant 0 : i32
      %dma_wait3A_295 = tpu.memref_slice %arg16[%dma_wait3A_294] : memref<80000xf32, #tpu.memory_space<vmem_shared>> -> memref<80000xf32, #tpu.memory_space<vmem_shared>>
      tpu.wait_indirect_dma semaphore(%arg15 : memref<!tpu.dma_semaphore, #tpu.memory_space<semaphore_mem>>) src(%arg12 : memref<80xf32, #tpu.memory_space<vmem>>) dst(%dma_wait3A_295 : memref<80000xf32, #tpu.memory_space<vmem_shared>>)
      %dma_wait3A_296 = arith.constant 18 : i32
      %dma_wait3A_297 = arith.constant 0 : i32
      %dma_wait3A_298 = tpu.memref_slice %arg11[%dma_wait3A_296, %dma_wait3A_297] : memref<25x80xi32, #tpu.memory_space<vmem>> -> memref<1x80xi32, #tpu.memory_space<vmem>>
      %dma_wait3A_299 = tpu.memref_squeeze %dma_wait3A_298 : memref<1x80xi32, #tpu.memory_space<vmem>> -> memref<80xi32, #tpu.memory_space<vmem>>
      %dma_wait3A_300 = arith.constant 0 : i32
      %dma_wait3A_301 = tpu.memref_slice %arg16[%dma_wait3A_300] : memref<80000xf32, #tpu.memory_space<vmem_shared>> -> memref<80000xf32, #tpu.memory_space<vmem_shared>>
      tpu.wait_indirect_dma semaphore(%arg15 : memref<!tpu.dma_semaphore, #tpu.memory_space<semaphore_mem>>) src(%arg12 : memref<80xf32, #tpu.memory_space<vmem>>) dst(%dma_wait3A_301 : memref<80000xf32, #tpu.memory_space<vmem_shared>>)
      %dma_wait3A_302 = arith.constant 19 : i32
      %dma_wait3A_303 = arith.constant 0 : i32
      %dma_wait3A_304 = tpu.memref_slice %arg11[%dma_wait3A_302, %dma_wait3A_303] : memref<25x80xi32, #tpu.memory_space<vmem>> -> memref<1x80xi32, #tpu.memory_space<vmem>>
      %dma_wait3A_305 = tpu.memref_squeeze %dma_wait3A_304 : memref<1x80xi32, #tpu.memory_space<vmem>> -> memref<80xi32, #tpu.memory_space<vmem>>
      %dma_wait3A_306 = arith.constant 0 : i32
      %dma_wait3A_307 = tpu.memref_slice %arg16[%dma_wait3A_306] : memref<80000xf32, #tpu.memory_space<vmem_shared>> -> memref<80000xf32, #tpu.memory_space<vmem_shared>>
      tpu.wait_indirect_dma semaphore(%arg15 : memref<!tpu.dma_semaphore, #tpu.memory_space<semaphore_mem>>) src(%arg12 : memref<80xf32, #tpu.memory_space<vmem>>) dst(%dma_wait3A_307 : memref<80000xf32, #tpu.memory_space<vmem_shared>>)
      %dma_wait3A_308 = arith.constant 20 : i32
      %dma_wait3A_309 = arith.constant 0 : i32
      %dma_wait3A_310 = tpu.memref_slice %arg11[%dma_wait3A_308, %dma_wait3A_309] : memref<25x80xi32, #tpu.memory_space<vmem>> -> memref<1x80xi32, #tpu.memory_space<vmem>>
      %dma_wait3A_311 = tpu.memref_squeeze %dma_wait3A_310 : memref<1x80xi32, #tpu.memory_space<vmem>> -> memref<80xi32, #tpu.memory_space<vmem>>
      %dma_wait3A_312 = arith.constant 0 : i32
      %dma_wait3A_313 = tpu.memref_slice %arg16[%dma_wait3A_312] : memref<80000xf32, #tpu.memory_space<vmem_shared>> -> memref<80000xf32, #tpu.memory_space<vmem_shared>>
      tpu.wait_indirect_dma semaphore(%arg15 : memref<!tpu.dma_semaphore, #tpu.memory_space<semaphore_mem>>) src(%arg12 : memref<80xf32, #tpu.memory_space<vmem>>) dst(%dma_wait3A_313 : memref<80000xf32, #tpu.memory_space<vmem_shared>>)
      %dma_wait3A_314 = arith.constant 21 : i32
      %dma_wait3A_315 = arith.constant 0 : i32
      %dma_wait3A_316 = tpu.memref_slice %arg11[%dma_wait3A_314, %dma_wait3A_315] : memref<25x80xi32, #tpu.memory_space<vmem>> -> memref<1x80xi32, #tpu.memory_space<vmem>>
      %dma_wait3A_317 = tpu.memref_squeeze %dma_wait3A_316 : memref<1x80xi32, #tpu.memory_space<vmem>> -> memref<80xi32, #tpu.memory_space<vmem>>
      %dma_wait3A_318 = arith.constant 0 : i32
      %dma_wait3A_319 = tpu.memref_slice %arg16[%dma_wait3A_318] : memref<80000xf32, #tpu.memory_space<vmem_shared>> -> memref<80000xf32, #tpu.memory_space<vmem_shared>>
      tpu.wait_indirect_dma semaphore(%arg15 : memref<!tpu.dma_semaphore, #tpu.memory_space<semaphore_mem>>) src(%arg12 : memref<80xf32, #tpu.memory_space<vmem>>) dst(%dma_wait3A_319 : memref<80000xf32, #tpu.memory_space<vmem_shared>>)
      %dma_wait3A_320 = arith.constant 22 : i32
      %dma_wait3A_321 = arith.constant 0 : i32
      %dma_wait3A_322 = tpu.memref_slice %arg11[%dma_wait3A_320, %dma_wait3A_321] : memref<25x80xi32, #tpu.memory_space<vmem>> -> memref<1x80xi32, #tpu.memory_space<vmem>>
      %dma_wait3A_323 = tpu.memref_squeeze %dma_wait3A_322 : memref<1x80xi32, #tpu.memory_space<vmem>> -> memref<80xi32, #tpu.memory_space<vmem>>
      %dma_wait3A_324 = arith.constant 0 : i32
      %dma_wait3A_325 = tpu.memref_slice %arg16[%dma_wait3A_324] : memref<80000xf32, #tpu.memory_space<vmem_shared>> -> memref<80000xf32, #tpu.memory_space<vmem_shared>>
      tpu.wait_indirect_dma semaphore(%arg15 : memref<!tpu.dma_semaphore, #tpu.memory_space<semaphore_mem>>) src(%arg12 : memref<80xf32, #tpu.memory_space<vmem>>) dst(%dma_wait3A_325 : memref<80000xf32, #tpu.memory_space<vmem_shared>>)
      %dma_wait3A_326 = arith.constant 23 : i32
      %dma_wait3A_327 = arith.constant 0 : i32
      %dma_wait3A_328 = tpu.memref_slice %arg11[%dma_wait3A_326, %dma_wait3A_327] : memref<25x80xi32, #tpu.memory_space<vmem>> -> memref<1x80xi32, #tpu.memory_space<vmem>>
      %dma_wait3A_329 = tpu.memref_squeeze %dma_wait3A_328 : memref<1x80xi32, #tpu.memory_space<vmem>> -> memref<80xi32, #tpu.memory_space<vmem>>
      %dma_wait3A_330 = arith.constant 0 : i32
      %dma_wait3A_331 = tpu.memref_slice %arg16[%dma_wait3A_330] : memref<80000xf32, #tpu.memory_space<vmem_shared>> -> memref<80000xf32, #tpu.memory_space<vmem_shared>>
      tpu.wait_indirect_dma semaphore(%arg15 : memref<!tpu.dma_semaphore, #tpu.memory_space<semaphore_mem>>) src(%arg12 : memref<80xf32, #tpu.memory_space<vmem>>) dst(%dma_wait3A_331 : memref<80000xf32, #tpu.memory_space<vmem_shared>>)
      %dma_wait3A_332 = arith.constant 24 : i32
      %dma_wait3A_333 = arith.constant 0 : i32
      %dma_wait3A_334 = tpu.memref_slice %arg11[%dma_wait3A_332, %dma_wait3A_333] : memref<25x80xi32, #tpu.memory_space<vmem>> -> memref<1x80xi32, #tpu.memory_space<vmem>>
      %dma_wait3A_335 = tpu.memref_squeeze %dma_wait3A_334 : memref<1x80xi32, #tpu.memory_space<vmem>> -> memref<80xi32, #tpu.memory_space<vmem>>
      %dma_wait3A_336 = arith.constant 0 : i32
      %dma_wait3A_337 = tpu.memref_slice %arg16[%dma_wait3A_336] : memref<80000xf32, #tpu.memory_space<vmem_shared>> -> memref<80000xf32, #tpu.memory_space<vmem_shared>>
      tpu.wait_indirect_dma semaphore(%arg15 : memref<!tpu.dma_semaphore, #tpu.memory_space<semaphore_mem>>) src(%arg12 : memref<80xf32, #tpu.memory_space<vmem>>) dst(%dma_wait3A_337 : memref<80000xf32, #tpu.memory_space<vmem_shared>>)
      %scan3A_338 = arith.constant 0 : i32
      scf.yield %scan3A_338 : i32
    }
    %scan3A_16 = arith.constant 10 : i32
    %barrier3A_17 = arith.constant 0 : index
    tpu.barrier barrier_id(%barrier3A_17)
    "tpu.region"() ({
      %run_scoped3A = tpu.sem_alloc : memref<!tpu.dma_semaphore, #tpu.memory_space<semaphore_mem>>
      tpu.enqueue_dma source(%arg16 : memref<80000xf32, #tpu.memory_space<vmem_shared>>) target(%arg14 : memref<80000xf32, #tpu.memory_space<vmem>>) target_semaphore(%run_scoped3A : memref<!tpu.dma_semaphore, #tpu.memory_space<semaphore_mem>>)
      tpu.wait_dma2 semaphore(%run_scoped3A : memref<!tpu.dma_semaphore, #tpu.memory_space<semaphore_mem>>) src(%arg16 : memref<80000xf32, #tpu.memory_space<vmem_shared>>) dst(%arg14 : memref<80000xf32, #tpu.memory_space<vmem>>)
      tpu.yield
    }) : () -> ()
    %scan3A_18 = arith.constant 0 : i32
    %scan3A_19 = arith.constant 0 : i32
    %scan3A_20 = arith.constant 5 : i32
    %scan3A_21 = arith.addi %scan3A_19, %scan3A_20 : i32
    %scan3A_22 = arith.constant 1 : i32
    %scan3A_23 = scf.for %scan3A_25 = %scan3A_19 to %scan3A_21 step %scan3A_22 iter_args(%scan3A_26 = %scan3A_18) -> (i32)  : i32 {
      %mul3A_27 = arith.constant 5 : i32
      %mul3A_28 = arith.muli %add3A, %mul3A_27 : i32
      %add3A_29 = arith.addi %mul3A_28, %scan3A_25 : i32
      %run_scoped3A = arith.constant 1 : i32
      "tpu.region"() ({
        %run_scoped3A_38 = tpu.sem_alloc : memref<!tpu.dma_semaphore, #tpu.memory_space<semaphore_mem>>
        %dma_start3A = arith.constant 0 : i32
        %dma_start3A_39 = arith.constant 0 : i32
        %dma_start3A_40 = tpu.memref_slice %arg2[%run_scoped3A, %add3A_29, %dma_start3A, %dma_start3A_39] : memref<2x160x25x80xi32, #tpu.memory_space<hbm>> -> memref<1x1x25x80xi32, #tpu.memory_space<hbm>>
        %dma_start3A_41 = tpu.memref_squeeze %dma_start3A_40 : memref<1x1x25x80xi32, #tpu.memory_space<hbm>> -> memref<25x80xi32, #tpu.memory_space<hbm>>
        %dma_start3A_42 = arith.constant 0 : i32
        %dma_start3A_43 = arith.constant 0 : i32
        %dma_start3A_44 = tpu.memref_slice %arg2[%run_scoped3A, %add3A_29, %dma_start3A_42, %dma_start3A_43] : memref<2x160x25x80xi32, #tpu.memory_space<hbm>> -> memref<1x1x25x80xi32, #tpu.memory_space<hbm>>
        %dma_start3A_45 = tpu.memref_squeeze %dma_start3A_44 : memref<1x1x25x80xi32, #tpu.memory_space<hbm>> -> memref<25x80xi32, #tpu.memory_space<hbm>>
        tpu.enqueue_dma source(%dma_start3A_45 : memref<25x80xi32, #tpu.memory_space<hbm>>) target(%arg8 : memref<25x80xi32, #tpu.memory_space<vmem>>) target_semaphore(%run_scoped3A_38 : memref<!tpu.dma_semaphore, #tpu.memory_space<semaphore_mem>>)
        %dma_wait3A = arith.constant 0 : i32
        %dma_wait3A_46 = arith.constant 0 : i32
        %dma_wait3A_47 = tpu.memref_slice %arg2[%run_scoped3A, %add3A_29, %dma_wait3A, %dma_wait3A_46] : memref<2x160x25x80xi32, #tpu.memory_space<hbm>> -> memref<1x1x25x80xi32, #tpu.memory_space<hbm>>
        %dma_wait3A_48 = tpu.memref_squeeze %dma_wait3A_47 : memref<1x1x25x80xi32, #tpu.memory_space<hbm>> -> memref<25x80xi32, #tpu.memory_space<hbm>>
        %dma_wait3A_49 = arith.constant 0 : i32
        %dma_wait3A_50 = arith.constant 0 : i32
        %dma_wait3A_51 = tpu.memref_slice %arg2[%run_scoped3A, %add3A_29, %dma_wait3A_49, %dma_wait3A_50] : memref<2x160x25x80xi32, #tpu.memory_space<hbm>> -> memref<1x1x25x80xi32, #tpu.memory_space<hbm>>
        %dma_wait3A_52 = tpu.memref_squeeze %dma_wait3A_51 : memref<1x1x25x80xi32, #tpu.memory_space<hbm>> -> memref<25x80xi32, #tpu.memory_space<hbm>>
        tpu.wait_dma2 semaphore(%run_scoped3A_38 : memref<!tpu.dma_semaphore, #tpu.memory_space<semaphore_mem>>) src(%dma_wait3A_52 : memref<25x80xi32, #tpu.memory_space<hbm>>) dst(%arg8 : memref<25x80xi32, #tpu.memory_space<vmem>>)
        tpu.yield
      }) : () -> ()
      "tpu.region"() ({
        %run_scoped3A_38 = tpu.sem_alloc : memref<!tpu.dma_semaphore, #tpu.memory_space<semaphore_mem>>
        %dma_start3A = arith.constant 0 : i32
        %dma_start3A_39 = arith.constant 0 : i32
        %dma_start3A_40 = tpu.memref_slice %arg3[%add3A_29, %dma_start3A, %dma_start3A_39] : memref<160x25x80xi32, #tpu.memory_space<hbm>> -> memref<1x25x80xi32, #tpu.memory_space<hbm>>
        %dma_start3A_41 = tpu.memref_squeeze %dma_start3A_40 : memref<1x25x80xi32, #tpu.memory_space<hbm>> -> memref<25x80xi32, #tpu.memory_space<hbm>>
        %dma_start3A_42 = arith.constant 0 : i32
        %dma_start3A_43 = arith.constant 0 : i32
        %dma_start3A_44 = tpu.memref_slice %arg3[%add3A_29, %dma_start3A_42, %dma_start3A_43] : memref<160x25x80xi32, #tpu.memory_space<hbm>> -> memref<1x25x80xi32, #tpu.memory_space<hbm>>
        %dma_start3A_45 = tpu.memref_squeeze %dma_start3A_44 : memref<1x25x80xi32, #tpu.memory_space<hbm>> -> memref<25x80xi32, #tpu.memory_space<hbm>>
        tpu.enqueue_dma source(%dma_start3A_45 : memref<25x80xi32, #tpu.memory_space<hbm>>) target(%arg9 : memref<25x80xi32, #tpu.memory_space<vmem>>) target_semaphore(%run_scoped3A_38 : memref<!tpu.dma_semaphore, #tpu.memory_space<semaphore_mem>>)
        %dma_wait3A = arith.constant 0 : i32
        %dma_wait3A_46 = arith.constant 0 : i32
        %dma_wait3A_47 = tpu.memref_slice %arg3[%add3A_29, %dma_wait3A, %dma_wait3A_46] : memref<160x25x80xi32, #tpu.memory_space<hbm>> -> memref<1x25x80xi32, #tpu.memory_space<hbm>>
        %dma_wait3A_48 = tpu.memref_squeeze %dma_wait3A_47 : memref<1x25x80xi32, #tpu.memory_space<hbm>> -> memref<25x80xi32, #tpu.memory_space<hbm>>
        %dma_wait3A_49 = arith.constant 0 : i32
        %dma_wait3A_50 = arith.constant 0 : i32
        %dma_wait3A_51 = tpu.memref_slice %arg3[%add3A_29, %dma_wait3A_49, %dma_wait3A_50] : memref<160x25x80xi32, #tpu.memory_space<hbm>> -> memref<1x25x80xi32, #tpu.memory_space<hbm>>
        %dma_wait3A_52 = tpu.memref_squeeze %dma_wait3A_51 : memref<1x25x80xi32, #tpu.memory_space<hbm>> -> memref<25x80xi32, #tpu.memory_space<hbm>>
        tpu.wait_dma2 semaphore(%run_scoped3A_38 : memref<!tpu.dma_semaphore, #tpu.memory_space<semaphore_mem>>) src(%dma_wait3A_52 : memref<25x80xi32, #tpu.memory_space<hbm>>) dst(%arg9 : memref<25x80xi32, #tpu.memory_space<vmem>>)
        tpu.yield
      }) : () -> ()
      %scan3A_30 = arith.constant 0 : i32
      %scan3A_31 = arith.constant 0 : i32
      %scan3A_32 = arith.constant 25 : i32
      %scan3A_33 = arith.addi %scan3A_31, %scan3A_32 : i32
      %scan3A_34 = arith.constant 1 : i32
      %scan3A_35 = scf.for %scan3A_38 = %scan3A_31 to %scan3A_33 step %scan3A_34 iter_args(%scan3A_39 = %scan3A_30) -> (i32)  : i32 {
        %get3A = arith.index_cast %scan3A_38 : i32 to index
        %get3A_40 = arith.constant 0 : index
        %get3A_41 = tpu.vector_load %arg8[%get3A, %get3A_40] {strides = array<i32>} : memref<25x80xi32, #tpu.memory_space<vmem>>, vector<16xi32>,
        %mul3A_42 = arith.constant 8 : i32
        %mul3A_43 = vector.broadcast %mul3A_42 : i32 to vector<16xi32>
        %mul3A_44 = arith.muli %get3A_41, %mul3A_43 : vector<16xi32>
        %get3A_45 = arith.index_cast %scan3A_38 : i32 to index
        %get3A_46 = arith.constant 0 : index
        %get3A_47 = tpu.vector_load %arg9[%get3A_45, %get3A_46] {strides = array<i32>} : memref<25x80xi32, #tpu.memory_space<vmem>>, vector<16xi32>,
        %add3A_48 = arith.addi %mul3A_44, %get3A_47 : vector<16xi32>
        %gather3A = tpu.vector_load_idx %arg14[%add3A_48] : memref<80000xf32, #tpu.memory_space<vmem>>[vector<16xi32>], vector<16xf32>,
        %max3A = arith.constant 1.000000e+00 : f32
        %max3A_49 = vector.broadcast %max3A : f32 to vector<16xf32>
        %max3A_50 = arith.maximumf %gather3A, %max3A_49 : vector<16xf32>
        %div3A = arith.constant 1.000000e+00 : f32
        %div3A_51 = vector.broadcast %div3A : f32 to vector<16xf32>
        %div3A_52 = arith.divf %div3A_51, %max3A_50 : vector<16xf32>
        %swap3A = arith.index_cast %scan3A_38 : i32 to index
        %swap3A_53 = arith.constant 0 : index
        %swap3A_54 = tpu.vector_load %arg13[%swap3A, %swap3A_53] {strides = array<i32>} : memref<25x80xf32, #tpu.memory_space<vmem>>, vector<16xf32>,
        tpu.vector_store %arg13[%swap3A, %swap3A_53], %div3A_52 {strides = array<i32>} : memref<25x80xf32, #tpu.memory_space<vmem>>, vector<16xf32>,
        %get3A_55 = arith.index_cast %scan3A_38 : i32 to index
        %get3A_56 = arith.constant 16 : index
        %get3A_57 = tpu.vector_load %arg8[%get3A_55, %get3A_56] {strides = array<i32>} : memref<25x80xi32, #tpu.memory_space<vmem>>, vector<16xi32>,
        %mul3A_58 = arith.constant 8 : i32
        %mul3A_59 = vector.broadcast %mul3A_58 : i32 to vector<16xi32>
        %mul3A_60 = arith.muli %get3A_57, %mul3A_59 : vector<16xi32>
        %get3A_61 = arith.index_cast %scan3A_38 : i32 to index
        %get3A_62 = arith.constant 16 : index
        %get3A_63 = tpu.vector_load %arg9[%get3A_61, %get3A_62] {strides = array<i32>} : memref<25x80xi32, #tpu.memory_space<vmem>>, vector<16xi32>,
        %add3A_64 = arith.addi %mul3A_60, %get3A_63 : vector<16xi32>
        %gather3A_65 = tpu.vector_load_idx %arg14[%add3A_64] : memref<80000xf32, #tpu.memory_space<vmem>>[vector<16xi32>], vector<16xf32>,
        %max3A_66 = arith.constant 1.000000e+00 : f32
        %max3A_67 = vector.broadcast %max3A_66 : f32 to vector<16xf32>
        %max3A_68 = arith.maximumf %gather3A_65, %max3A_67 : vector<16xf32>
        %div3A_69 = arith.constant 1.000000e+00 : f32
        %div3A_70 = vector.broadcast %div3A_69 : f32 to vector<16xf32>
        %div3A_71 = arith.divf %div3A_70, %max3A_68 : vector<16xf32>
        %swap3A_72 = arith.index_cast %scan3A_38 : i32 to index
        %swap3A_73 = arith.constant 16 : index
        %swap3A_74 = tpu.vector_load %arg13[%swap3A_72, %swap3A_73] {strides = array<i32>} : memref<25x80xf32, #tpu.memory_space<vmem>>, vector<16xf32>,
        tpu.vector_store %arg13[%swap3A_72, %swap3A_73], %div3A_71 {strides = array<i32>} : memref<25x80xf32, #tpu.memory_space<vmem>>, vector<16xf32>,
        %get3A_75 = arith.index_cast %scan3A_38 : i32 to index
        %get3A_76 = arith.constant 32 : index
        %get3A_77 = tpu.vector_load %arg8[%get3A_75, %get3A_76] {strides = array<i32>} : memref<25x80xi32, #tpu.memory_space<vmem>>, vector<16xi32>,
        %mul3A_78 = arith.constant 8 : i32
        %mul3A_79 = vector.broadcast %mul3A_78 : i32 to vector<16xi32>
        %mul3A_80 = arith.muli %get3A_77, %mul3A_79 : vector<16xi32>
        %get3A_81 = arith.index_cast %scan3A_38 : i32 to index
        %get3A_82 = arith.constant 32 : index
        %get3A_83 = tpu.vector_load %arg9[%get3A_81, %get3A_82] {strides = array<i32>} : memref<25x80xi32, #tpu.memory_space<vmem>>, vector<16xi32>,
        %add3A_84 = arith.addi %mul3A_80, %get3A_83 : vector<16xi32>
        %gather3A_85 = tpu.vector_load_idx %arg14[%add3A_84] : memref<80000xf32, #tpu.memory_space<vmem>>[vector<16xi32>], vector<16xf32>,
        %max3A_86 = arith.constant 1.000000e+00 : f32
        %max3A_87 = vector.broadcast %max3A_86 : f32 to vector<16xf32>
        %max3A_88 = arith.maximumf %gather3A_85, %max3A_87 : vector<16xf32>
        %div3A_89 = arith.constant 1.000000e+00 : f32
        %div3A_90 = vector.broadcast %div3A_89 : f32 to vector<16xf32>
        %div3A_91 = arith.divf %div3A_90, %max3A_88 : vector<16xf32>
        %swap3A_92 = arith.index_cast %scan3A_38 : i32 to index
        %swap3A_93 = arith.constant 32 : index
        %swap3A_94 = tpu.vector_load %arg13[%swap3A_92, %swap3A_93] {strides = array<i32>} : memref<25x80xf32, #tpu.memory_space<vmem>>, vector<16xf32>,
        tpu.vector_store %arg13[%swap3A_92, %swap3A_93], %div3A_91 {strides = array<i32>} : memref<25x80xf32, #tpu.memory_space<vmem>>, vector<16xf32>,
        %get3A_95 = arith.index_cast %scan3A_38 : i32 to index
        %get3A_96 = arith.constant 48 : index
        %get3A_97 = tpu.vector_load %arg8[%get3A_95, %get3A_96] {strides = array<i32>} : memref<25x80xi32, #tpu.memory_space<vmem>>, vector<16xi32>,
        %mul3A_98 = arith.constant 8 : i32
        %mul3A_99 = vector.broadcast %mul3A_98 : i32 to vector<16xi32>
        %mul3A_100 = arith.muli %get3A_97, %mul3A_99 : vector<16xi32>
        %get3A_101 = arith.index_cast %scan3A_38 : i32 to index
        %get3A_102 = arith.constant 48 : index
        %get3A_103 = tpu.vector_load %arg9[%get3A_101, %get3A_102] {strides = array<i32>} : memref<25x80xi32, #tpu.memory_space<vmem>>, vector<16xi32>,
        %add3A_104 = arith.addi %mul3A_100, %get3A_103 : vector<16xi32>
        %gather3A_105 = tpu.vector_load_idx %arg14[%add3A_104] : memref<80000xf32, #tpu.memory_space<vmem>>[vector<16xi32>], vector<16xf32>,
        %max3A_106 = arith.constant 1.000000e+00 : f32
        %max3A_107 = vector.broadcast %max3A_106 : f32 to vector<16xf32>
        %max3A_108 = arith.maximumf %gather3A_105, %max3A_107 : vector<16xf32>
        %div3A_109 = arith.constant 1.000000e+00 : f32
        %div3A_110 = vector.broadcast %div3A_109 : f32 to vector<16xf32>
        %div3A_111 = arith.divf %div3A_110, %max3A_108 : vector<16xf32>
        %swap3A_112 = arith.index_cast %scan3A_38 : i32 to index
        %swap3A_113 = arith.constant 48 : index
        %swap3A_114 = tpu.vector_load %arg13[%swap3A_112, %swap3A_113] {strides = array<i32>} : memref<25x80xf32, #tpu.memory_space<vmem>>, vector<16xf32>,
        tpu.vector_store %arg13[%swap3A_112, %swap3A_113], %div3A_111 {strides = array<i32>} : memref<25x80xf32, #tpu.memory_space<vmem>>, vector<16xf32>,
        %get3A_115 = arith.index_cast %scan3A_38 : i32 to index
        %get3A_116 = arith.constant 64 : index
        %get3A_117 = tpu.vector_load %arg8[%get3A_115, %get3A_116] {strides = array<i32>} : memref<25x80xi32, #tpu.memory_space<vmem>>, vector<16xi32>,
        %mul3A_118 = arith.constant 8 : i32
        %mul3A_119 = vector.broadcast %mul3A_118 : i32 to vector<16xi32>
        %mul3A_120 = arith.muli %get3A_117, %mul3A_119 : vector<16xi32>
        %get3A_121 = arith.index_cast %scan3A_38 : i32 to index
        %get3A_122 = arith.constant 64 : index
        %get3A_123 = tpu.vector_load %arg9[%get3A_121, %get3A_122] {strides = array<i32>} : memref<25x80xi32, #tpu.memory_space<vmem>>, vector<16xi32>,
        %add3A_124 = arith.addi %mul3A_120, %get3A_123 : vector<16xi32>
        %gather3A_125 = tpu.vector_load_idx %arg14[%add3A_124] : memref<80000xf32, #tpu.memory_space<vmem>>[vector<16xi32>], vector<16xf32>,
        %max3A_126 = arith.constant 1.000000e+00 : f32
        %max3A_127 = vector.broadcast %max3A_126 : f32 to vector<16xf32>
        %max3A_128 = arith.maximumf %gather3A_125, %max3A_127 : vector<16xf32>
        %div3A_129 = arith.constant 1.000000e+00 : f32
        %div3A_130 = vector.broadcast %div3A_129 : f32 to vector<16xf32>
        %div3A_131 = arith.divf %div3A_130, %max3A_128 : vector<16xf32>
        %swap3A_132 = arith.index_cast %scan3A_38 : i32 to index
        %swap3A_133 = arith.constant 64 : index
        %swap3A_134 = tpu.vector_load %arg13[%swap3A_132, %swap3A_133] {strides = array<i32>} : memref<25x80xf32, #tpu.memory_space<vmem>>, vector<16xf32>,
        tpu.vector_store %arg13[%swap3A_132, %swap3A_133], %div3A_131 {strides = array<i32>} : memref<25x80xf32, #tpu.memory_space<vmem>>, vector<16xf32>,
        %scan3A_135 = arith.constant 0 : i32
        scf.yield %scan3A_135 : i32
      }
      %scan3A_36 = arith.constant 25 : i32
      "tpu.region"() ({
        %run_scoped3A_38 = tpu.sem_alloc : memref<!tpu.dma_semaphore, #tpu.memory_space<semaphore_mem>>
        %dma_start3A = arith.constant 0 : i32
        %dma_start3A_39 = arith.constant 0 : i32
        %dma_start3A_40 = tpu.memref_slice %arg6[%add3A_29, %dma_start3A, %dma_start3A_39] : memref<160x25x80xf32, #tpu.memory_space<hbm>> -> memref<1x25x80xf32, #tpu.memory_space<hbm>>
        %dma_start3A_41 = tpu.memref_squeeze %dma_start3A_40 : memref<1x25x80xf32, #tpu.memory_space<hbm>> -> memref<25x80xf32, #tpu.memory_space<hbm>>
        %dma_start3A_42 = arith.constant 0 : i32
        %dma_start3A_43 = arith.constant 0 : i32
        %dma_start3A_44 = tpu.memref_slice %arg6[%add3A_29, %dma_start3A_42, %dma_start3A_43] : memref<160x25x80xf32, #tpu.memory_space<hbm>> -> memref<1x25x80xf32, #tpu.memory_space<hbm>>
        %dma_start3A_45 = tpu.memref_squeeze %dma_start3A_44 : memref<1x25x80xf32, #tpu.memory_space<hbm>> -> memref<25x80xf32, #tpu.memory_space<hbm>>
        tpu.enqueue_dma source(%arg13 : memref<25x80xf32, #tpu.memory_space<vmem>>) target(%dma_start3A_45 : memref<25x80xf32, #tpu.memory_space<hbm>>) target_semaphore(%run_scoped3A_38 : memref<!tpu.dma_semaphore, #tpu.memory_space<semaphore_mem>>)
        %dma_wait3A = arith.constant 0 : i32
        %dma_wait3A_46 = arith.constant 0 : i32
        %dma_wait3A_47 = tpu.memref_slice %arg6[%add3A_29, %dma_wait3A, %dma_wait3A_46] : memref<160x25x80xf32, #tpu.memory_space<hbm>> -> memref<1x25x80xf32, #tpu.memory_space<hbm>>
        %dma_wait3A_48 = tpu.memref_squeeze %dma_wait3A_47 : memref<1x25x80xf32, #tpu.memory_space<hbm>> -> memref<25x80xf32, #tpu.memory_space<hbm>>
        %dma_wait3A_49 = arith.constant 0 : i32
        %dma_wait3A_50 = arith.constant 0 : i32
        %dma_wait3A_51 = tpu.memref_slice %arg6[%add3A_29, %dma_wait3A_49, %dma_wait3A_50] : memref<160x25x80xf32, #tpu.memory_space<hbm>> -> memref<1x25x80xf32, #tpu.memory_space<hbm>>
        %dma_wait3A_52 = tpu.memref_squeeze %dma_wait3A_51 : memref<1x25x80xf32, #tpu.memory_space<hbm>> -> memref<25x80xf32, #tpu.memory_space<hbm>>
        tpu.wait_dma2 semaphore(%run_scoped3A_38 : memref<!tpu.dma_semaphore, #tpu.memory_space<semaphore_mem>>) src(%arg13 : memref<25x80xf32, #tpu.memory_space<vmem>>) dst(%dma_wait3A_52 : memref<25x80xf32, #tpu.memory_space<hbm>>)
        tpu.yield
      }) : () -> ()
      %scan3A_37 = arith.constant 0 : i32
      scf.yield %scan3A_37 : i32
    }
    %scan3A_24 = arith.constant 5 : i32
    return
  }
}

#map = affine_map<(d0, d1) -> (0, 0)>
#map1 = affine_map<(d0, d1) -> (0, 0, 0)>
#map2 = affine_map<(d0, d1) -> (0, 0, 0, 0)>
module attributes {stable_mosaic.version = 14 : i64} {
  func.func @_sc_agg_body(%arg0: i32, %arg1: i32, %arg2: memref<90000x128xf32, #tpu.memory_space<hbm>>, %arg3: memref<160x16x125xi32, #tpu.memory_space<hbm>>, %arg4: memref<2x160x16x125xi32, #tpu.memory_space<hbm>>, %arg5: memref<160x16x125xf32, #tpu.memory_space<hbm>>, %arg6: memref<10000x128xf32, #tpu.memory_space<hbm>>, %arg7: memref<2x10000x128xf32, #tpu.memory_space<hbm>>, %arg8: memref<16x125xi32, #tpu.memory_space<vmem>>, %arg9: memref<16x125xi32, #tpu.memory_space<vmem>>, %arg10: memref<16x125xf32, #tpu.memory_space<vmem>>, %arg11: memref<125x128xf32, #tpu.memory_space<vmem>>, %arg12: memref<125x128xf32, #tpu.memory_space<vmem>>, %arg13: memref<!tpu.dma_semaphore, #tpu.memory_space<semaphore_mem>>, %arg14: memref<!tpu.dma_semaphore, #tpu.memory_space<semaphore_mem>>, %arg15: memref<!tpu.dma_semaphore, #tpu.memory_space<semaphore_mem>>, %arg16: memref<!tpu.dma_semaphore, #tpu.memory_space<semaphore_mem>>, %arg17: memref<10000x128xf32, #tpu.memory_space<vmem_shared>>) attributes {dimension_semantics = [#tpu.dimension_semantics<core_parallel>, #tpu.dimension_semantics<subcore_parallel>], iteration_bounds = array<i64: 2, 16>, scalar_prefetch = 0 : i64, scratch_operands = 10 : i64, tpu.core_type = #tpu.core_type<sc_vector_subcore>, window_params = [{transform_indices = #map}, {transform_indices = #map1}, {transform_indices = #map2}, {transform_indices = #map1}, {transform_indices = #map}, {transform_indices = #map1}]} {
    %mul3A = arith.constant 16 : i32
    %mul3A_0 = arith.muli %arg0, %mul3A : i32
    %add3A = arith.addi %mul3A_0, %arg1 : i32
    %mul3A_1 = arith.constant 640 : i32
    %mul3A_2 = arith.muli %arg1, %mul3A_1 : i32
    %min3A = arith.constant 9360 : i32
    %min3A_3 = arith.minsi %mul3A_2, %min3A : i32
    "tpu.region"() ({
      %run_scoped3A = tpu.sem_alloc : memref<!tpu.dma_semaphore, #tpu.memory_space<semaphore_mem>>
      %dma_start3A = arith.constant 0 : i32
      %dma_start3A_11 = tpu.memref_slice %arg17[%min3A_3, %dma_start3A] : memref<10000x128xf32, #tpu.memory_space<vmem_shared>> -> memref<640x128xf32, #tpu.memory_space<vmem_shared>>
      %dma_start3A_12 = arith.constant 0 : i32
      %dma_start3A_13 = tpu.memref_slice %arg6[%min3A_3, %dma_start3A_12] : memref<10000x128xf32, #tpu.memory_space<hbm>> -> memref<640x128xf32, #tpu.memory_space<hbm>>
      tpu.enqueue_dma source(%dma_start3A_13 : memref<640x128xf32, #tpu.memory_space<hbm>>) target(%dma_start3A_11 : memref<640x128xf32, #tpu.memory_space<vmem_shared>>) target_semaphore(%run_scoped3A : memref<!tpu.dma_semaphore, #tpu.memory_space<semaphore_mem>>)
      %dma_wait3A = arith.constant 0 : i32
      %dma_wait3A_14 = tpu.memref_slice %arg17[%min3A_3, %dma_wait3A] : memref<10000x128xf32, #tpu.memory_space<vmem_shared>> -> memref<640x128xf32, #tpu.memory_space<vmem_shared>>
      %dma_wait3A_15 = arith.constant 0 : i32
      %dma_wait3A_16 = tpu.memref_slice %arg6[%min3A_3, %dma_wait3A_15] : memref<10000x128xf32, #tpu.memory_space<hbm>> -> memref<640x128xf32, #tpu.memory_space<hbm>>
      tpu.wait_dma2 semaphore(%run_scoped3A : memref<!tpu.dma_semaphore, #tpu.memory_space<semaphore_mem>>) src(%dma_wait3A_16 : memref<640x128xf32, #tpu.memory_space<hbm>>) dst(%dma_wait3A_14 : memref<640x128xf32, #tpu.memory_space<vmem_shared>>)
      tpu.yield
    }) : () -> ()
    %barrier3A = arith.constant 0 : index
    tpu.barrier barrier_id(%barrier3A)
    %scan3A = arith.constant 0 : i32
    %scan3A_4 = arith.constant 0 : i32
    %scan3A_5 = arith.constant 5 : i32
    %scan3A_6 = arith.addi %scan3A_4, %scan3A_5 : i32
    %scan3A_7 = arith.constant 1 : i32
    %scan3A_8 = scf.for %scan3A_11 = %scan3A_4 to %scan3A_6 step %scan3A_7 iter_args(%scan3A_12 = %scan3A) -> (i32)  : i32 {
      %mul3A_13 = arith.constant 5 : i32
      %mul3A_14 = arith.muli %add3A, %mul3A_13 : i32
      %add3A_15 = arith.addi %mul3A_14, %scan3A_11 : i32
      "tpu.region"() ({
        %run_scoped3A_36 = tpu.sem_alloc : memref<!tpu.dma_semaphore, #tpu.memory_space<semaphore_mem>>
        %dma_start3A_37 = arith.constant 0 : i32
        %dma_start3A_38 = arith.constant 0 : i32
        %dma_start3A_39 = tpu.memref_slice %arg3[%add3A_15, %dma_start3A_37, %dma_start3A_38] : memref<160x16x125xi32, #tpu.memory_space<hbm>> -> memref<1x16x125xi32, #tpu.memory_space<hbm>>
        %dma_start3A_40 = tpu.memref_squeeze %dma_start3A_39 : memref<1x16x125xi32, #tpu.memory_space<hbm>> -> memref<16x125xi32, #tpu.memory_space<hbm>>
        %dma_start3A_41 = arith.constant 0 : i32
        %dma_start3A_42 = arith.constant 0 : i32
        %dma_start3A_43 = tpu.memref_slice %arg3[%add3A_15, %dma_start3A_41, %dma_start3A_42] : memref<160x16x125xi32, #tpu.memory_space<hbm>> -> memref<1x16x125xi32, #tpu.memory_space<hbm>>
        %dma_start3A_44 = tpu.memref_squeeze %dma_start3A_43 : memref<1x16x125xi32, #tpu.memory_space<hbm>> -> memref<16x125xi32, #tpu.memory_space<hbm>>
        tpu.enqueue_dma source(%dma_start3A_44 : memref<16x125xi32, #tpu.memory_space<hbm>>) target(%arg8 : memref<16x125xi32, #tpu.memory_space<vmem>>) target_semaphore(%run_scoped3A_36 : memref<!tpu.dma_semaphore, #tpu.memory_space<semaphore_mem>>)
        %dma_wait3A_45 = arith.constant 0 : i32
        %dma_wait3A_46 = arith.constant 0 : i32
        %dma_wait3A_47 = tpu.memref_slice %arg3[%add3A_15, %dma_wait3A_45, %dma_wait3A_46] : memref<160x16x125xi32, #tpu.memory_space<hbm>> -> memref<1x16x125xi32, #tpu.memory_space<hbm>>
        %dma_wait3A_48 = tpu.memref_squeeze %dma_wait3A_47 : memref<1x16x125xi32, #tpu.memory_space<hbm>> -> memref<16x125xi32, #tpu.memory_space<hbm>>
        %dma_wait3A_49 = arith.constant 0 : i32
        %dma_wait3A_50 = arith.constant 0 : i32
        %dma_wait3A_51 = tpu.memref_slice %arg3[%add3A_15, %dma_wait3A_49, %dma_wait3A_50] : memref<160x16x125xi32, #tpu.memory_space<hbm>> -> memref<1x16x125xi32, #tpu.memory_space<hbm>>
        %dma_wait3A_52 = tpu.memref_squeeze %dma_wait3A_51 : memref<1x16x125xi32, #tpu.memory_space<hbm>> -> memref<16x125xi32, #tpu.memory_space<hbm>>
        tpu.wait_dma2 semaphore(%run_scoped3A_36 : memref<!tpu.dma_semaphore, #tpu.memory_space<semaphore_mem>>) src(%dma_wait3A_52 : memref<16x125xi32, #tpu.memory_space<hbm>>) dst(%arg8 : memref<16x125xi32, #tpu.memory_space<vmem>>)
        tpu.yield
      }) : () -> ()
      %run_scoped3A = arith.constant 1 : i32
      "tpu.region"() ({
        %run_scoped3A_36 = tpu.sem_alloc : memref<!tpu.dma_semaphore, #tpu.memory_space<semaphore_mem>>
        %dma_start3A_37 = arith.constant 0 : i32
        %dma_start3A_38 = arith.constant 0 : i32
        %dma_start3A_39 = tpu.memref_slice %arg4[%run_scoped3A, %add3A_15, %dma_start3A_37, %dma_start3A_38] : memref<2x160x16x125xi32, #tpu.memory_space<hbm>> -> memref<1x1x16x125xi32, #tpu.memory_space<hbm>>
        %dma_start3A_40 = tpu.memref_squeeze %dma_start3A_39 : memref<1x1x16x125xi32, #tpu.memory_space<hbm>> -> memref<16x125xi32, #tpu.memory_space<hbm>>
        %dma_start3A_41 = arith.constant 0 : i32
        %dma_start3A_42 = arith.constant 0 : i32
        %dma_start3A_43 = tpu.memref_slice %arg4[%run_scoped3A, %add3A_15, %dma_start3A_41, %dma_start3A_42] : memref<2x160x16x125xi32, #tpu.memory_space<hbm>> -> memref<1x1x16x125xi32, #tpu.memory_space<hbm>>
        %dma_start3A_44 = tpu.memref_squeeze %dma_start3A_43 : memref<1x1x16x125xi32, #tpu.memory_space<hbm>> -> memref<16x125xi32, #tpu.memory_space<hbm>>
        tpu.enqueue_dma source(%dma_start3A_44 : memref<16x125xi32, #tpu.memory_space<hbm>>) target(%arg9 : memref<16x125xi32, #tpu.memory_space<vmem>>) target_semaphore(%run_scoped3A_36 : memref<!tpu.dma_semaphore, #tpu.memory_space<semaphore_mem>>)
        %dma_wait3A_45 = arith.constant 0 : i32
        %dma_wait3A_46 = arith.constant 0 : i32
        %dma_wait3A_47 = tpu.memref_slice %arg4[%run_scoped3A, %add3A_15, %dma_wait3A_45, %dma_wait3A_46] : memref<2x160x16x125xi32, #tpu.memory_space<hbm>> -> memref<1x1x16x125xi32, #tpu.memory_space<hbm>>
        %dma_wait3A_48 = tpu.memref_squeeze %dma_wait3A_47 : memref<1x1x16x125xi32, #tpu.memory_space<hbm>> -> memref<16x125xi32, #tpu.memory_space<hbm>>
        %dma_wait3A_49 = arith.constant 0 : i32
        %dma_wait3A_50 = arith.constant 0 : i32
        %dma_wait3A_51 = tpu.memref_slice %arg4[%run_scoped3A, %add3A_15, %dma_wait3A_49, %dma_wait3A_50] : memref<2x160x16x125xi32, #tpu.memory_space<hbm>> -> memref<1x1x16x125xi32, #tpu.memory_space<hbm>>
        %dma_wait3A_52 = tpu.memref_squeeze %dma_wait3A_51 : memref<1x1x16x125xi32, #tpu.memory_space<hbm>> -> memref<16x125xi32, #tpu.memory_space<hbm>>
        tpu.wait_dma2 semaphore(%run_scoped3A_36 : memref<!tpu.dma_semaphore, #tpu.memory_space<semaphore_mem>>) src(%dma_wait3A_52 : memref<16x125xi32, #tpu.memory_space<hbm>>) dst(%arg9 : memref<16x125xi32, #tpu.memory_space<vmem>>)
        tpu.yield
      }) : () -> ()
      "tpu.region"() ({
        %run_scoped3A_36 = tpu.sem_alloc : memref<!tpu.dma_semaphore, #tpu.memory_space<semaphore_mem>>
        %dma_start3A_37 = arith.constant 0 : i32
        %dma_start3A_38 = arith.constant 0 : i32
        %dma_start3A_39 = tpu.memref_slice %arg5[%add3A_15, %dma_start3A_37, %dma_start3A_38] : memref<160x16x125xf32, #tpu.memory_space<hbm>> -> memref<1x16x125xf32, #tpu.memory_space<hbm>>
        %dma_start3A_40 = tpu.memref_squeeze %dma_start3A_39 : memref<1x16x125xf32, #tpu.memory_space<hbm>> -> memref<16x125xf32, #tpu.memory_space<hbm>>
        %dma_start3A_41 = arith.constant 0 : i32
        %dma_start3A_42 = arith.constant 0 : i32
        %dma_start3A_43 = tpu.memref_slice %arg5[%add3A_15, %dma_start3A_41, %dma_start3A_42] : memref<160x16x125xf32, #tpu.memory_space<hbm>> -> memref<1x16x125xf32, #tpu.memory_space<hbm>>
        %dma_start3A_44 = tpu.memref_squeeze %dma_start3A_43 : memref<1x16x125xf32, #tpu.memory_space<hbm>> -> memref<16x125xf32, #tpu.memory_space<hbm>>
        tpu.enqueue_dma source(%dma_start3A_44 : memref<16x125xf32, #tpu.memory_space<hbm>>) target(%arg10 : memref<16x125xf32, #tpu.memory_space<vmem>>) target_semaphore(%run_scoped3A_36 : memref<!tpu.dma_semaphore, #tpu.memory_space<semaphore_mem>>)
        %dma_wait3A_45 = arith.constant 0 : i32
        %dma_wait3A_46 = arith.constant 0 : i32
        %dma_wait3A_47 = tpu.memref_slice %arg5[%add3A_15, %dma_wait3A_45, %dma_wait3A_46] : memref<160x16x125xf32, #tpu.memory_space<hbm>> -> memref<1x16x125xf32, #tpu.memory_space<hbm>>
        %dma_wait3A_48 = tpu.memref_squeeze %dma_wait3A_47 : memref<1x16x125xf32, #tpu.memory_space<hbm>> -> memref<16x125xf32, #tpu.memory_space<hbm>>
        %dma_wait3A_49 = arith.constant 0 : i32
        %dma_wait3A_50 = arith.constant 0 : i32
        %dma_wait3A_51 = tpu.memref_slice %arg5[%add3A_15, %dma_wait3A_49, %dma_wait3A_50] : memref<160x16x125xf32, #tpu.memory_space<hbm>> -> memref<1x16x125xf32, #tpu.memory_space<hbm>>
        %dma_wait3A_52 = tpu.memref_squeeze %dma_wait3A_51 : memref<1x16x125xf32, #tpu.memory_space<hbm>> -> memref<16x125xf32, #tpu.memory_space<hbm>>
        tpu.wait_dma2 semaphore(%run_scoped3A_36 : memref<!tpu.dma_semaphore, #tpu.memory_space<semaphore_mem>>) src(%dma_wait3A_52 : memref<16x125xf32, #tpu.memory_space<hbm>>) dst(%arg10 : memref<16x125xf32, #tpu.memory_space<vmem>>)
        tpu.yield
      }) : () -> ()
      %dma_start3A = arith.constant 0 : i32
      %dma_start3A_16 = arith.constant 0 : i32
      %dma_start3A_17 = tpu.memref_slice %arg8[%dma_start3A, %dma_start3A_16] : memref<16x125xi32, #tpu.memory_space<vmem>> -> memref<1x125xi32, #tpu.memory_space<vmem>>
      %dma_start3A_18 = tpu.memref_squeeze %dma_start3A_17 : memref<1x125xi32, #tpu.memory_space<vmem>> -> memref<125xi32, #tpu.memory_space<vmem>>
      %dma_start3A_19 = arith.constant 0 : i32
      %dma_start3A_20 = arith.constant 0 : i32
      %dma_start3A_21 = tpu.memref_slice %arg2[%dma_start3A_19, %dma_start3A_20] : memref<90000x128xf32, #tpu.memory_space<hbm>> -> memref<90000x128xf32, #tpu.memory_space<hbm>>
      tpu.enqueue_indirect_dma source(%dma_start3A_21 : memref<90000x128xf32, #tpu.memory_space<hbm>>) target(%arg11 : memref<125x128xf32, #tpu.memory_space<vmem>>) offsets(%dma_start3A_18 : memref<125xi32, #tpu.memory_space<vmem>>) semaphore(%arg13 : memref<!tpu.dma_semaphore, #tpu.memory_space<semaphore_mem>>)
      %scan3A_22 = arith.constant 0 : i32
      %scan3A_23 = arith.constant 0 : i32
      %scan3A_24 = arith.constant 8 : i32
      %scan3A_25 = arith.addi %scan3A_23, %scan3A_24 : i32
      %scan3A_26 = arith.constant 1 : i32
      %scan3A_27 = scf.for %scan3A_36 = %scan3A_23 to %scan3A_25 step %scan3A_26 iter_args(%scan3A_37 = %scan3A_22) -> (i32)  : i32 {
        %mul3A_38 = arith.constant 2 : i32
        %mul3A_39 = arith.muli %scan3A_36, %mul3A_38 : i32
        %add3A_40 = arith.constant 0 : i32
        %add3A_41 = arith.addi %mul3A_39, %add3A_40 : i32
        %dma_wait3A_42 = arith.constant 0 : i32
        %dma_wait3A_43 = tpu.memref_slice %arg8[%add3A_41, %dma_wait3A_42] : memref<16x125xi32, #tpu.memory_space<vmem>> -> memref<1x125xi32, #tpu.memory_space<vmem>>
        %dma_wait3A_44 = tpu.memref_squeeze %dma_wait3A_43 : memref<1x125xi32, #tpu.memory_space<vmem>> -> memref<125xi32, #tpu.memory_space<vmem>>
        %dma_wait3A_45 = arith.constant 0 : i32
        %dma_wait3A_46 = arith.constant 0 : i32
        %dma_wait3A_47 = tpu.memref_slice %arg2[%dma_wait3A_45, %dma_wait3A_46] : memref<90000x128xf32, #tpu.memory_space<hbm>> -> memref<90000x128xf32, #tpu.memory_space<hbm>>
        tpu.wait_indirect_dma semaphore(%arg13 : memref<!tpu.dma_semaphore, #tpu.memory_space<semaphore_mem>>) src(%dma_wait3A_47 : memref<90000x128xf32, #tpu.memory_space<hbm>>) dst(%arg11 : memref<125x128xf32, #tpu.memory_space<vmem>>)
        %ge3A = arith.constant 1 : i32
        %ge3A_48 = arith.cmpi sge, %scan3A_36, %ge3A : i32
        %convert_element_type3A = arith.extui %ge3A_48 : i1 to i32
        %cond3A = arith.constant 0 : i32
        %cond3A_49 = arith.cmpi ne, %convert_element_type3A, %cond3A : i32
        scf.if %cond3A_49 {
          %dma_wait3A_106 = arith.constant 0 : i32
          %dma_wait3A_107 = arith.constant 0 : i32
          %dma_wait3A_108 = tpu.memref_slice %arg9[%dma_wait3A_106, %dma_wait3A_107] : memref<16x125xi32, #tpu.memory_space<vmem>> -> memref<1x125xi32, #tpu.memory_space<vmem>>
          %dma_wait3A_109 = tpu.memref_squeeze %dma_wait3A_108 : memref<1x125xi32, #tpu.memory_space<vmem>> -> memref<125xi32, #tpu.memory_space<vmem>>
          %dma_wait3A_110 = arith.constant 0 : i32
          %dma_wait3A_111 = arith.constant 0 : i32
          %dma_wait3A_112 = tpu.memref_slice %arg17[%dma_wait3A_110, %dma_wait3A_111] : memref<10000x128xf32, #tpu.memory_space<vmem_shared>> -> memref<10000x128xf32, #tpu.memory_space<vmem_shared>>
          tpu.wait_indirect_dma semaphore(%arg16 : memref<!tpu.dma_semaphore, #tpu.memory_space<semaphore_mem>>) src(%arg12 : memref<125x128xf32, #tpu.memory_space<vmem>>) dst(%dma_wait3A_112 : memref<10000x128xf32, #tpu.memory_space<vmem_shared>>)
        } else {
        }
        %add3A_50 = arith.constant 1 : i32
        %add3A_51 = arith.addi %add3A_41, %add3A_50 : i32
        %dma_start3A_52 = arith.constant 0 : i32
        %dma_start3A_53 = tpu.memref_slice %arg8[%add3A_51, %dma_start3A_52] : memref<16x125xi32, #tpu.memory_space<vmem>> -> memref<1x125xi32, #tpu.memory_space<vmem>>
        %dma_start3A_54 = tpu.memref_squeeze %dma_start3A_53 : memref<1x125xi32, #tpu.memory_space<vmem>> -> memref<125xi32, #tpu.memory_space<vmem>>
        %dma_start3A_55 = arith.constant 0 : i32
        %dma_start3A_56 = arith.constant 0 : i32
        %dma_start3A_57 = tpu.memref_slice %arg2[%dma_start3A_55, %dma_start3A_56] : memref<90000x128xf32, #tpu.memory_space<hbm>> -> memref<90000x128xf32, #tpu.memory_space<hbm>>
        tpu.enqueue_indirect_dma source(%dma_start3A_57 : memref<90000x128xf32, #tpu.memory_space<hbm>>) target(%arg12 : memref<125x128xf32, #tpu.memory_space<vmem>>) offsets(%dma_start3A_54 : memref<125xi32, #tpu.memory_space<vmem>>) semaphore(%arg14 : memref<!tpu.dma_semaphore, #tpu.memory_space<semaphore_mem>>)
        %scan3A_58 = arith.constant 0 : i32
        %scan3A_59 = arith.constant 0 : i32
        %scan3A_60 = arith.constant 125 : i32
        %scan3A_61 = arith.addi %scan3A_59, %scan3A_60 : i32
        %scan3A_62 = arith.constant 1 : i32
        %scan3A_63 = scf.for %scan3A_106 = %scan3A_59 to %scan3A_61 step %scan3A_62 iter_args(%scan3A_107 = %scan3A_58) -> (i32)  : i32 {
          %broadcast_in_dim3A = vector.broadcast %add3A_41 : i32 to vector<16xi32>
          %broadcast_in_dim3A_108 = vector.broadcast %scan3A_106 : i32 to vector<16xi32>
          %gather3A = tpu.vector_load_idx %arg10[%broadcast_in_dim3A, %broadcast_in_dim3A_108] : memref<16x125xf32, #tpu.memory_space<vmem>>[vector<16xi32>, vector<16xi32>], vector<16xf32>,
          %get3A = arith.index_cast %scan3A_106 : i32 to index
          %get3A_109 = arith.constant 0 : index
          %get3A_110 = tpu.vector_load %arg11[%get3A, %get3A_109] {strides = array<i32>} : memref<125x128xf32, #tpu.memory_space<vmem>>, vector<16xf32>,
          %mul3A_111 = arith.mulf %get3A_110, %gather3A : vector<16xf32>
          %swap3A = arith.index_cast %scan3A_106 : i32 to index
          %swap3A_112 = arith.constant 0 : index
          %swap3A_113 = tpu.vector_load %arg11[%swap3A, %swap3A_112] {strides = array<i32>} : memref<125x128xf32, #tpu.memory_space<vmem>>, vector<16xf32>,
          tpu.vector_store %arg11[%swap3A, %swap3A_112], %mul3A_111 {strides = array<i32>} : memref<125x128xf32, #tpu.memory_space<vmem>>, vector<16xf32>,
          %get3A_114 = arith.index_cast %scan3A_106 : i32 to index
          %get3A_115 = arith.constant 16 : index
          %get3A_116 = tpu.vector_load %arg11[%get3A_114, %get3A_115] {strides = array<i32>} : memref<125x128xf32, #tpu.memory_space<vmem>>, vector<16xf32>,
          %mul3A_117 = arith.mulf %get3A_116, %gather3A : vector<16xf32>
          %swap3A_118 = arith.index_cast %scan3A_106 : i32 to index
          %swap3A_119 = arith.constant 16 : index
          %swap3A_120 = tpu.vector_load %arg11[%swap3A_118, %swap3A_119] {strides = array<i32>} : memref<125x128xf32, #tpu.memory_space<vmem>>, vector<16xf32>,
          tpu.vector_store %arg11[%swap3A_118, %swap3A_119], %mul3A_117 {strides = array<i32>} : memref<125x128xf32, #tpu.memory_space<vmem>>, vector<16xf32>,
          %get3A_121 = arith.index_cast %scan3A_106 : i32 to index
          %get3A_122 = arith.constant 32 : index
          %get3A_123 = tpu.vector_load %arg11[%get3A_121, %get3A_122] {strides = array<i32>} : memref<125x128xf32, #tpu.memory_space<vmem>>, vector<16xf32>,
          %mul3A_124 = arith.mulf %get3A_123, %gather3A : vector<16xf32>
          %swap3A_125 = arith.index_cast %scan3A_106 : i32 to index
          %swap3A_126 = arith.constant 32 : index
          %swap3A_127 = tpu.vector_load %arg11[%swap3A_125, %swap3A_126] {strides = array<i32>} : memref<125x128xf32, #tpu.memory_space<vmem>>, vector<16xf32>,
          tpu.vector_store %arg11[%swap3A_125, %swap3A_126], %mul3A_124 {strides = array<i32>} : memref<125x128xf32, #tpu.memory_space<vmem>>, vector<16xf32>,
          %get3A_128 = arith.index_cast %scan3A_106 : i32 to index
          %get3A_129 = arith.constant 48 : index
          %get3A_130 = tpu.vector_load %arg11[%get3A_128, %get3A_129] {strides = array<i32>} : memref<125x128xf32, #tpu.memory_space<vmem>>, vector<16xf32>,
          %mul3A_131 = arith.mulf %get3A_130, %gather3A : vector<16xf32>
          %swap3A_132 = arith.index_cast %scan3A_106 : i32 to index
          %swap3A_133 = arith.constant 48 : index
          %swap3A_134 = tpu.vector_load %arg11[%swap3A_132, %swap3A_133] {strides = array<i32>} : memref<125x128xf32, #tpu.memory_space<vmem>>, vector<16xf32>,
          tpu.vector_store %arg11[%swap3A_132, %swap3A_133], %mul3A_131 {strides = array<i32>} : memref<125x128xf32, #tpu.memory_space<vmem>>, vector<16xf32>,
          %get3A_135 = arith.index_cast %scan3A_106 : i32 to index
          %get3A_136 = arith.constant 64 : index
          %get3A_137 = tpu.vector_load %arg11[%get3A_135, %get3A_136] {strides = array<i32>} : memref<125x128xf32, #tpu.memory_space<vmem>>, vector<16xf32>,
          %mul3A_138 = arith.mulf %get3A_137, %gather3A : vector<16xf32>
          %swap3A_139 = arith.index_cast %scan3A_106 : i32 to index
          %swap3A_140 = arith.constant 64 : index
          %swap3A_141 = tpu.vector_load %arg11[%swap3A_139, %swap3A_140] {strides = array<i32>} : memref<125x128xf32, #tpu.memory_space<vmem>>, vector<16xf32>,
          tpu.vector_store %arg11[%swap3A_139, %swap3A_140], %mul3A_138 {strides = array<i32>} : memref<125x128xf32, #tpu.memory_space<vmem>>, vector<16xf32>,
          %get3A_142 = arith.index_cast %scan3A_106 : i32 to index
          %get3A_143 = arith.constant 80 : index
          %get3A_144 = tpu.vector_load %arg11[%get3A_142, %get3A_143] {strides = array<i32>} : memref<125x128xf32, #tpu.memory_space<vmem>>, vector<16xf32>,
          %mul3A_145 = arith.mulf %get3A_144, %gather3A : vector<16xf32>
          %swap3A_146 = arith.index_cast %scan3A_106 : i32 to index
          %swap3A_147 = arith.constant 80 : index
          %swap3A_148 = tpu.vector_load %arg11[%swap3A_146, %swap3A_147] {strides = array<i32>} : memref<125x128xf32, #tpu.memory_space<vmem>>, vector<16xf32>,
          tpu.vector_store %arg11[%swap3A_146, %swap3A_147], %mul3A_145 {strides = array<i32>} : memref<125x128xf32, #tpu.memory_space<vmem>>, vector<16xf32>,
          %get3A_149 = arith.index_cast %scan3A_106 : i32 to index
          %get3A_150 = arith.constant 96 : index
          %get3A_151 = tpu.vector_load %arg11[%get3A_149, %get3A_150] {strides = array<i32>} : memref<125x128xf32, #tpu.memory_space<vmem>>, vector<16xf32>,
          %mul3A_152 = arith.mulf %get3A_151, %gather3A : vector<16xf32>
          %swap3A_153 = arith.index_cast %scan3A_106 : i32 to index
          %swap3A_154 = arith.constant 96 : index
          %swap3A_155 = tpu.vector_load %arg11[%swap3A_153, %swap3A_154] {strides = array<i32>} : memref<125x128xf32, #tpu.memory_space<vmem>>, vector<16xf32>,
          tpu.vector_store %arg11[%swap3A_153, %swap3A_154], %mul3A_152 {strides = array<i32>} : memref<125x128xf32, #tpu.memory_space<vmem>>, vector<16xf32>,
          %get3A_156 = arith.index_cast %scan3A_106 : i32 to index
          %get3A_157 = arith.constant 112 : index
          %get3A_158 = tpu.vector_load %arg11[%get3A_156, %get3A_157] {strides = array<i32>} : memref<125x128xf32, #tpu.memory_space<vmem>>, vector<16xf32>,
          %mul3A_159 = arith.mulf %get3A_158, %gather3A : vector<16xf32>
          %swap3A_160 = arith.index_cast %scan3A_106 : i32 to index
          %swap3A_161 = arith.constant 112 : index
          %swap3A_162 = tpu.vector_load %arg11[%swap3A_160, %swap3A_161] {strides = array<i32>} : memref<125x128xf32, #tpu.memory_space<vmem>>, vector<16xf32>,
          tpu.vector_store %arg11[%swap3A_160, %swap3A_161], %mul3A_159 {strides = array<i32>} : memref<125x128xf32, #tpu.memory_space<vmem>>, vector<16xf32>,
          %scan3A_163 = arith.constant 0 : i32
          scf.yield %scan3A_163 : i32
        }
        %scan3A_64 = arith.constant 125 : i32
        %dma_start3A_65 = arith.constant 0 : i32
        %dma_start3A_66 = tpu.memref_slice %arg9[%add3A_41, %dma_start3A_65] : memref<16x125xi32, #tpu.memory_space<vmem>> -> memref<1x125xi32, #tpu.memory_space<vmem>>
        %dma_start3A_67 = tpu.memref_squeeze %dma_start3A_66 : memref<1x125xi32, #tpu.memory_space<vmem>> -> memref<125xi32, #tpu.memory_space<vmem>>
        %dma_start3A_68 = arith.constant 0 : i32
        %dma_start3A_69 = arith.constant 0 : i32
        %dma_start3A_70 = tpu.memref_slice %arg17[%dma_start3A_68, %dma_start3A_69] : memref<10000x128xf32, #tpu.memory_space<vmem_shared>> -> memref<10000x128xf32, #tpu.memory_space<vmem_shared>>
        tpu.enqueue_indirect_dma source(%arg11 : memref<125x128xf32, #tpu.memory_space<vmem>>) target(%dma_start3A_70 : memref<10000x128xf32, #tpu.memory_space<vmem_shared>>) offsets(%dma_start3A_67 : memref<125xi32, #tpu.memory_space<vmem>>) semaphore(%arg15 : memref<!tpu.dma_semaphore, #tpu.memory_space<semaphore_mem>>) {add = true}
        %mul3A_71 = arith.constant 2 : i32
        %mul3A_72 = arith.muli %scan3A_36, %mul3A_71 : i32
        %add3A_73 = arith.constant 1 : i32
        %add3A_74 = arith.addi %mul3A_72, %add3A_73 : i32
        %dma_wait3A_75 = arith.constant 0 : i32
        %dma_wait3A_76 = tpu.memref_slice %arg8[%add3A_74, %dma_wait3A_75] : memref<16x125xi32, #tpu.memory_space<vmem>> -> memref<1x125xi32, #tpu.memory_space<vmem>>
        %dma_wait3A_77 = tpu.memref_squeeze %dma_wait3A_76 : memref<1x125xi32, #tpu.memory_space<vmem>> -> memref<125xi32, #tpu.memory_space<vmem>>
        %dma_wait3A_78 = arith.constant 0 : i32
        %dma_wait3A_79 = arith.constant 0 : i32
        %dma_wait3A_80 = tpu.memref_slice %arg2[%dma_wait3A_78, %dma_wait3A_79] : memref<90000x128xf32, #tpu.memory_space<hbm>> -> memref<90000x128xf32, #tpu.memory_space<hbm>>
        tpu.wait_indirect_dma semaphore(%arg14 : memref<!tpu.dma_semaphore, #tpu.memory_space<semaphore_mem>>) src(%dma_wait3A_80 : memref<90000x128xf32, #tpu.memory_space<hbm>>) dst(%arg12 : memref<125x128xf32, #tpu.memory_space<vmem>>)
        %dma_wait3A_81 = arith.constant 0 : i32
        %dma_wait3A_82 = arith.constant 0 : i32
        %dma_wait3A_83 = tpu.memref_slice %arg9[%dma_wait3A_81, %dma_wait3A_82] : memref<16x125xi32, #tpu.memory_space<vmem>> -> memref<1x125xi32, #tpu.memory_space<vmem>>
        %dma_wait3A_84 = tpu.memref_squeeze %dma_wait3A_83 : memref<1x125xi32, #tpu.memory_space<vmem>> -> memref<125xi32, #tpu.memory_space<vmem>>
        %dma_wait3A_85 = arith.constant 0 : i32
        %dma_wait3A_86 = arith.constant 0 : i32
        %dma_wait3A_87 = tpu.memref_slice %arg17[%dma_wait3A_85, %dma_wait3A_86] : memref<10000x128xf32, #tpu.memory_space<vmem_shared>> -> memref<10000x128xf32, #tpu.memory_space<vmem_shared>>
        tpu.wait_indirect_dma semaphore(%arg15 : memref<!tpu.dma_semaphore, #tpu.memory_space<semaphore_mem>>) src(%arg11 : memref<125x128xf32, #tpu.memory_space<vmem>>) dst(%dma_wait3A_87 : memref<10000x128xf32, #tpu.memory_space<vmem_shared>>)
        %lt3A = arith.constant 7 : i32
        %lt3A_88 = arith.cmpi slt, %scan3A_36, %lt3A : i32
        %convert_element_type3A_89 = arith.extui %lt3A_88 : i1 to i32
        %cond3A_90 = arith.constant 0 : i32
        %cond3A_91 = arith.cmpi ne, %convert_element_type3A_89, %cond3A_90 : i32
        scf.if %cond3A_91 {
          %add3A_106 = arith.constant 1 : i32
          %add3A_107 = arith.addi %add3A_74, %add3A_106 : i32
          %dma_start3A_108 = arith.constant 0 : i32
          %dma_start3A_109 = tpu.memref_slice %arg8[%add3A_107, %dma_start3A_108] : memref<16x125xi32, #tpu.memory_space<vmem>> -> memref<1x125xi32, #tpu.memory_space<vmem>>
          %dma_start3A_110 = tpu.memref_squeeze %dma_start3A_109 : memref<1x125xi32, #tpu.memory_space<vmem>> -> memref<125xi32, #tpu.memory_space<vmem>>
          %dma_start3A_111 = arith.constant 0 : i32
          %dma_start3A_112 = arith.constant 0 : i32
          %dma_start3A_113 = tpu.memref_slice %arg2[%dma_start3A_111, %dma_start3A_112] : memref<90000x128xf32, #tpu.memory_space<hbm>> -> memref<90000x128xf32, #tpu.memory_space<hbm>>
          tpu.enqueue_indirect_dma source(%dma_start3A_113 : memref<90000x128xf32, #tpu.memory_space<hbm>>) target(%arg11 : memref<125x128xf32, #tpu.memory_space<vmem>>) offsets(%dma_start3A_110 : memref<125xi32, #tpu.memory_space<vmem>>) semaphore(%arg13 : memref<!tpu.dma_semaphore, #tpu.memory_space<semaphore_mem>>)
        } else {
        }
        %scan3A_92 = arith.constant 0 : i32
        %scan3A_93 = arith.constant 0 : i32
        %scan3A_94 = arith.constant 125 : i32
        %scan3A_95 = arith.addi %scan3A_93, %scan3A_94 : i32
        %scan3A_96 = arith.constant 1 : i32
        %scan3A_97 = scf.for %scan3A_106 = %scan3A_93 to %scan3A_95 step %scan3A_96 iter_args(%scan3A_107 = %scan3A_92) -> (i32)  : i32 {
          %broadcast_in_dim3A = vector.broadcast %add3A_74 : i32 to vector<16xi32>
          %broadcast_in_dim3A_108 = vector.broadcast %scan3A_106 : i32 to vector<16xi32>
          %gather3A = tpu.vector_load_idx %arg10[%broadcast_in_dim3A, %broadcast_in_dim3A_108] : memref<16x125xf32, #tpu.memory_space<vmem>>[vector<16xi32>, vector<16xi32>], vector<16xf32>,
          %get3A = arith.index_cast %scan3A_106 : i32 to index
          %get3A_109 = arith.constant 0 : index
          %get3A_110 = tpu.vector_load %arg12[%get3A, %get3A_109] {strides = array<i32>} : memref<125x128xf32, #tpu.memory_space<vmem>>, vector<16xf32>,
          %mul3A_111 = arith.mulf %get3A_110, %gather3A : vector<16xf32>
          %swap3A = arith.index_cast %scan3A_106 : i32 to index
          %swap3A_112 = arith.constant 0 : index
          %swap3A_113 = tpu.vector_load %arg12[%swap3A, %swap3A_112] {strides = array<i32>} : memref<125x128xf32, #tpu.memory_space<vmem>>, vector<16xf32>,
          tpu.vector_store %arg12[%swap3A, %swap3A_112], %mul3A_111 {strides = array<i32>} : memref<125x128xf32, #tpu.memory_space<vmem>>, vector<16xf32>,
          %get3A_114 = arith.index_cast %scan3A_106 : i32 to index
          %get3A_115 = arith.constant 16 : index
          %get3A_116 = tpu.vector_load %arg12[%get3A_114, %get3A_115] {strides = array<i32>} : memref<125x128xf32, #tpu.memory_space<vmem>>, vector<16xf32>,
          %mul3A_117 = arith.mulf %get3A_116, %gather3A : vector<16xf32>
          %swap3A_118 = arith.index_cast %scan3A_106 : i32 to index
          %swap3A_119 = arith.constant 16 : index
          %swap3A_120 = tpu.vector_load %arg12[%swap3A_118, %swap3A_119] {strides = array<i32>} : memref<125x128xf32, #tpu.memory_space<vmem>>, vector<16xf32>,
          tpu.vector_store %arg12[%swap3A_118, %swap3A_119], %mul3A_117 {strides = array<i32>} : memref<125x128xf32, #tpu.memory_space<vmem>>, vector<16xf32>,
          %get3A_121 = arith.index_cast %scan3A_106 : i32 to index
          %get3A_122 = arith.constant 32 : index
          %get3A_123 = tpu.vector_load %arg12[%get3A_121, %get3A_122] {strides = array<i32>} : memref<125x128xf32, #tpu.memory_space<vmem>>, vector<16xf32>,
          %mul3A_124 = arith.mulf %get3A_123, %gather3A : vector<16xf32>
          %swap3A_125 = arith.index_cast %scan3A_106 : i32 to index
          %swap3A_126 = arith.constant 32 : index
          %swap3A_127 = tpu.vector_load %arg12[%swap3A_125, %swap3A_126] {strides = array<i32>} : memref<125x128xf32, #tpu.memory_space<vmem>>, vector<16xf32>,
          tpu.vector_store %arg12[%swap3A_125, %swap3A_126], %mul3A_124 {strides = array<i32>} : memref<125x128xf32, #tpu.memory_space<vmem>>, vector<16xf32>,
          %get3A_128 = arith.index_cast %scan3A_106 : i32 to index
          %get3A_129 = arith.constant 48 : index
          %get3A_130 = tpu.vector_load %arg12[%get3A_128, %get3A_129] {strides = array<i32>} : memref<125x128xf32, #tpu.memory_space<vmem>>, vector<16xf32>,
          %mul3A_131 = arith.mulf %get3A_130, %gather3A : vector<16xf32>
          %swap3A_132 = arith.index_cast %scan3A_106 : i32 to index
          %swap3A_133 = arith.constant 48 : index
          %swap3A_134 = tpu.vector_load %arg12[%swap3A_132, %swap3A_133] {strides = array<i32>} : memref<125x128xf32, #tpu.memory_space<vmem>>, vector<16xf32>,
          tpu.vector_store %arg12[%swap3A_132, %swap3A_133], %mul3A_131 {strides = array<i32>} : memref<125x128xf32, #tpu.memory_space<vmem>>, vector<16xf32>,
          %get3A_135 = arith.index_cast %scan3A_106 : i32 to index
          %get3A_136 = arith.constant 64 : index
          %get3A_137 = tpu.vector_load %arg12[%get3A_135, %get3A_136] {strides = array<i32>} : memref<125x128xf32, #tpu.memory_space<vmem>>, vector<16xf32>,
          %mul3A_138 = arith.mulf %get3A_137, %gather3A : vector<16xf32>
          %swap3A_139 = arith.index_cast %scan3A_106 : i32 to index
          %swap3A_140 = arith.constant 64 : index
          %swap3A_141 = tpu.vector_load %arg12[%swap3A_139, %swap3A_140] {strides = array<i32>} : memref<125x128xf32, #tpu.memory_space<vmem>>, vector<16xf32>,
          tpu.vector_store %arg12[%swap3A_139, %swap3A_140], %mul3A_138 {strides = array<i32>} : memref<125x128xf32, #tpu.memory_space<vmem>>, vector<16xf32>,
          %get3A_142 = arith.index_cast %scan3A_106 : i32 to index
          %get3A_143 = arith.constant 80 : index
          %get3A_144 = tpu.vector_load %arg12[%get3A_142, %get3A_143] {strides = array<i32>} : memref<125x128xf32, #tpu.memory_space<vmem>>, vector<16xf32>,
          %mul3A_145 = arith.mulf %get3A_144, %gather3A : vector<16xf32>
          %swap3A_146 = arith.index_cast %scan3A_106 : i32 to index
          %swap3A_147 = arith.constant 80 : index
          %swap3A_148 = tpu.vector_load %arg12[%swap3A_146, %swap3A_147] {strides = array<i32>} : memref<125x128xf32, #tpu.memory_space<vmem>>, vector<16xf32>,
          tpu.vector_store %arg12[%swap3A_146, %swap3A_147], %mul3A_145 {strides = array<i32>} : memref<125x128xf32, #tpu.memory_space<vmem>>, vector<16xf32>,
          %get3A_149 = arith.index_cast %scan3A_106 : i32 to index
          %get3A_150 = arith.constant 96 : index
          %get3A_151 = tpu.vector_load %arg12[%get3A_149, %get3A_150] {strides = array<i32>} : memref<125x128xf32, #tpu.memory_space<vmem>>, vector<16xf32>,
          %mul3A_152 = arith.mulf %get3A_151, %gather3A : vector<16xf32>
          %swap3A_153 = arith.index_cast %scan3A_106 : i32 to index
          %swap3A_154 = arith.constant 96 : index
          %swap3A_155 = tpu.vector_load %arg12[%swap3A_153, %swap3A_154] {strides = array<i32>} : memref<125x128xf32, #tpu.memory_space<vmem>>, vector<16xf32>,
          tpu.vector_store %arg12[%swap3A_153, %swap3A_154], %mul3A_152 {strides = array<i32>} : memref<125x128xf32, #tpu.memory_space<vmem>>, vector<16xf32>,
          %get3A_156 = arith.index_cast %scan3A_106 : i32 to index
          %get3A_157 = arith.constant 112 : index
          %get3A_158 = tpu.vector_load %arg12[%get3A_156, %get3A_157] {strides = array<i32>} : memref<125x128xf32, #tpu.memory_space<vmem>>, vector<16xf32>,
          %mul3A_159 = arith.mulf %get3A_158, %gather3A : vector<16xf32>
          %swap3A_160 = arith.index_cast %scan3A_106 : i32 to index
          %swap3A_161 = arith.constant 112 : index
          %swap3A_162 = tpu.vector_load %arg12[%swap3A_160, %swap3A_161] {strides = array<i32>} : memref<125x128xf32, #tpu.memory_space<vmem>>, vector<16xf32>,
          tpu.vector_store %arg12[%swap3A_160, %swap3A_161], %mul3A_159 {strides = array<i32>} : memref<125x128xf32, #tpu.memory_space<vmem>>, vector<16xf32>,
          %scan3A_163 = arith.constant 0 : i32
          scf.yield %scan3A_163 : i32
        }
        %scan3A_98 = arith.constant 125 : i32
        %dma_start3A_99 = arith.constant 0 : i32
        %dma_start3A_100 = tpu.memref_slice %arg9[%add3A_74, %dma_start3A_99] : memref<16x125xi32, #tpu.memory_space<vmem>> -> memref<1x125xi32, #tpu.memory_space<vmem>>
        %dma_start3A_101 = tpu.memref_squeeze %dma_start3A_100 : memref<1x125xi32, #tpu.memory_space<vmem>> -> memref<125xi32, #tpu.memory_space<vmem>>
        %dma_start3A_102 = arith.constant 0 : i32
        %dma_start3A_103 = arith.constant 0 : i32
        %dma_start3A_104 = tpu.memref_slice %arg17[%dma_start3A_102, %dma_start3A_103] : memref<10000x128xf32, #tpu.memory_space<vmem_shared>> -> memref<10000x128xf32, #tpu.memory_space<vmem_shared>>
        tpu.enqueue_indirect_dma source(%arg12 : memref<125x128xf32, #tpu.memory_space<vmem>>) target(%dma_start3A_104 : memref<10000x128xf32, #tpu.memory_space<vmem_shared>>) offsets(%dma_start3A_101 : memref<125xi32, #tpu.memory_space<vmem>>) semaphore(%arg16 : memref<!tpu.dma_semaphore, #tpu.memory_space<semaphore_mem>>) {add = true}
        %scan3A_105 = arith.constant 0 : i32
        scf.yield %scan3A_105 : i32
      }
      %scan3A_28 = arith.constant 8 : i32
      %dma_wait3A = arith.constant 0 : i32
      %dma_wait3A_29 = arith.constant 0 : i32
      %dma_wait3A_30 = tpu.memref_slice %arg9[%dma_wait3A, %dma_wait3A_29] : memref<16x125xi32, #tpu.memory_space<vmem>> -> memref<1x125xi32, #tpu.memory_space<vmem>>
      %dma_wait3A_31 = tpu.memref_squeeze %dma_wait3A_30 : memref<1x125xi32, #tpu.memory_space<vmem>> -> memref<125xi32, #tpu.memory_space<vmem>>
      %dma_wait3A_32 = arith.constant 0 : i32
      %dma_wait3A_33 = arith.constant 0 : i32
      %dma_wait3A_34 = tpu.memref_slice %arg17[%dma_wait3A_32, %dma_wait3A_33] : memref<10000x128xf32, #tpu.memory_space<vmem_shared>> -> memref<10000x128xf32, #tpu.memory_space<vmem_shared>>
      tpu.wait_indirect_dma semaphore(%arg16 : memref<!tpu.dma_semaphore, #tpu.memory_space<semaphore_mem>>) src(%arg12 : memref<125x128xf32, #tpu.memory_space<vmem>>) dst(%dma_wait3A_34 : memref<10000x128xf32, #tpu.memory_space<vmem_shared>>)
      %scan3A_35 = arith.constant 0 : i32
      scf.yield %scan3A_35 : i32
    }
    %scan3A_9 = arith.constant 5 : i32
    %barrier3A_10 = arith.constant 0 : index
    tpu.barrier barrier_id(%barrier3A_10)
    "tpu.region"() ({
      %run_scoped3A = tpu.sem_alloc : memref<!tpu.dma_semaphore, #tpu.memory_space<semaphore_mem>>
      %dma_start3A = arith.constant 0 : i32
      %dma_start3A_11 = tpu.memref_slice %arg7[%arg0, %min3A_3, %dma_start3A] : memref<2x10000x128xf32, #tpu.memory_space<hbm>> -> memref<1x640x128xf32, #tpu.memory_space<hbm>>
      %dma_start3A_12 = tpu.memref_squeeze %dma_start3A_11 : memref<1x640x128xf32, #tpu.memory_space<hbm>> -> memref<640x128xf32, #tpu.memory_space<hbm>>
      %dma_start3A_13 = arith.constant 0 : i32
      %dma_start3A_14 = tpu.memref_slice %arg17[%min3A_3, %dma_start3A_13] : memref<10000x128xf32, #tpu.memory_space<vmem_shared>> -> memref<640x128xf32, #tpu.memory_space<vmem_shared>>
      tpu.enqueue_dma source(%dma_start3A_14 : memref<640x128xf32, #tpu.memory_space<vmem_shared>>) target(%dma_start3A_12 : memref<640x128xf32, #tpu.memory_space<hbm>>) target_semaphore(%run_scoped3A : memref<!tpu.dma_semaphore, #tpu.memory_space<semaphore_mem>>)
      %dma_wait3A = arith.constant 0 : i32
      %dma_wait3A_15 = tpu.memref_slice %arg7[%arg0, %min3A_3, %dma_wait3A] : memref<2x10000x128xf32, #tpu.memory_space<hbm>> -> memref<1x640x128xf32, #tpu.memory_space<hbm>>
      %dma_wait3A_16 = tpu.memref_squeeze %dma_wait3A_15 : memref<1x640x128xf32, #tpu.memory_space<hbm>> -> memref<640x128xf32, #tpu.memory_space<hbm>>
      %dma_wait3A_17 = arith.constant 0 : i32
      %dma_wait3A_18 = tpu.memref_slice %arg17[%min3A_3, %dma_wait3A_17] : memref<10000x128xf32, #tpu.memory_space<vmem_shared>> -> memref<640x128xf32, #tpu.memory_space<vmem_shared>>
      tpu.wait_dma2 semaphore(%run_scoped3A : memref<!tpu.dma_semaphore, #tpu.memory_space<semaphore_mem>>) src(%dma_wait3A_18 : memref<640x128xf32, #tpu.memory_space<vmem_shared>>) dst(%dma_wait3A_16 : memref<640x128xf32, #tpu.memory_space<hbm>>)
      tpu.yield
    }) : () -> ()
    return
  }
}

module attributes {stable_mosaic.version = 14 : i64} {
  func.func @_einsum1_body(%arg0: i32, %arg1: memref<400x128xbf16, #tpu.memory_space<vmem>>, %arg2: memref<9x128x128xbf16, #tpu.memory_space<vmem>>, %arg3: memref<9x400x128xf32, #tpu.memory_space<vmem>>) attributes {dimension_semantics = [#tpu.dimension_semantics<arbitrary>], iteration_bounds = array<i64: 25>, scalar_prefetch = 0 : i64, scratch_operands = 0 : i64, tpu.core_type = #tpu.core_type<tc>, window_params = [{transform_indices = @transform_0, window_bounds = array<i64: 400, 128>}, {pipeline_mode = #tpu.pipeline_mode<synchronous>, transform_indices = @transform_1, window_bounds = array<i64: 9, 128, 128>}, {transform_indices = @transform_2, window_bounds = array<i64: 9, 400, 128>}]} {
    %get3A = arith.constant 0 : index
    %get3A_0 = arith.constant 0 : index
    %get3A_1 = vector.load %arg1[%get3A, %get3A_0] : memref<400x128xbf16, #tpu.memory_space<vmem>>, vector<400x128xbf16>
    %get3A_2 = arith.constant 0 : index
    %get3A_3 = arith.constant 0 : index
    %get3A_4 = arith.constant 0 : index
    %get3A_5 = vector.load %arg2[%get3A_2, %get3A_3, %get3A_4] : memref<9x128x128xbf16, #tpu.memory_space<vmem>>, vector<1x128x128xbf16>
    %get3A_6 = vector.shape_cast %get3A_5 : vector<1x128x128xbf16> to vector<128x128xbf16>
    %dot_general3A = arith.constant dense<0.000000e+00> : vector<400x128xf32>
    %dot_general3A_7 = tpu.matmul %get3A_1, %get3A_6, %dot_general3A {dimension_numbers = #tpu.dot_dimension_numbers<[1], [0], [0], [1], [0, 0, 1, 1], [], []>, transpose_lhs_hint = false} : vector<400x128xbf16>, vector<128x128xbf16>, vector<400x128xf32> -> vector<400x128xf32>
    %swap3A = arith.constant 0 : index
    %swap3A_8 = arith.constant 0 : index
    %swap3A_9 = arith.constant 0 : index
    %swap3A_10 = vector.load %arg3[%swap3A, %swap3A_8, %swap3A_9] : memref<9x400x128xf32, #tpu.memory_space<vmem>>, vector<1x400x128xf32>
    %swap3A_11 = vector.shape_cast %swap3A_10 : vector<1x400x128xf32> to vector<400x128xf32>
    %swap3A_12 = vector.shape_cast %dot_general3A_7 : vector<400x128xf32> to vector<1x400x128xf32>
    tpu.vector_store %arg3[%swap3A, %swap3A_8, %swap3A_9], %swap3A_12 {strides = array<i32>} : memref<9x400x128xf32, #tpu.memory_space<vmem>>, vector<1x400x128xf32>,
    %get3A_13 = arith.constant 1 : index
    %get3A_14 = arith.constant 0 : index
    %get3A_15 = arith.constant 0 : index
    %get3A_16 = vector.load %arg2[%get3A_13, %get3A_14, %get3A_15] : memref<9x128x128xbf16, #tpu.memory_space<vmem>>, vector<1x128x128xbf16>
    %get3A_17 = vector.shape_cast %get3A_16 : vector<1x128x128xbf16> to vector<128x128xbf16>
    %dot_general3A_18 = arith.constant dense<0.000000e+00> : vector<400x128xf32>
    %dot_general3A_19 = tpu.matmul %get3A_1, %get3A_17, %dot_general3A_18 {dimension_numbers = #tpu.dot_dimension_numbers<[1], [0], [0], [1], [0, 0, 1, 1], [], []>, transpose_lhs_hint = false} : vector<400x128xbf16>, vector<128x128xbf16>, vector<400x128xf32> -> vector<400x128xf32>
    %swap3A_20 = arith.constant 1 : index
    %swap3A_21 = arith.constant 0 : index
    %swap3A_22 = arith.constant 0 : index
    %swap3A_23 = vector.load %arg3[%swap3A_20, %swap3A_21, %swap3A_22] : memref<9x400x128xf32, #tpu.memory_space<vmem>>, vector<1x400x128xf32>
    %swap3A_24 = vector.shape_cast %swap3A_23 : vector<1x400x128xf32> to vector<400x128xf32>
    %swap3A_25 = vector.shape_cast %dot_general3A_19 : vector<400x128xf32> to vector<1x400x128xf32>
    tpu.vector_store %arg3[%swap3A_20, %swap3A_21, %swap3A_22], %swap3A_25 {strides = array<i32>} : memref<9x400x128xf32, #tpu.memory_space<vmem>>, vector<1x400x128xf32>,
    %get3A_26 = arith.constant 2 : index
    %get3A_27 = arith.constant 0 : index
    %get3A_28 = arith.constant 0 : index
    %get3A_29 = vector.load %arg2[%get3A_26, %get3A_27, %get3A_28] : memref<9x128x128xbf16, #tpu.memory_space<vmem>>, vector<1x128x128xbf16>
    %get3A_30 = vector.shape_cast %get3A_29 : vector<1x128x128xbf16> to vector<128x128xbf16>
    %dot_general3A_31 = arith.constant dense<0.000000e+00> : vector<400x128xf32>
    %dot_general3A_32 = tpu.matmul %get3A_1, %get3A_30, %dot_general3A_31 {dimension_numbers = #tpu.dot_dimension_numbers<[1], [0], [0], [1], [0, 0, 1, 1], [], []>, transpose_lhs_hint = false} : vector<400x128xbf16>, vector<128x128xbf16>, vector<400x128xf32> -> vector<400x128xf32>
    %swap3A_33 = arith.constant 2 : index
    %swap3A_34 = arith.constant 0 : index
    %swap3A_35 = arith.constant 0 : index
    %swap3A_36 = vector.load %arg3[%swap3A_33, %swap3A_34, %swap3A_35] : memref<9x400x128xf32, #tpu.memory_space<vmem>>, vector<1x400x128xf32>
    %swap3A_37 = vector.shape_cast %swap3A_36 : vector<1x400x128xf32> to vector<400x128xf32>
    %swap3A_38 = vector.shape_cast %dot_general3A_32 : vector<400x128xf32> to vector<1x400x128xf32>
    tpu.vector_store %arg3[%swap3A_33, %swap3A_34, %swap3A_35], %swap3A_38 {strides = array<i32>} : memref<9x400x128xf32, #tpu.memory_space<vmem>>, vector<1x400x128xf32>,
    %get3A_39 = arith.constant 3 : index
    %get3A_40 = arith.constant 0 : index
    %get3A_41 = arith.constant 0 : index
    %get3A_42 = vector.load %arg2[%get3A_39, %get3A_40, %get3A_41] : memref<9x128x128xbf16, #tpu.memory_space<vmem>>, vector<1x128x128xbf16>
    %get3A_43 = vector.shape_cast %get3A_42 : vector<1x128x128xbf16> to vector<128x128xbf16>
    %dot_general3A_44 = arith.constant dense<0.000000e+00> : vector<400x128xf32>
    %dot_general3A_45 = tpu.matmul %get3A_1, %get3A_43, %dot_general3A_44 {dimension_numbers = #tpu.dot_dimension_numbers<[1], [0], [0], [1], [0, 0, 1, 1], [], []>, transpose_lhs_hint = false} : vector<400x128xbf16>, vector<128x128xbf16>, vector<400x128xf32> -> vector<400x128xf32>
    %swap3A_46 = arith.constant 3 : index
    %swap3A_47 = arith.constant 0 : index
    %swap3A_48 = arith.constant 0 : index
    %swap3A_49 = vector.load %arg3[%swap3A_46, %swap3A_47, %swap3A_48] : memref<9x400x128xf32, #tpu.memory_space<vmem>>, vector<1x400x128xf32>
    %swap3A_50 = vector.shape_cast %swap3A_49 : vector<1x400x128xf32> to vector<400x128xf32>
    %swap3A_51 = vector.shape_cast %dot_general3A_45 : vector<400x128xf32> to vector<1x400x128xf32>
    tpu.vector_store %arg3[%swap3A_46, %swap3A_47, %swap3A_48], %swap3A_51 {strides = array<i32>} : memref<9x400x128xf32, #tpu.memory_space<vmem>>, vector<1x400x128xf32>,
    %get3A_52 = arith.constant 4 : index
    %get3A_53 = arith.constant 0 : index
    %get3A_54 = arith.constant 0 : index
    %get3A_55 = vector.load %arg2[%get3A_52, %get3A_53, %get3A_54] : memref<9x128x128xbf16, #tpu.memory_space<vmem>>, vector<1x128x128xbf16>
    %get3A_56 = vector.shape_cast %get3A_55 : vector<1x128x128xbf16> to vector<128x128xbf16>
    %dot_general3A_57 = arith.constant dense<0.000000e+00> : vector<400x128xf32>
    %dot_general3A_58 = tpu.matmul %get3A_1, %get3A_56, %dot_general3A_57 {dimension_numbers = #tpu.dot_dimension_numbers<[1], [0], [0], [1], [0, 0, 1, 1], [], []>, transpose_lhs_hint = false} : vector<400x128xbf16>, vector<128x128xbf16>, vector<400x128xf32> -> vector<400x128xf32>
    %swap3A_59 = arith.constant 4 : index
    %swap3A_60 = arith.constant 0 : index
    %swap3A_61 = arith.constant 0 : index
    %swap3A_62 = vector.load %arg3[%swap3A_59, %swap3A_60, %swap3A_61] : memref<9x400x128xf32, #tpu.memory_space<vmem>>, vector<1x400x128xf32>
    %swap3A_63 = vector.shape_cast %swap3A_62 : vector<1x400x128xf32> to vector<400x128xf32>
    %swap3A_64 = vector.shape_cast %dot_general3A_58 : vector<400x128xf32> to vector<1x400x128xf32>
    tpu.vector_store %arg3[%swap3A_59, %swap3A_60, %swap3A_61], %swap3A_64 {strides = array<i32>} : memref<9x400x128xf32, #tpu.memory_space<vmem>>, vector<1x400x128xf32>,
    %get3A_65 = arith.constant 5 : index
    %get3A_66 = arith.constant 0 : index
    %get3A_67 = arith.constant 0 : index
    %get3A_68 = vector.load %arg2[%get3A_65, %get3A_66, %get3A_67] : memref<9x128x128xbf16, #tpu.memory_space<vmem>>, vector<1x128x128xbf16>
    %get3A_69 = vector.shape_cast %get3A_68 : vector<1x128x128xbf16> to vector<128x128xbf16>
    %dot_general3A_70 = arith.constant dense<0.000000e+00> : vector<400x128xf32>
    %dot_general3A_71 = tpu.matmul %get3A_1, %get3A_69, %dot_general3A_70 {dimension_numbers = #tpu.dot_dimension_numbers<[1], [0], [0], [1], [0, 0, 1, 1], [], []>, transpose_lhs_hint = false} : vector<400x128xbf16>, vector<128x128xbf16>, vector<400x128xf32> -> vector<400x128xf32>
    %swap3A_72 = arith.constant 5 : index
    %swap3A_73 = arith.constant 0 : index
    %swap3A_74 = arith.constant 0 : index
    %swap3A_75 = vector.load %arg3[%swap3A_72, %swap3A_73, %swap3A_74] : memref<9x400x128xf32, #tpu.memory_space<vmem>>, vector<1x400x128xf32>
    %swap3A_76 = vector.shape_cast %swap3A_75 : vector<1x400x128xf32> to vector<400x128xf32>
    %swap3A_77 = vector.shape_cast %dot_general3A_71 : vector<400x128xf32> to vector<1x400x128xf32>
    tpu.vector_store %arg3[%swap3A_72, %swap3A_73, %swap3A_74], %swap3A_77 {strides = array<i32>} : memref<9x400x128xf32, #tpu.memory_space<vmem>>, vector<1x400x128xf32>,
    %get3A_78 = arith.constant 6 : index
    %get3A_79 = arith.constant 0 : index
    %get3A_80 = arith.constant 0 : index
    %get3A_81 = vector.load %arg2[%get3A_78, %get3A_79, %get3A_80] : memref<9x128x128xbf16, #tpu.memory_space<vmem>>, vector<1x128x128xbf16>
    %get3A_82 = vector.shape_cast %get3A_81 : vector<1x128x128xbf16> to vector<128x128xbf16>
    %dot_general3A_83 = arith.constant dense<0.000000e+00> : vector<400x128xf32>
    %dot_general3A_84 = tpu.matmul %get3A_1, %get3A_82, %dot_general3A_83 {dimension_numbers = #tpu.dot_dimension_numbers<[1], [0], [0], [1], [0, 0, 1, 1], [], []>, transpose_lhs_hint = false} : vector<400x128xbf16>, vector<128x128xbf16>, vector<400x128xf32> -> vector<400x128xf32>
    %swap3A_85 = arith.constant 6 : index
    %swap3A_86 = arith.constant 0 : index
    %swap3A_87 = arith.constant 0 : index
    %swap3A_88 = vector.load %arg3[%swap3A_85, %swap3A_86, %swap3A_87] : memref<9x400x128xf32, #tpu.memory_space<vmem>>, vector<1x400x128xf32>
    %swap3A_89 = vector.shape_cast %swap3A_88 : vector<1x400x128xf32> to vector<400x128xf32>
    %swap3A_90 = vector.shape_cast %dot_general3A_84 : vector<400x128xf32> to vector<1x400x128xf32>
    tpu.vector_store %arg3[%swap3A_85, %swap3A_86, %swap3A_87], %swap3A_90 {strides = array<i32>} : memref<9x400x128xf32, #tpu.memory_space<vmem>>, vector<1x400x128xf32>,
    %get3A_91 = arith.constant 7 : index
    %get3A_92 = arith.constant 0 : index
    %get3A_93 = arith.constant 0 : index
    %get3A_94 = vector.load %arg2[%get3A_91, %get3A_92, %get3A_93] : memref<9x128x128xbf16, #tpu.memory_space<vmem>>, vector<1x128x128xbf16>
    %get3A_95 = vector.shape_cast %get3A_94 : vector<1x128x128xbf16> to vector<128x128xbf16>
    %dot_general3A_96 = arith.constant dense<0.000000e+00> : vector<400x128xf32>
    %dot_general3A_97 = tpu.matmul %get3A_1, %get3A_95, %dot_general3A_96 {dimension_numbers = #tpu.dot_dimension_numbers<[1], [0], [0], [1], [0, 0, 1, 1], [], []>, transpose_lhs_hint = false} : vector<400x128xbf16>, vector<128x128xbf16>, vector<400x128xf32> -> vector<400x128xf32>
    %swap3A_98 = arith.constant 7 : index
    %swap3A_99 = arith.constant 0 : index
    %swap3A_100 = arith.constant 0 : index
    %swap3A_101 = vector.load %arg3[%swap3A_98, %swap3A_99, %swap3A_100] : memref<9x400x128xf32, #tpu.memory_space<vmem>>, vector<1x400x128xf32>
    %swap3A_102 = vector.shape_cast %swap3A_101 : vector<1x400x128xf32> to vector<400x128xf32>
    %swap3A_103 = vector.shape_cast %dot_general3A_97 : vector<400x128xf32> to vector<1x400x128xf32>
    tpu.vector_store %arg3[%swap3A_98, %swap3A_99, %swap3A_100], %swap3A_103 {strides = array<i32>} : memref<9x400x128xf32, #tpu.memory_space<vmem>>, vector<1x400x128xf32>,
    %get3A_104 = arith.constant 8 : index
    %get3A_105 = arith.constant 0 : index
    %get3A_106 = arith.constant 0 : index
    %get3A_107 = vector.load %arg2[%get3A_104, %get3A_105, %get3A_106] : memref<9x128x128xbf16, #tpu.memory_space<vmem>>, vector<1x128x128xbf16>
    %get3A_108 = vector.shape_cast %get3A_107 : vector<1x128x128xbf16> to vector<128x128xbf16>
    %dot_general3A_109 = arith.constant dense<0.000000e+00> : vector<400x128xf32>
    %dot_general3A_110 = tpu.matmul %get3A_1, %get3A_108, %dot_general3A_109 {dimension_numbers = #tpu.dot_dimension_numbers<[1], [0], [0], [1], [0, 0, 1, 1], [], []>, transpose_lhs_hint = false} : vector<400x128xbf16>, vector<128x128xbf16>, vector<400x128xf32> -> vector<400x128xf32>
    %swap3A_111 = arith.constant 8 : index
    %swap3A_112 = arith.constant 0 : index
    %swap3A_113 = arith.constant 0 : index
    %swap3A_114 = vector.load %arg3[%swap3A_111, %swap3A_112, %swap3A_113] : memref<9x400x128xf32, #tpu.memory_space<vmem>>, vector<1x400x128xf32>
    %swap3A_115 = vector.shape_cast %swap3A_114 : vector<1x400x128xf32> to vector<400x128xf32>
    %swap3A_116 = vector.shape_cast %dot_general3A_110 : vector<400x128xf32> to vector<1x400x128xf32>
    tpu.vector_store %arg3[%swap3A_111, %swap3A_112, %swap3A_113], %swap3A_116 {strides = array<i32>} : memref<9x400x128xf32, #tpu.memory_space<vmem>>, vector<1x400x128xf32>,
    return
  }
  func.func @transform_0(%arg0: i32) -> (i32, i32) {
    %c0_i32 = arith.constant 0 : i32
    %c0_i32_0 = arith.constant 0 : i32
    return %arg0, %c0_i32 : i32, i32
  }
  func.func @transform_1(%arg0: i32) -> (i32, i32, i32) {
    %c0_i32 = arith.constant 0 : i32
    %c0_i32_0 = arith.constant 0 : i32
    %c0_i32_1 = arith.constant 0 : i32
    %c0_i32_2 = arith.constant 0 : i32
    return %c0_i32, %c0_i32_0, %c0_i32_1 : i32, i32, i32
  }
  func.func @transform_2(%arg0: i32) -> (i32, i32, i32) {
    %c0_i32 = arith.constant 0 : i32
    %c0_i32_0 = arith.constant 0 : i32
    %c0_i32_1 = arith.constant 0 : i32
    return %c0_i32, %arg0, %c0_i32_0 : i32, i32, i32
  }
}

module attributes {stable_mosaic.version = 14 : i64} {
  func.func @_einsum2_body(%arg0: i32, %arg1: memref<1x400x128xf32, #tpu.memory_space<vmem>>, %arg2: memref<1x400x128xf32, #tpu.memory_space<vmem>>, %arg3: memref<1x400x128xf32, #tpu.memory_space<vmem>>, %arg4: memref<1x128xf32, #tpu.memory_space<vmem>>, %arg5: memref<9x128x128xbf16, #tpu.memory_space<vmem>>, %arg6: memref<9x400x128xf32, #tpu.memory_space<vmem>>) attributes {dimension_semantics = [#tpu.dimension_semantics<arbitrary>], iteration_bounds = array<i64: 25>, scalar_prefetch = 0 : i64, scratch_operands = 0 : i64, tpu.core_type = #tpu.core_type<tc>, window_params = [{transform_indices = @transform_0, window_bounds = array<i64: 1, 400, 128>}, {transform_indices = @transform_1, window_bounds = array<i64: 1, 400, 128>}, {transform_indices = @transform_2, window_bounds = array<i64: 1, 400, 128>}, {pipeline_mode = #tpu.pipeline_mode<synchronous>, transform_indices = @transform_3, window_bounds = array<i64: 1, 128>}, {pipeline_mode = #tpu.pipeline_mode<synchronous>, transform_indices = @transform_4, window_bounds = array<i64: 9, 128, 128>}, {transform_indices = @transform_5, window_bounds = array<i64: 9, 400, 128>}]} {
    %get3A = arith.constant 0 : index
    %get3A_0 = arith.constant 0 : index
    %get3A_1 = arith.constant 0 : index
    %get3A_2 = vector.load %arg1[%get3A, %get3A_0, %get3A_1] : memref<1x400x128xf32, #tpu.memory_space<vmem>>, vector<1x400x128xf32>
    %get3A_3 = vector.shape_cast %get3A_2 : vector<1x400x128xf32> to vector<400x128xf32>
    %get3A_4 = arith.constant 0 : index
    %get3A_5 = arith.constant 0 : index
    %get3A_6 = arith.constant 0 : index
    %get3A_7 = vector.load %arg2[%get3A_4, %get3A_5, %get3A_6] : memref<1x400x128xf32, #tpu.memory_space<vmem>>, vector<1x400x128xf32>
    %get3A_8 = vector.shape_cast %get3A_7 : vector<1x400x128xf32> to vector<400x128xf32>
    %add3A = arith.addf %get3A_3, %get3A_8 : vector<400x128xf32>
    %get3A_9 = arith.constant 0 : index
    %get3A_10 = arith.constant 0 : index
    %get3A_11 = arith.constant 0 : index
    %get3A_12 = vector.load %arg3[%get3A_9, %get3A_10, %get3A_11] : memref<1x400x128xf32, #tpu.memory_space<vmem>>, vector<1x400x128xf32>
    %get3A_13 = vector.shape_cast %get3A_12 : vector<1x400x128xf32> to vector<400x128xf32>
    %add3A_14 = arith.addf %add3A, %get3A_13 : vector<400x128xf32>
    %get3A_15 = arith.constant 0 : index
    %get3A_16 = arith.constant 0 : index
    %get3A_17 = vector.load %arg4[%get3A_15, %get3A_16] : memref<1x128xf32, #tpu.memory_space<vmem>>, vector<1x128xf32>
    %get3A_18 = vector.shape_cast %get3A_17 : vector<1x128xf32> to vector<128xf32>
    %broadcast_in_dim3A = vector.shape_cast %get3A_18 : vector<128xf32> to vector<1x128xf32>
    %add3A_19 = vector.broadcast %broadcast_in_dim3A : vector<1x128xf32> to vector<400x128xf32>
    %add3A_20 = arith.addf %add3A_14, %add3A_19 : vector<400x128xf32>
    %max3A = arith.constant 0.000000e+00 : f32
    %max3A_21 = vector.broadcast %max3A : f32 to vector<400x128xf32>
    %max3A_22 = arith.maximumf %add3A_20, %max3A_21 : vector<400x128xf32>
    %convert_element_type3A = arith.truncf %max3A_22 : vector<400x128xf32> to vector<400x128xbf16>
    %get3A_23 = arith.constant 0 : index
    %get3A_24 = arith.constant 0 : index
    %get3A_25 = arith.constant 0 : index
    %get3A_26 = vector.load %arg5[%get3A_23, %get3A_24, %get3A_25] : memref<9x128x128xbf16, #tpu.memory_space<vmem>>, vector<1x128x128xbf16>
    %get3A_27 = vector.shape_cast %get3A_26 : vector<1x128x128xbf16> to vector<128x128xbf16>
    %dot_general3A = arith.constant dense<0.000000e+00> : vector<400x128xf32>
    %dot_general3A_28 = tpu.matmul %convert_element_type3A, %get3A_27, %dot_general3A {dimension_numbers = #tpu.dot_dimension_numbers<[1], [0], [0], [1], [0, 0, 1, 1], [], []>, transpose_lhs_hint = false} : vector<400x128xbf16>, vector<128x128xbf16>, vector<400x128xf32> -> vector<400x128xf32>
    %swap3A = arith.constant 0 : index
    %swap3A_29 = arith.constant 0 : index
    %swap3A_30 = arith.constant 0 : index
    %swap3A_31 = vector.load %arg6[%swap3A, %swap3A_29, %swap3A_30] : memref<9x400x128xf32, #tpu.memory_space<vmem>>, vector<1x400x128xf32>
    %swap3A_32 = vector.shape_cast %swap3A_31 : vector<1x400x128xf32> to vector<400x128xf32>
    %swap3A_33 = vector.shape_cast %dot_general3A_28 : vector<400x128xf32> to vector<1x400x128xf32>
    tpu.vector_store %arg6[%swap3A, %swap3A_29, %swap3A_30], %swap3A_33 {strides = array<i32>} : memref<9x400x128xf32, #tpu.memory_space<vmem>>, vector<1x400x128xf32>,
    %get3A_34 = arith.constant 1 : index
    %get3A_35 = arith.constant 0 : index
    %get3A_36 = arith.constant 0 : index
    %get3A_37 = vector.load %arg5[%get3A_34, %get3A_35, %get3A_36] : memref<9x128x128xbf16, #tpu.memory_space<vmem>>, vector<1x128x128xbf16>
    %get3A_38 = vector.shape_cast %get3A_37 : vector<1x128x128xbf16> to vector<128x128xbf16>
    %dot_general3A_39 = arith.constant dense<0.000000e+00> : vector<400x128xf32>
    %dot_general3A_40 = tpu.matmul %convert_element_type3A, %get3A_38, %dot_general3A_39 {dimension_numbers = #tpu.dot_dimension_numbers<[1], [0], [0], [1], [0, 0, 1, 1], [], []>, transpose_lhs_hint = false} : vector<400x128xbf16>, vector<128x128xbf16>, vector<400x128xf32> -> vector<400x128xf32>
    %swap3A_41 = arith.constant 1 : index
    %swap3A_42 = arith.constant 0 : index
    %swap3A_43 = arith.constant 0 : index
    %swap3A_44 = vector.load %arg6[%swap3A_41, %swap3A_42, %swap3A_43] : memref<9x400x128xf32, #tpu.memory_space<vmem>>, vector<1x400x128xf32>
    %swap3A_45 = vector.shape_cast %swap3A_44 : vector<1x400x128xf32> to vector<400x128xf32>
    %swap3A_46 = vector.shape_cast %dot_general3A_40 : vector<400x128xf32> to vector<1x400x128xf32>
    tpu.vector_store %arg6[%swap3A_41, %swap3A_42, %swap3A_43], %swap3A_46 {strides = array<i32>} : memref<9x400x128xf32, #tpu.memory_space<vmem>>, vector<1x400x128xf32>,
    %get3A_47 = arith.constant 2 : index
    %get3A_48 = arith.constant 0 : index
    %get3A_49 = arith.constant 0 : index
    %get3A_50 = vector.load %arg5[%get3A_47, %get3A_48, %get3A_49] : memref<9x128x128xbf16, #tpu.memory_space<vmem>>, vector<1x128x128xbf16>
    %get3A_51 = vector.shape_cast %get3A_50 : vector<1x128x128xbf16> to vector<128x128xbf16>
    %dot_general3A_52 = arith.constant dense<0.000000e+00> : vector<400x128xf32>
    %dot_general3A_53 = tpu.matmul %convert_element_type3A, %get3A_51, %dot_general3A_52 {dimension_numbers = #tpu.dot_dimension_numbers<[1], [0], [0], [1], [0, 0, 1, 1], [], []>, transpose_lhs_hint = false} : vector<400x128xbf16>, vector<128x128xbf16>, vector<400x128xf32> -> vector<400x128xf32>
    %swap3A_54 = arith.constant 2 : index
    %swap3A_55 = arith.constant 0 : index
    %swap3A_56 = arith.constant 0 : index
    %swap3A_57 = vector.load %arg6[%swap3A_54, %swap3A_55, %swap3A_56] : memref<9x400x128xf32, #tpu.memory_space<vmem>>, vector<1x400x128xf32>
    %swap3A_58 = vector.shape_cast %swap3A_57 : vector<1x400x128xf32> to vector<400x128xf32>
    %swap3A_59 = vector.shape_cast %dot_general3A_53 : vector<400x128xf32> to vector<1x400x128xf32>
    tpu.vector_store %arg6[%swap3A_54, %swap3A_55, %swap3A_56], %swap3A_59 {strides = array<i32>} : memref<9x400x128xf32, #tpu.memory_space<vmem>>, vector<1x400x128xf32>,
    %get3A_60 = arith.constant 3 : index
    %get3A_61 = arith.constant 0 : index
    %get3A_62 = arith.constant 0 : index
    %get3A_63 = vector.load %arg5[%get3A_60, %get3A_61, %get3A_62] : memref<9x128x128xbf16, #tpu.memory_space<vmem>>, vector<1x128x128xbf16>
    %get3A_64 = vector.shape_cast %get3A_63 : vector<1x128x128xbf16> to vector<128x128xbf16>
    %dot_general3A_65 = arith.constant dense<0.000000e+00> : vector<400x128xf32>
    %dot_general3A_66 = tpu.matmul %convert_element_type3A, %get3A_64, %dot_general3A_65 {dimension_numbers = #tpu.dot_dimension_numbers<[1], [0], [0], [1], [0, 0, 1, 1], [], []>, transpose_lhs_hint = false} : vector<400x128xbf16>, vector<128x128xbf16>, vector<400x128xf32> -> vector<400x128xf32>
    %swap3A_67 = arith.constant 3 : index
    %swap3A_68 = arith.constant 0 : index
    %swap3A_69 = arith.constant 0 : index
    %swap3A_70 = vector.load %arg6[%swap3A_67, %swap3A_68, %swap3A_69] : memref<9x400x128xf32, #tpu.memory_space<vmem>>, vector<1x400x128xf32>
    %swap3A_71 = vector.shape_cast %swap3A_70 : vector<1x400x128xf32> to vector<400x128xf32>
    %swap3A_72 = vector.shape_cast %dot_general3A_66 : vector<400x128xf32> to vector<1x400x128xf32>
    tpu.vector_store %arg6[%swap3A_67, %swap3A_68, %swap3A_69], %swap3A_72 {strides = array<i32>} : memref<9x400x128xf32, #tpu.memory_space<vmem>>, vector<1x400x128xf32>,
    %get3A_73 = arith.constant 4 : index
    %get3A_74 = arith.constant 0 : index
    %get3A_75 = arith.constant 0 : index
    %get3A_76 = vector.load %arg5[%get3A_73, %get3A_74, %get3A_75] : memref<9x128x128xbf16, #tpu.memory_space<vmem>>, vector<1x128x128xbf16>
    %get3A_77 = vector.shape_cast %get3A_76 : vector<1x128x128xbf16> to vector<128x128xbf16>
    %dot_general3A_78 = arith.constant dense<0.000000e+00> : vector<400x128xf32>
    %dot_general3A_79 = tpu.matmul %convert_element_type3A, %get3A_77, %dot_general3A_78 {dimension_numbers = #tpu.dot_dimension_numbers<[1], [0], [0], [1], [0, 0, 1, 1], [], []>, transpose_lhs_hint = false} : vector<400x128xbf16>, vector<128x128xbf16>, vector<400x128xf32> -> vector<400x128xf32>
    %swap3A_80 = arith.constant 4 : index
    %swap3A_81 = arith.constant 0 : index
    %swap3A_82 = arith.constant 0 : index
    %swap3A_83 = vector.load %arg6[%swap3A_80, %swap3A_81, %swap3A_82] : memref<9x400x128xf32, #tpu.memory_space<vmem>>, vector<1x400x128xf32>
    %swap3A_84 = vector.shape_cast %swap3A_83 : vector<1x400x128xf32> to vector<400x128xf32>
    %swap3A_85 = vector.shape_cast %dot_general3A_79 : vector<400x128xf32> to vector<1x400x128xf32>
    tpu.vector_store %arg6[%swap3A_80, %swap3A_81, %swap3A_82], %swap3A_85 {strides = array<i32>} : memref<9x400x128xf32, #tpu.memory_space<vmem>>, vector<1x400x128xf32>,
    %get3A_86 = arith.constant 5 : index
    %get3A_87 = arith.constant 0 : index
    %get3A_88 = arith.constant 0 : index
    %get3A_89 = vector.load %arg5[%get3A_86, %get3A_87, %get3A_88] : memref<9x128x128xbf16, #tpu.memory_space<vmem>>, vector<1x128x128xbf16>
    %get3A_90 = vector.shape_cast %get3A_89 : vector<1x128x128xbf16> to vector<128x128xbf16>
    %dot_general3A_91 = arith.constant dense<0.000000e+00> : vector<400x128xf32>
    %dot_general3A_92 = tpu.matmul %convert_element_type3A, %get3A_90, %dot_general3A_91 {dimension_numbers = #tpu.dot_dimension_numbers<[1], [0], [0], [1], [0, 0, 1, 1], [], []>, transpose_lhs_hint = false} : vector<400x128xbf16>, vector<128x128xbf16>, vector<400x128xf32> -> vector<400x128xf32>
    %swap3A_93 = arith.constant 5 : index
    %swap3A_94 = arith.constant 0 : index
    %swap3A_95 = arith.constant 0 : index
    %swap3A_96 = vector.load %arg6[%swap3A_93, %swap3A_94, %swap3A_95] : memref<9x400x128xf32, #tpu.memory_space<vmem>>, vector<1x400x128xf32>
    %swap3A_97 = vector.shape_cast %swap3A_96 : vector<1x400x128xf32> to vector<400x128xf32>
    %swap3A_98 = vector.shape_cast %dot_general3A_92 : vector<400x128xf32> to vector<1x400x128xf32>
    tpu.vector_store %arg6[%swap3A_93, %swap3A_94, %swap3A_95], %swap3A_98 {strides = array<i32>} : memref<9x400x128xf32, #tpu.memory_space<vmem>>, vector<1x400x128xf32>,
    %get3A_99 = arith.constant 6 : index
    %get3A_100 = arith.constant 0 : index
    %get3A_101 = arith.constant 0 : index
    %get3A_102 = vector.load %arg5[%get3A_99, %get3A_100, %get3A_101] : memref<9x128x128xbf16, #tpu.memory_space<vmem>>, vector<1x128x128xbf16>
    %get3A_103 = vector.shape_cast %get3A_102 : vector<1x128x128xbf16> to vector<128x128xbf16>
    %dot_general3A_104 = arith.constant dense<0.000000e+00> : vector<400x128xf32>
    %dot_general3A_105 = tpu.matmul %convert_element_type3A, %get3A_103, %dot_general3A_104 {dimension_numbers = #tpu.dot_dimension_numbers<[1], [0], [0], [1], [0, 0, 1, 1], [], []>, transpose_lhs_hint = false} : vector<400x128xbf16>, vector<128x128xbf16>, vector<400x128xf32> -> vector<400x128xf32>
    %swap3A_106 = arith.constant 6 : index
    %swap3A_107 = arith.constant 0 : index
    %swap3A_108 = arith.constant 0 : index
    %swap3A_109 = vector.load %arg6[%swap3A_106, %swap3A_107, %swap3A_108] : memref<9x400x128xf32, #tpu.memory_space<vmem>>, vector<1x400x128xf32>
    %swap3A_110 = vector.shape_cast %swap3A_109 : vector<1x400x128xf32> to vector<400x128xf32>
    %swap3A_111 = vector.shape_cast %dot_general3A_105 : vector<400x128xf32> to vector<1x400x128xf32>
    tpu.vector_store %arg6[%swap3A_106, %swap3A_107, %swap3A_108], %swap3A_111 {strides = array<i32>} : memref<9x400x128xf32, #tpu.memory_space<vmem>>, vector<1x400x128xf32>,
    %get3A_112 = arith.constant 7 : index
    %get3A_113 = arith.constant 0 : index
    %get3A_114 = arith.constant 0 : index
    %get3A_115 = vector.load %arg5[%get3A_112, %get3A_113, %get3A_114] : memref<9x128x128xbf16, #tpu.memory_space<vmem>>, vector<1x128x128xbf16>
    %get3A_116 = vector.shape_cast %get3A_115 : vector<1x128x128xbf16> to vector<128x128xbf16>
    %dot_general3A_117 = arith.constant dense<0.000000e+00> : vector<400x128xf32>
    %dot_general3A_118 = tpu.matmul %convert_element_type3A, %get3A_116, %dot_general3A_117 {dimension_numbers = #tpu.dot_dimension_numbers<[1], [0], [0], [1], [0, 0, 1, 1], [], []>, transpose_lhs_hint = false} : vector<400x128xbf16>, vector<128x128xbf16>, vector<400x128xf32> -> vector<400x128xf32>
    %swap3A_119 = arith.constant 7 : index
    %swap3A_120 = arith.constant 0 : index
    %swap3A_121 = arith.constant 0 : index
    %swap3A_122 = vector.load %arg6[%swap3A_119, %swap3A_120, %swap3A_121] : memref<9x400x128xf32, #tpu.memory_space<vmem>>, vector<1x400x128xf32>
    %swap3A_123 = vector.shape_cast %swap3A_122 : vector<1x400x128xf32> to vector<400x128xf32>
    %swap3A_124 = vector.shape_cast %dot_general3A_118 : vector<400x128xf32> to vector<1x400x128xf32>
    tpu.vector_store %arg6[%swap3A_119, %swap3A_120, %swap3A_121], %swap3A_124 {strides = array<i32>} : memref<9x400x128xf32, #tpu.memory_space<vmem>>, vector<1x400x128xf32>,
    %get3A_125 = arith.constant 8 : index
    %get3A_126 = arith.constant 0 : index
    %get3A_127 = arith.constant 0 : index
    %get3A_128 = vector.load %arg5[%get3A_125, %get3A_126, %get3A_127] : memref<9x128x128xbf16, #tpu.memory_space<vmem>>, vector<1x128x128xbf16>
    %get3A_129 = vector.shape_cast %get3A_128 : vector<1x128x128xbf16> to vector<128x128xbf16>
    %dot_general3A_130 = arith.constant dense<0.000000e+00> : vector<400x128xf32>
    %dot_general3A_131 = tpu.matmul %convert_element_type3A, %get3A_129, %dot_general3A_130 {dimension_numbers = #tpu.dot_dimension_numbers<[1], [0], [0], [1], [0, 0, 1, 1], [], []>, transpose_lhs_hint = false} : vector<400x128xbf16>, vector<128x128xbf16>, vector<400x128xf32> -> vector<400x128xf32>
    %swap3A_132 = arith.constant 8 : index
    %swap3A_133 = arith.constant 0 : index
    %swap3A_134 = arith.constant 0 : index
    %swap3A_135 = vector.load %arg6[%swap3A_132, %swap3A_133, %swap3A_134] : memref<9x400x128xf32, #tpu.memory_space<vmem>>, vector<1x400x128xf32>
    %swap3A_136 = vector.shape_cast %swap3A_135 : vector<1x400x128xf32> to vector<400x128xf32>
    %swap3A_137 = vector.shape_cast %dot_general3A_131 : vector<400x128xf32> to vector<1x400x128xf32>
    tpu.vector_store %arg6[%swap3A_132, %swap3A_133, %swap3A_134], %swap3A_137 {strides = array<i32>} : memref<9x400x128xf32, #tpu.memory_space<vmem>>, vector<1x400x128xf32>,
    return
  }
  func.func @transform_0(%arg0: i32) -> (i32, i32, i32) {
    %c0_i32 = arith.constant 0 : i32
    %c0_i32_0 = arith.constant 0 : i32
    %c0_i32_1 = arith.constant 0 : i32
    return %c0_i32, %arg0, %c0_i32_0 : i32, i32, i32
  }
  func.func @transform_1(%arg0: i32) -> (i32, i32, i32) {
    %c1_i32 = arith.constant 1 : i32
    %c0_i32 = arith.constant 0 : i32
    %c0_i32_0 = arith.constant 0 : i32
    return %c1_i32, %arg0, %c0_i32 : i32, i32, i32
  }
  func.func @transform_2(%arg0: i32) -> (i32, i32, i32) {
    %c8_i32 = arith.constant 8 : i32
    %c0_i32 = arith.constant 0 : i32
    %c0_i32_0 = arith.constant 0 : i32
    return %c8_i32, %arg0, %c0_i32 : i32, i32, i32
  }
  func.func @transform_3(%arg0: i32) -> (i32, i32) {
    %c0_i32 = arith.constant 0 : i32
    %c0_i32_0 = arith.constant 0 : i32
    %c0_i32_1 = arith.constant 0 : i32
    return %c0_i32, %c0_i32_0 : i32, i32
  }
  func.func @transform_4(%arg0: i32) -> (i32, i32, i32) {
    %c0_i32 = arith.constant 0 : i32
    %c0_i32_0 = arith.constant 0 : i32
    %c0_i32_1 = arith.constant 0 : i32
    %c0_i32_2 = arith.constant 0 : i32
    return %c0_i32, %c0_i32_0, %c0_i32_1 : i32, i32, i32
  }
  func.func @transform_5(%arg0: i32) -> (i32, i32, i32) {
    %c0_i32 = arith.constant 0 : i32
    %c0_i32_0 = arith.constant 0 : i32
    %c0_i32_1 = arith.constant 0 : i32
    return %c0_i32, %arg0, %c0_i32_0 : i32, i32, i32
  }
}

module attributes {stable_mosaic.version = 14 : i64} {
  func.func @_combine_body(%arg0: i32, %arg1: memref<1x400x128xf32, #tpu.memory_space<vmem>>, %arg2: memref<1x400x128xf32, #tpu.memory_space<vmem>>, %arg3: memref<1x400x128xf32, #tpu.memory_space<vmem>>, %arg4: memref<1x128xf32, #tpu.memory_space<vmem>>, %arg5: memref<400x128xf32, #tpu.memory_space<vmem>>) attributes {dimension_semantics = [#tpu.dimension_semantics<arbitrary>], iteration_bounds = array<i64: 25>, scalar_prefetch = 0 : i64, scratch_operands = 0 : i64, tpu.core_type = #tpu.core_type<tc>, window_params = [{transform_indices = @transform_0, window_bounds = array<i64: 1, 400, 128>}, {transform_indices = @transform_1, window_bounds = array<i64: 1, 400, 128>}, {transform_indices = @transform_2, window_bounds = array<i64: 1, 400, 128>}, {pipeline_mode = #tpu.pipeline_mode<synchronous>, transform_indices = @transform_3, window_bounds = array<i64: 1, 128>}, {transform_indices = @transform_4, window_bounds = array<i64: 400, 128>}]} {
    %get3A = arith.constant 0 : index
    %get3A_0 = arith.constant 0 : index
    %get3A_1 = arith.constant 0 : index
    %get3A_2 = vector.load %arg1[%get3A, %get3A_0, %get3A_1] : memref<1x400x128xf32, #tpu.memory_space<vmem>>, vector<1x400x128xf32>
    %get3A_3 = vector.shape_cast %get3A_2 : vector<1x400x128xf32> to vector<400x128xf32>
    %get3A_4 = arith.constant 0 : index
    %get3A_5 = arith.constant 0 : index
    %get3A_6 = arith.constant 0 : index
    %get3A_7 = vector.load %arg2[%get3A_4, %get3A_5, %get3A_6] : memref<1x400x128xf32, #tpu.memory_space<vmem>>, vector<1x400x128xf32>
    %get3A_8 = vector.shape_cast %get3A_7 : vector<1x400x128xf32> to vector<400x128xf32>
    %add3A = arith.addf %get3A_3, %get3A_8 : vector<400x128xf32>
    %get3A_9 = arith.constant 0 : index
    %get3A_10 = arith.constant 0 : index
    %get3A_11 = arith.constant 0 : index
    %get3A_12 = vector.load %arg3[%get3A_9, %get3A_10, %get3A_11] : memref<1x400x128xf32, #tpu.memory_space<vmem>>, vector<1x400x128xf32>
    %get3A_13 = vector.shape_cast %get3A_12 : vector<1x400x128xf32> to vector<400x128xf32>
    %add3A_14 = arith.addf %add3A, %get3A_13 : vector<400x128xf32>
    %get3A_15 = arith.constant 0 : index
    %get3A_16 = arith.constant 0 : index
    %get3A_17 = vector.load %arg4[%get3A_15, %get3A_16] : memref<1x128xf32, #tpu.memory_space<vmem>>, vector<1x128xf32>
    %get3A_18 = vector.shape_cast %get3A_17 : vector<1x128xf32> to vector<128xf32>
    %broadcast_in_dim3A = vector.shape_cast %get3A_18 : vector<128xf32> to vector<1x128xf32>
    %add3A_19 = vector.broadcast %broadcast_in_dim3A : vector<1x128xf32> to vector<400x128xf32>
    %add3A_20 = arith.addf %add3A_14, %add3A_19 : vector<400x128xf32>
    %swap3A = arith.constant 0 : index
    %swap3A_21 = arith.constant 0 : index
    %swap3A_22 = vector.load %arg5[%swap3A, %swap3A_21] : memref<400x128xf32, #tpu.memory_space<vmem>>, vector<400x128xf32>
    tpu.vector_store %arg5[%swap3A, %swap3A_21], %add3A_20 {strides = array<i32>} : memref<400x128xf32, #tpu.memory_space<vmem>>, vector<400x128xf32>,
    return
  }
  func.func @transform_0(%arg0: i32) -> (i32, i32, i32) {
    %c0_i32 = arith.constant 0 : i32
    %c0_i32_0 = arith.constant 0 : i32
    %c0_i32_1 = arith.constant 0 : i32
    return %c0_i32, %arg0, %c0_i32_0 : i32, i32, i32
  }
  func.func @transform_1(%arg0: i32) -> (i32, i32, i32) {
    %c1_i32 = arith.constant 1 : i32
    %c0_i32 = arith.constant 0 : i32
    %c0_i32_0 = arith.constant 0 : i32
    return %c1_i32, %arg0, %c0_i32 : i32, i32, i32
  }
  func.func @transform_2(%arg0: i32) -> (i32, i32, i32) {
    %c8_i32 = arith.constant 8 : i32
    %c0_i32 = arith.constant 0 : i32
    %c0_i32_0 = arith.constant 0 : i32
    return %c8_i32, %arg0, %c0_i32 : i32, i32, i32
  }
  func.func @transform_3(%arg0: i32) -> (i32, i32) {
    %c0_i32 = arith.constant 0 : i32
    %c0_i32_0 = arith.constant 0 : i32
    %c0_i32_1 = arith.constant 0 : i32
    return %c0_i32, %c0_i32_0 : i32, i32
  }
  func.func @transform_4(%arg0: i32) -> (i32, i32) {
    %c0_i32 = arith.constant 0 : i32
    %c0_i32_0 = arith.constant 0 : i32
    return %arg0, %c0_i32 : i32, i32
  }
}

</mosaic_0001>

<sc_bundles>
// kernel: kernel.11.cloned.1.call-start
scs
__scs_entry_jumppad:
0x0: {  	(pc) =	sbr.rel $0x88, $3  }
0x1: {  	(tag) =	ssettag $0x0;
	lr =	simm.s32 $0x1  }
0x2: {  	[smem:$0x3F98] =	sst lr;
	_ =	strace $0xD0000000  }
0x3: {  	_ = 	snop  }
0x4: {  	_ = 	snop  }
0x5: {  	_ = 	snop  }
0x6: {  	_ = 	snop  }
0x7: {  	_ = 	snop  }
__scs_overlays_trampoline_lowered:
0x8: {  	[smem:$0x3FA7] =	sst s0  }
0x9: {  	[smem:$0x3FA8] =	sst s1  }
0xa: {  	[smem:$0x3FA9] =	sst s2  }
0xb: {  	[smem:$0x3FAA] =	sst s3  }
0xc: {  	[smem:$0x3FAB] =	sst s4  }
0xd: {  	[smem:$0x3FAC] =	sst s5  }
0xe: {  	[smem:$0x3FAD] =	sst s6  }
0xf: {  	[smem:$0x3FAE] =	sst s7  }
0x10: {  	[smem:$0x3FAF] =	sst s8  }
0x11: {  	[smem:$0x3FB0] =	sst s9;
	s0 =	simm.s32 @!p0 $0x0  }
0x12: {  	s1 =	sld [smem:$0x3F96];
	s0 =	simm.s32 @p0 $0x1  }
0x13: {  	[smem:$0x3FB1] =	sst s0;
	s0 =	simm.s32 @!p1 $0x0  }
0x14: {  	s2 =	sld [smem:$0x3F95];
	s0 =	simm.s32 @p1 $0x1  }
0x15: {  	[smem:$0x3FB2] =	sst s0;
	s0 =	simm.s32 @!p2 $0x0  }
0x16: {  	s3 =	sld [smem:$0x3FDB];
	s0 =	simm.s32 @p2 $0x1  }
0x17: {  	s4 =	simm.s32 $0x1BF5;
	[smem:$0x3FB4] =	sst s0  }
0x18: {  	s0 =	sld [smem:$0x3F97];
	_ =	swait.ge [sflag:s4], $0x0  }
0x19: {  	s7 =	sld [smem:$0x3F98]  }
0x1a: {  	s8 =	sadd.s32 $0xFFFFE003, lr  }
0x1b: {  	s9 =	sadd.s32 $0xFFFFFEF7, lr;
	s5 =	simm.s32 $0xFFFFFFFF;
	p2 =	slt.u32 s8, $0xFFFFF086  }
0x1c: {  	p1 =	slt.u32 s9, $0xF7A;
	s5 =	simm.s32 @!p2 $0x0  }
0x1d: {  	s5 =	simm.s32 @p1 $0x1;
	p0 =	seq.s32 s7, s2  }
0x1e: {  	s7 =	smul.u32 @!p0 $0xF7A, s2;
	p2 =	seq.s32 @!p0 s5, $0x0  }
0x1f: {  	s9 =	smul.u32 $0xF7A, s1;
	s8 =	simm.s32 @!p0 $0x1BF5;
	p2 =	por !p2, p0  }
0x20: {  	[sflag:s8] =	ssyncset.s32 @!p0 $0xFFFFF086;
	s6 =	sadd.s32 @!p0 s3, s7;
	s7 =	simm.s32 @!p0 $0x108  }
0x21: {  	s3 =	sadd.s32 s3, s9;
	s6 =	sadd.s32 @!p0 $0x88, s6;
	s7 =	simm.s32 @p2 $0x1082  }
0x22: {  	[simem:s7], [sflag:s8] =	dma.local @!p0 [hbm:s6], $0xF7A  }
0x23: {  	s9 =	sor.u32 $0xD0000000, s2;
	s6 =	simm.s32 $0x108;
	_ =	swait.ge @!p0 [sflag:s8], $0x0  }
0x24: {  	s3 =	sadd.s32 $0x88, s3;
	s6 =	simm.s32 @!p1 $0x1082;
	[sflag:s4] =	ssyncset.s32 $0xFFFFF086  }
0x25: {  	[simem:s6], [sflag:s4] =	dma.local [hbm:s3], $0xF7A  }
0x26: {  	[smem:$0x3F98] =	sst s1;
	(tag) =	ssettag s2;
	_ =	strace s9  }
0x27: {  	s1 =	sld [smem:$0x3FA8]  }
0x28: {  	s2 =	sld [smem:$0x3FA9]  }
0x29: {  	s4 =	sld [smem:$0x3FAB]  }
0x2a: {  	p0 =	seq.s32 s5, $0x0;
	s5 =	sld [smem:$0x3FAC]  }
0x2b: {  	s6 =	sld [smem:$0x3FAD]  }
0x2c: {  	s7 =	sld [smem:$0x3FAE]  }
0x2d: {  	s3 =	simm.s32 $0x108;
	s8 =	sld [smem:$0x3FAF]  }
0x2e: {  	s3 =	simm.s32 @!p0 $0x1082;
	s9 =	sld [smem:$0x3FB0]  }
0x2f: {  	lr =	sadd.s32 s0, s3;
	s0 =	sld [smem:$0x3FA7]  }
0x30: {  	s3 =	sld [smem:$0x3FAA]  }
0x31: {  	[smem:$0x3FB3] =	sst s10  }
0x32: {  	s10 =	sld [smem:$0x3FB1];
	_ =	sdelay $0x3  }
0x33: {  	p0 =	seq.s32 s10, $0x1;
	s10 =	sld [smem:$0x3FB3];
	_ =	sdelay $0x3  }
0x34: {  	[smem:$0x3FB3] =	sst s10  }
0x35: {  	s10 =	sld [smem:$0x3FB2];
	_ =	sdelay $0x3  }
0x36: {  	p1 =	seq.s32 s10, $0x1;
	s10 =	sld [smem:$0x3FB3];
	_ =	sdelay $0x3  }
0x37: {  	[smem:$0x3FB3] =	sst s10  }
0x38: {  	s10 =	sld [smem:$0x3FB4]  }
0x39: {  	_ = 	snop;
	(pc) =	sbr.ind lr, $3  }
0x3a: {  	_ = 	snop  }
0x3b: {  	_ = 	snop  }
0x3c: {  	p2 =	seq.s32 s10, $0x1;
	s10 =	sld [smem:$0x3FB3]  }
0x3d: {  	_ =	shalt  }
0x3e: {  	_ =	shalt  }
0x3f: {  	_ =	shalt  }
0x40: {  	_ =	shalt  }
0x41: {  	_ =	shalt  }
0x42: {  	_ =	shalt  }
0x43: {  	_ =	shalt  }
0x44: {  	_ =	shalt  }
0x45: {  	_ =	shalt  }
0x46: {  	_ =	shalt  }
0x47: {  	_ =	shalt  }
0x48: {  	_ =	shalt  }
0x49: {  	_ =	shalt  }
0x4a: {  	_ =	shalt  }
0x4b: {  	_ =	shalt  }
0x4c: {  	_ =	shalt  }
0x4d: {  	_ =	shalt  }
0x4e: {  	_ =	shalt  }
0x4f: {  	_ =	shalt  }
0x50: {  	_ =	shalt  }
0x51: {  	_ =	shalt  }
0x52: {  	_ =	shalt  }
0x53: {  	_ =	shalt  }
0x54: {  	_ =	shalt  }
0x55: {  	_ =	shalt  }
0x56: {  	_ =	shalt  }
0x57: {  	_ =	shalt  }
0x58: {  	_ =	shalt  }
0x59: {  	_ =	shalt  }
0x5a: {  	_ =	shalt  }
0x5b: {  	_ =	shalt  }
0x5c: {  	_ =	shalt  }
0x5d: {  	_ =	shalt  }
0x5e: {  	_ =	shalt  }
0x5f: {  	_ =	shalt  }
0x60: {  	_ =	shalt  }
0x61: {  	_ =	shalt  }
0x62: {  	_ =	shalt  }
0x63: {  	_ =	shalt  }
0x64: {  	_ =	shalt  }
0x65: {  	_ =	shalt  }
0x66: {  	_ =	shalt  }
0x67: {  	_ =	shalt  }
0x68: {  	_ =	shalt  }
0x69: {  	_ =	shalt  }
0x6a: {  	_ =	shalt  }
0x6b: {  	_ =	shalt  }
0x6c: {  	_ =	shalt  }
0x6d: {  	_ =	shalt  }
0x6e: {  	_ =	shalt  }
0x6f: {  	_ =	shalt  }
0x70: {  	_ =	shalt  }
0x71: {  	_ =	shalt  }
0x72: {  	_ =	shalt  }
0x73: {  	_ =	shalt  }
0x74: {  	_ =	shalt  }
0x75: {  	_ =	shalt  }
0x76: {  	_ =	shalt  }
0x77: {  	_ =	shalt  }
0x78: {  	_ =	shalt  }
0x79: {  	_ =	shalt  }
0x7a: {  	_ =	shalt  }
0x7b: {  	_ =	shalt  }
0x7c: {  	_ =	shalt  }
0x7d: {  	_ =	shalt  }
0x7e: {  	_ =	shalt  }
0x7f: {  	_ =	shalt  }
0x80: {  	_ =	shalt  }
0x81: {  	_ =	shalt  }
0x82: {  	_ =	shalt  }
0x83: {  	_ =	shalt  }
0x84: {  	_ =	shalt  }
0x85: {  	_ =	shalt  }
0x86: {  	_ =	shalt  }
0x87: {  	_ =	shalt  }
.Lfunc_end0:
.L_simem_size_0:
called_computation.1_lowered:
.L_overlay_start_0:
0x88: {  	s2 =	sld [smem:$0x3FD9]  }
0x89: {  	s3 =	sld [smem:$0x3FFE];
	_ =	sdelay $0x1  }
0x8a: {  	s1 =	srdreg.scid  }
0x8b: {  	s0 =	sand.u32 $0x1, s1  }
0x8c: {  	s17 =	sshll.u32 s0, $0xA;
	s2 =	sadd.s32 s3, s2  }
0x8d: {  	s2 =	sadd.s32 s2, s17  }
0x8e: {  	[smem:$0x3FBF] =	sst s2  }
0x8f: {  	_ = 	snop  }
0x90: {  	s2 =	sld [smem:$0x3FD0];
	(tm) =	ssettm $0x1  }
0x91: {  	s18 =	sld [smem:$0x3FFB];
	_ =	sdelay $0x3  }
0x92: {  	_ =	strace s18  }
0x93: {  	s3 =	sld [smem:$0x3FFC];
	_ =	sdelay $0x3  }
0x94: {  	_ =	strace s3  }
0x95: {  	s3 =	sld [smem:$0x3FFD];
	_ =	sdelay $0x3  }
0x96: {  	_ =	strace s3  }
0x97: {  	_ =	strace $0x8FFFFFFF  }
0x98: {  	s19 =	sld [smem:$0x3FDB];
	_ =	sdelay $0x1  }
0x99: {  	s4 =	simm.s32 $_scs_section_size  }
0x9a: {  	s5 =	simm.s32 $_size__tile_overlayer_lowered;
	s6 =	simm.s32 $_tile_overlayer_lowered  }
0x9b: {  	s22 =	simm.s32 $0x1BFF;
	s21 =	sshll.u32 s6, $0x1;
	s3 =	sadd.s32 s4, s19  }
0x9c: {  	s7 =	simm.s32 $0x0;
	s20 =	sshll.u32 s5, $0x1;
	s5 =	sadd.s32 s21, s3  }
0x9d: {  	[timem:s7], [sflag:s22] =	dma.local [hbm:s5], s20  }
0x9e: {  	_ =	swait.ge [sflag:s22], s20  }
0x9f: {  	s4 =	ssub.s32 $0x0, s20;
	[sflag:s22] =	ssyncset.done $0x0  }
0xa0: {  	[sflag:s22] =	ssyncadd.s32 s4;
	_ =	sdelay $0x1  }
0xa1: {  	s23 =	simm.s32 $0x1B8B  }
0xa2: {  	_ =	swait.ge [sflag:s23], $0x1  }
0xa3: {  	[sflag:s23] =	ssyncset.done $0x0  }
0xa4: {  	s25 =	simm.s32 $0x1B8E;
	s24 =	sld [smem:$0x3FFE];
	[sflag:s23] =	ssyncadd.s32 $0xFFFFFFFF  }
0xa5: {  	s26 =	simm.s32 $execute0_lowered;
	[smem:$0x3FD2] =	sst s25  }
0xa6: {  	s5 =	sshll.u32 s26, $0x1;
	_ =	strace $0x80000049;
	[dreg:$0x1] =	wrdreg $0xFFFFFFFF  }
0xa7: {  	s28 =	simm.s32 $_size_execute0_lowered;
	s3 =	sadd.s32 s3, s5;
	[dreg:$0x0] =	wrdreg $0x0  }
0xa8: {  	s5 =	sshll.u32 s28, $0x1;
	[dreg:$0x2] =	wrdreg s3  }
0xa9: {  	[dreg:$0x3] =	wrdreg s5  }
0xaa: {  	[dreg:$0x4] =	wrdreg $0xC0  }
0xab: {  	_ =	task [dreg:s7], $0x5FFFF  }
0xac: {  	[dreg:$0x1] =	wrdreg $0xFFFFFFFF  }
0xad: {  	[dreg:$0x0] =	wrdreg $0x60  }
0xae: {  	[dreg:$0x2] =	wrdreg s24  }
0xaf: {  	[dreg:$0x3] =	wrdreg s2  }
0xb0: {  	[dreg:$0x4] =	wrdreg $0x98000  }
0xb1: {  	[dreg:$0x5] =	wrdreg $0x9  }
0xb2: {  	_ =	task.clear_ibuf [dreg:s7], $0x6FFFF;
	_ =	strace $0x90000049  }
0xb3: {  	s29 =	simm.s32 $0x9;
	_ =	strace $0x8000004B  }
0xb4: {  	_ =	swait.ge [sflag:s29], $0x1  }
0xb5: {  	[sflag:s29] =	ssyncadd.s32 $0xFFFFFFFF  }
0xb6: {  	_ =	strace $0x9000004B  }
0xb7: {  	_ =	sfence  }
0xb8: {  	s30 =	sld [smem:$0x0];
	_ =	sdelay $0x2  }
0xb9: {  	s31 =	sshll.u32 s1, $0xD;
	s1 =	sshrl.u32 s1, $0x2  }
0xba: {  	s3 =	sand.u32 $0x4000, s31;
	s1 =	sadd.s32 s1, s30  }
0xbb: {  	s0 =	sor.u32 s3, s0;
	s1 =	sshll.u32 s1, $0x11  }
0xbc: {  	s0 =	sor.u32 s1, s0  }
0xbd: {  	s0 =	sadd.s32 $0x8F2B, s0  }
0xbe: {  	[sflag:s0] =	ssyncadd.remote.s32 $0x1  }
0xbf: {  	_ =	sfence.sel $0xFFFF  }
0xc0: {  	[dreg:$0x0] =	wrdreg $0xFFFFFFFF;
	(pc) =	sbr.abs _section_cstart, $3  }
0xc1: {  	[dreg:$0x1] =	wrdreg $0xFFFFFFFF  }
0xc2: {  	_ =	task.clear_ibuf [dreg:s7], $0x2FFFF;
	_ =	strace $0x9FFFFFFF  }
0xc3: {  	(tm) =	ssettm $0x7FFFFFFF  }
tec
execute0_lowered:
.L_overlay_start_1:
0x0: {  	(tag) =	ssettag $0x1  }
0x1: {  	s10 =	rddreg [dreg:$0x0]  }
0x2: {  	s7 =	rddreg [dreg:$0x1]  }
0x3: {  	s2 =	rddreg [dreg:$0x2]  }
0x4: {  	s0 =	stileid.u32;
	s4 =	srdreg.scid  }
0x5: {  	s3 =	simm.s32 $0x0;
	s16 =	simm.s32 $0x1000;
	s17 =	simm.s32 $0x7D  }
0x6: {  	s18 =	simm.s32 $0x1800;
	s19 =	simm.s32 $0x1;
	s20 =	simm.s32 $0x5800  }
0x7: {  	s21 =	simm.s32 $0x2;
	s22 =	simm.s32 $0x3;
	s23 =	simm.s32 $0x4  }
0x8: {  	s5 =	smul.u32 $0x280, s0;
	s8 =	sand.u32 $0x1, s4;
	[smem:$0x7FF] =	sst s3  }
0x9: {  	s4 =	sadd.s32 $0x69400, s10;
	s31 =	sshll.u32 s0, $0x6;
	s6 =	smul.u32 $0x138800, s8  }
0xa: {  	_ =	strace $0x8000004A;
	s13 =	ssub.s32 $0x2, s8;
	s8 =	sshll.u32 s8, $0x4  }
0xb: {  	s9 =	smin.u32 s5, $0x2490;
	s5 =	sadd.s32 $0x2C00, s10;
	s14 =	sshrl.u32 s13, $0x1  }
0xc: {  	s29 =	sor.u32 s0, s8;
	s8 =	sor.u32 $0x1C05, s31;
	s11 =	sshll.u32 s9, $0x7  }
0xd: {  	s13 =	ssub.s32 s13, s14;
	s30 =	sshll.u32 s9, $0x4;
	s12 =	sadd.s32 s6, s11  }
0xe: {  	s9 =	smul.u32 $0x5, s29;
	s14 =	simm.s32 $0x5;
	s12 =	sshrl.u32 s12, $0x3  }
0xf: {  	s6 =	sadd.s32 $0xCC00, s10;
	s15 =	sadd.s32 s11, s2;
	s12 =	sadd.s32 s12, s10  }
0x10: {  	s7 =	sadd.s32 s7, s30;
	s10 =	sadd.s32 $0x5F400, s10;
	s11 =	sadd.s32 $0x1C8E00, s12  }
0x11: {  	s12 =	smax.u32 s13, $0x1;
	s13 =	sshrl.u32 s15, $0x3;
	s15 =	simm.s32 $0x800  }
.LBB2_1:
0x12: {  	[spmem:s13], [sflag:s8] =	dma.local [hbm:s7], $0x2800  }
0x13: {  	_ =	swait.ge [sflag:s14], $0x2800  }
0x14: {  	[sflag:s14] =	ssyncset.done $0x0  }
0x15: {  	[sflag:s14] =	ssyncadd.s32 $0xFFFFD800  }
0x16: {  	s24 =	simm.s32 $0x0;
	[bflag:$0x0] =	sbarrier.arrive $0xFFFF  }
.LBB2_2:
0x17: {  	s25 =	sadd.s32 s9, s24  }
0x18: {  	s26 =	sshll.u32 s25, $0x8  }
0x19: {  	s25 =	simm.s32 $0x0;
	s28 =	sadd.s32 s5, s26  }
0x1a: {  	[tilespmem:s25], [sflag:$0x5] =	stream.linear.gather [hbm4b:s28+s25], $0x800, $0x38;
	[tilespmem:$0x1D080] =	vst v63  }
0x1b: {  	_ =	swait.ge [sflag:s14], $0x800  }
0x1c: {  	[sflag:s14] =	ssyncset.done $0x0  }
0x1d: {  	s31 =	sadd.s32 s26, s10;
	[sflag:s14] =	ssyncadd.s32 $0xFFFFF800  }
0x1e: {  	[tilespmem:s15], [sflag:$0x5] =	stream.linear.gather [hbm4b:s31+s25], $0x800, $0x38;
	[tilespmem:$0x1D080] =	vst v63  }
0x1f: {  	_ =	swait.ge [sflag:s14], $0x800  }
0x20: {  	[sflag:s14] =	ssyncset.done $0x0  }
0x21: {  	s26 =	sadd.s32 s6, s26;
	[sflag:s14] =	ssyncadd.s32 $0xFFFFF800  }
0x22: {  	[tilespmem:s16], [sflag:$0x5] =	stream.linear.gather [hbm4b:s26+s25], $0x800, $0x38;
	[tilespmem:$0x1D080] =	vst v63  }
0x23: {  	_ =	swait.ge [sflag:s14], $0x800  }
0x24: {  	[sflag:s14] =	ssyncset.done $0x0  }
0x25: {  	s26 =	simm.s32 $0x0;
	[sflag:s14] =	ssyncadd.s32 $0xFFFFF800  }
0x26: {  	[tilespmem:s18], [sflag:$0x1] =	stream.indirect.gather [hbm4b:s4+s17], $0x80, s25, s17, $0xb8;
	[tilespmem:$0x1D080] =	vst v63  }
.LBB2_3:
0x27: {  	_ =	swait.ge [sflag:s19], $0x3E80;
	s28 =	sshll.u32 s26, $0x1  }
0x28: {  	p0 =	seq.s32 s26, $0x0;
	v1 =	vmov s25;
	[sflag:s19] =	ssyncset.done $0x0;
	s30 =	sshll.u32 s28, $0x7  }
0x29: {  	s29 =	simm.s32 @!p0 $0x4;
	v1 =	vand.u32 $0x7F, v1;
	[sflag:s19] =	ssyncadd.s32 $0xFFFFC180;
	v0 =	vmov s30  }
0x2a: {  	_ =	swait.ge @!p0 [sflag:s29], $0x3E80;
	v1 =	vadd.s32 v0, v1  }
0x2b: {  	s28 =	sor.u32 $0x1, s28;
	[sflag:s29] =	ssyncset.done @!p0 $0x0;
	v1 =	vbroadcast v1, $0x0  }
0x2c: {  	s28 =	sshll.u32 s28, $0x7;
	[sflag:s29] =	ssyncadd.s32 @!p0 $0xFFFFC180;
	s29 =	simm.s32 $0x1840  }
0x2d: {  	[tilespmem:s20], [sflag:$0x2] =	stream.indirect.gather [hbm4b:s4+s17], $0x80, s28, s17, $0xb8;
	[tilespmem:$0x1D080] =	vst v63  }
0x2e: {  	v5 =	vld [tilespmem:s29+$0x30]  }
0x2f: {  	v8 =	vld [tilespmem:s29+$0x10]  }
0x30: {  	v6 =	vld [tilespmem:s29+$0xFFFFFFC0]  }
0x31: {  	v2 =	vld.idx.msk [tilespmem:v1+s16+$0x0], $0xffff  }
0x32: {  	v11 =	vld [tilespmem:s29+$0xFFFFFFE0]  }
0x33: {  	v3 =	vld [tilespmem:s29+$0x20]  }
0x34: {  	v4 =	vld [tilespmem:s29+$0xFFFFFFD0]  }
0x35: {  	v1 =	vld [tilespmem:s29+$0xFFFFFFF0]  }
0x36: {  	v9 =	vmul.f32 v5, v2;
	v5 =	vld [tilespmem:s29+$0x0]  }
0x37: {  	s30 =	simm.s32 $0x1;
	v7 =	vmul.f32 v6, v2  }
0x38: {  	s31 =	simm.s32 $0x2;
	v10 =	vmov s30;
	s30 =	simm.s32 $0x1840;
	v6 =	vmul.f32 v11, v2;
	v8 =	vmul.f32 v8, v2  }
.LBB2_4:
0x39: {  	p0 =	sne.s32 s31, $0x7C  }
0x3a: {  	v10 =	vand.u32 $0x7F, v10;
	v4 =	vmul.f32 v4, v2;
	v3 =	vmul.f32 v3, v2;
	[tilespmem:s29+$0x30] =	vst v9;
	s30 =	sadd.s32 $0x80, s30;
	s1 =	smov.u32 s31;
	s31 =	sadd.s32 $0x1, s31  }
0x3b: {  	v9 =	vadd.s32 v0, v10;
	[tilespmem:s29+$0xFFFFFFC0] =	vst v7;
	v7 =	vmul.f32 v1, v2;
	v2 =	vmul.f32 v5, v2  }
0x3c: {  	v5 =	vbroadcast v9, $0x0;
	[tilespmem:s29+$0x10] =	vst v8  }
0x3d: {  	[tilespmem:s29+$0xFFFFFFE0] =	vst v6  }
0x3e: {  	v1 =	vld [tilespmem:s30+$0xFFFFFFF0];
	[tilespmem:s29+$0xFFFFFFF0] =	vst v7  }
0x3f: {  	v6 =	vld [tilespmem:s30+$0x30];
	[tilespmem:s29+$0x0] =	vst v2  }
0x40: {  	v8 =	vld [tilespmem:s30+$0x10];
	[tilespmem:s29+$0x20] =	vst v3  }
0x41: {  	v7 =	vld [tilespmem:s30+$0xFFFFFFC0];
	[tilespmem:s29+$0xFFFFFFD0] =	vst v4;
	s29 =	smov.u32 s30  }
0x42: {  	v2 =	vld.idx.msk [tilespmem:v5+s16+$0x0], $0xffff  }
0x43: {  	v11 =	vld [tilespmem:s30+$0xFFFFFFE0]  }
0x44: {  	v3 =	vld [tilespmem:s30+$0x20]  }
.Ltmp0:
0x45: {  	v4 =	vld [tilespmem:s30+$0xFFFFFFD0];
	(pc) =	sbr.rel @p0 .LBB2_4-.Ltmp0, $3  }
0x46: {  	v5 =	vld [tilespmem:s30+$0x0];
	_ =	sdelay $0x1  }
0x47: {  	v7 =	vmul.f32 v7, v2;
	v9 =	vmul.f32 v6, v2  }
0x48: {  	v10 =	vmov s1;
	v8 =	vmul.f32 v8, v2;
	v6 =	vmul.f32 v11, v2  }
0x49: {  	[tilespmem:s29+$0xFFFFFFC0] =	vst v7;
	v7 =	vand.u32 $0x7F, v10  }
0x4a: {  	[tilespmem:s29+$0x30] =	vst v9;
	v0 =	vadd.s32 v0, v7  }
0x4b: {  	v1 =	vmul.f32 v1, v2;
	[tilespmem:s29+$0x10] =	vst v8;
	v0 =	vbroadcast v0, $0x0  }
0x4c: {  	s1 =	sadd.s32 $0x80, s30;
	[tilespmem:s29+$0xFFFFFFE0] =	vst v6;
	v5 =	vmul.f32 v5, v2  }
0x4d: {  	v3 =	vmul.f32 v3, v2;
	v6 =	vld [tilespmem:s1+$0xFFFFFFF0];
	[tilespmem:s29+$0xFFFFFFF0] =	vst v1  }
0x4e: {  	v2 =	vmul.f32 v4, v2;
	v1 =	vld [tilespmem:s1+$0x30];
	[tilespmem:s29+$0x0] =	vst v5  }
0x4f: {  	v4 =	vld [tilespmem:s1+$0x10];
	[tilespmem:s29+$0x20] =	vst v3  }
0x50: {  	v3 =	vld [tilespmem:s1+$0xFFFFFFC0];
	[tilespmem:s29+$0xFFFFFFD0] =	vst v2  }
0x51: {  	v0 =	vld.idx.msk [tilespmem:v0+s16+$0x0], $0xffff;
	_ =	sdelay $0x2  }
0x52: {  	v2 =	vld [tilespmem:s1+$0xFFFFFFE0];
	_ =	sdelay $0x1  }
0x53: {  	v5 =	vld [tilespmem:s1+$0x0];
	v1 =	vmul.f32 v1, v0  }
0x54: {  	v7 =	vld [tilespmem:s1+$0x20];
	v3 =	vmul.f32 v3, v0  }
0x55: {  	v8 =	vld [tilespmem:s1+$0xFFFFFFD0];
	v4 =	vmul.f32 v4, v0;
	[tilespmem:s1+$0x30] =	vst v1  }
0x56: {  	v1 =	vmul.f32 v2, v0;
	[tilespmem:s1+$0xFFFFFFC0] =	vst v3  }
0x57: {  	v2 =	vmul.f32 v6, v0;
	[tilespmem:s1+$0x10] =	vst v4  }
0x58: {  	v3 =	vmul.f32 v5, v0;
	[tilespmem:s1+$0xFFFFFFE0] =	vst v1  }
0x59: {  	v1 =	vmul.f32 v7, v0;
	[tilespmem:s1+$0xFFFFFFF0] =	vst v2  }
0x5a: {  	s29 =	sshll.u32 s26, $0xA;
	v0 =	vmul.f32 v8, v0;
	[tilespmem:s1+$0x0] =	vst v3  }
0x5b: {  	s30 =	sshrl.u32 s29, $0x2;
	[tilespmem:s1+$0x20] =	vst v1  }
0x5c: {  	[tilespmem:s1+$0xFFFFFFD0] =	vst v0;
	s1 =	sadd.s32 $0x800, s30  }
0x5d: {  	[spmem:s2] =	stream.indirect.scatter.add.f32 [tilespmem:s18], [sflag:$0x3], $0x80, s1, s17, $0xb8;
	[tilespmem:$0x1D080] =	vst v63  }
0x5e: {  	_ =	swait.ge [sflag:s21], $0x3E80  }
0x5f: {  	s1 =	simm.s32 $0x0;
	[sflag:s21] =	ssyncset.done $0x0  }
0x60: {  	v1 =	vmov s1;
	[sflag:s21] =	ssyncadd.s32 $0xFFFFC180  }
0x61: {  	p0 =	seq.s32 s26, $0x7;
	v0 =	vmov s28;
	v1 =	vand.u32 $0x7F, v1;
	_ =	swait.ge [sflag:s22], $0x3E80  }
0x62: {  	s30 =	simm.s32 @!p0 $0x1800;
	s1 =	sshrl.u32 @!p0 s29, $0x2;
	v1 =	vadd.s32 v0, v1;
	[sflag:s22] =	ssyncset.done $0x0  }
0x63: {  	s29 =	simm.s32 @!p0 $0x7D;
	s1 =	sadd.s32 @!p0 $0x100, s1;
	v1 =	vbroadcast v1, $0x0;
	[sflag:s22] =	ssyncadd.s32 $0xFFFFC180  }
0x64: {  	[tilespmem:s30], [sflag:$0x1] =	stream.indirect.gather @!p0 [hbm4b:s4+s29], $0x80, s1, s29, $0xb8;
	[tilespmem:$0x1D080] =	vst v63  }
0x65: {  	s29 =	simm.s32 $0x5840  }
0x66: {  	v5 =	vld [tilespmem:s29+$0x30]  }
0x67: {  	v8 =	vld [tilespmem:s29+$0x10]  }
0x68: {  	v6 =	vld [tilespmem:s29+$0xFFFFFFC0]  }
0x69: {  	v2 =	vld.idx.msk [tilespmem:v1+s16+$0x0], $0xffff  }
0x6a: {  	v11 =	vld [tilespmem:s29+$0xFFFFFFE0]  }
0x6b: {  	v3 =	vld [tilespmem:s29+$0x20]  }
0x6c: {  	v4 =	vld [tilespmem:s29+$0xFFFFFFD0]  }
0x6d: {  	v1 =	vld [tilespmem:s29+$0xFFFFFFF0]  }
0x6e: {  	v9 =	vmul.f32 v5, v2;
	v5 =	vld [tilespmem:s29+$0x0]  }
0x6f: {  	s1 =	simm.s32 $0x1;
	v7 =	vmul.f32 v6, v2  }
0x70: {  	s31 =	simm.s32 $0x2;
	s30 =	simm.s32 $0x5840;
	v10 =	vmov s1;
	v6 =	vmul.f32 v11, v2;
	v8 =	vmul.f32 v8, v2  }
.LBB2_6:
0x71: {  	p0 =	sne.s32 s31, $0x7C  }
0x72: {  	v10 =	vand.u32 $0x7F, v10;
	v4 =	vmul.f32 v4, v2;
	v3 =	vmul.f32 v3, v2;
	[tilespmem:s29+$0x30] =	vst v9;
	s30 =	sadd.s32 $0x80, s30;
	s1 =	smov.u32 s31;
	s31 =	sadd.s32 $0x1, s31  }
0x73: {  	v9 =	vadd.s32 v0, v10;
	[tilespmem:s29+$0xFFFFFFC0] =	vst v7;
	v7 =	vmul.f32 v1, v2;
	v2 =	vmul.f32 v5, v2  }
0x74: {  	v5 =	vbroadcast v9, $0x0;
	[tilespmem:s29+$0x10] =	vst v8  }
0x75: {  	[tilespmem:s29+$0xFFFFFFE0] =	vst v6  }
0x76: {  	v1 =	vld [tilespmem:s30+$0xFFFFFFF0];
	[tilespmem:s29+$0xFFFFFFF0] =	vst v7  }
0x77: {  	v6 =	vld [tilespmem:s30+$0x30];
	[tilespmem:s29+$0x0] =	vst v2  }
0x78: {  	v8 =	vld [tilespmem:s30+$0x10];
	[tilespmem:s29+$0x20] =	vst v3  }
0x79: {  	v7 =	vld [tilespmem:s30+$0xFFFFFFC0];
	[tilespmem:s29+$0xFFFFFFD0] =	vst v4;
	s29 =	smov.u32 s30  }
0x7a: {  	v2 =	vld.idx.msk [tilespmem:v5+s16+$0x0], $0xffff  }
0x7b: {  	v11 =	vld [tilespmem:s30+$0xFFFFFFE0]  }
0x7c: {  	v3 =	vld [tilespmem:s30+$0x20]  }
.Ltmp1:
0x7d: {  	v4 =	vld [tilespmem:s30+$0xFFFFFFD0];
	(pc) =	sbr.rel @p0 .LBB2_6-.Ltmp1, $3  }
0x7e: {  	v5 =	vld [tilespmem:s30+$0x0];
	_ =	sdelay $0x1  }
0x7f: {  	v7 =	vmul.f32 v7, v2;
	v9 =	vmul.f32 v6, v2  }
0x80: {  	v10 =	vmov s1;
	v8 =	vmul.f32 v8, v2;
	v6 =	vmul.f32 v11, v2  }
0x81: {  	[tilespmem:s29+$0x30] =	vst v9;
	v53 =	vand.u32 $0x7F, v10  }
0x82: {  	[tilespmem:s29+$0xFFFFFFC0] =	vst v7;
	v0 =	vadd.s32 v0, v53  }
0x83: {  	v1 =	vmul.f32 v1, v2;
	[tilespmem:s29+$0x10] =	vst v8;
	v0 =	vbroadcast v0, $0x0  }
0x84: {  	s1 =	sadd.s32 $0x80, s30;
	[tilespmem:s29+$0xFFFFFFE0] =	vst v6;
	v5 =	vmul.f32 v5, v2  }
0x85: {  	v55 =	vmul.f32 v4, v2;
	v6 =	vld [tilespmem:s1+$0xFFFFFFF0];
	[tilespmem:s29+$0xFFFFFFF0] =	vst v1  }
0x86: {  	v3 =	vmul.f32 v3, v2;
	v54 =	vld [tilespmem:s1+$0x30];
	[tilespmem:s29+$0x0] =	vst v5  }
0x87: {  	v57 =	vld [tilespmem:s1+$0xFFFFFFC0];
	[tilespmem:s29+$0xFFFFFFD0] =	vst v55  }
0x88: {  	v56 =	vld [tilespmem:s1+$0x10];
	[tilespmem:s29+$0x20] =	vst v3  }
0x89: {  	v0 =	vld.idx.msk [tilespmem:v0+s16+$0x0], $0xffff;
	_ =	sdelay $0x2  }
0x8a: {  	v2 =	vld [tilespmem:s1+$0xFFFFFFE0];
	_ =	sdelay $0x1  }
0x8b: {  	v5 =	vld [tilespmem:s1+$0x0];
	v1 =	vmul.f32 v54, v0  }
0x8c: {  	v58 =	vld [tilespmem:s1+$0x20];
	v3 =	vmul.f32 v57, v0  }
0x8d: {  	v59 =	vld [tilespmem:s1+$0xFFFFFFD0];
	v4 =	vmul.f32 v56, v0;
	[tilespmem:s1+$0x30] =	vst v1  }
0x8e: {  	v60 =	vmul.f32 v2, v0;
	[tilespmem:s1+$0xFFFFFFC0] =	vst v3  }
0x8f: {  	s26 =	sadd.s32 $0x1, s26;
	v61 =	vmul.f32 v6, v0;
	[tilespmem:s1+$0x10] =	vst v4  }
0x90: {  	p0 =	sne.s32 s26, $0x8;
	v62 =	vmul.f32 v5, v0;
	[tilespmem:s1+$0xFFFFFFE0] =	vst v60  }
.Ltmp2:
0x91: {  	v63 =	vmul.f32 v58, v0;
	[tilespmem:s1+$0xFFFFFFF0] =	vst v61;
	(pc) =	sbr.rel @p0 .LBB2_3-.Ltmp2, $4  }
0x92: {  	v0 =	vmul.f32 v59, v0;
	[tilespmem:s1+$0x0] =	vst v62  }
0x93: {  	[tilespmem:s1+$0x20] =	vst v63  }
0x94: {  	s31 =	sadd.s32 $0x800, s28;
	[tilespmem:s1+$0xFFFFFFD0] =	vst v0  }
0x95: {  	[spmem:s2] =	stream.indirect.scatter.add.f32 [tilespmem:s20], [sflag:$0x4], $0x80, s31, s17, $0xb8;
	[tilespmem:$0x1D080] =	vst v63  }
0x96: {  	s24 =	sadd.s32 $0x1, s24  }
0x97: {  	p0 =	sne.s32 s24, $0x5  }
.Ltmp3:
0x98: {  	_ = 	snop;
	(pc) =	sbr.rel @p0 .LBB2_2-.Ltmp3, $4  }
0x99: {  	_ = 	snop  }
0x9a: {  	_ =	swait.ge [sflag:s23], $0x3E80  }
0x9b: {  	[sflag:s23] =	ssyncset.done $0x0  }
0x9c: {  	[sflag:s23] =	ssyncadd.s32 $0xFFFFC180  }
0x9d: {  	s3 =	sadd.s32 $0x1, s3  }
0x9e: {  	p0 =	sne.s32 s3, s12  }
.Ltmp4:
0x9f: {  	[bflag:$0x0] =	sbarrier.arrive $0xFFFF;
	(pc) =	sbr.rel @p0 .LBB2_1-.Ltmp4, $4  }
0xa0: {  	[hbm:s11], [sflag:s8] =	dma.local [spmem:s13], $0x2800  }
0xa1: {  	_ =	swait.ge [sflag:s14], $0x2800  }
0xa2: {  	[sflag:s14] =	ssyncset.done $0x0  }
0xa3: {  	[sflag:s14] =	ssyncadd.s32 $0xFFFFD800  }
0xa4: {  	_ =	sfence.sel $0x180000  }
0xa5: {  	[bflag:$0x0] =	sbarrier.arrive $0xFFFF  }
0xa6: {  	_ =	strace $0x9000004A  }
0xa7: {  	[bflag:$0x2] =	sbarrier.arrive $0xFFFF  }
0xa8: {  	p0 =	sne.s32 s0, $0x0;
	s0 =	rddreg [dreg:$0x3]  }
0xa9: {  	s0 =	sadd.s32 @!p0 $0x100000, s0  }
0xaa: {  	[sflag:s0] =	ssyncadd.tile.s32 @!p0 $0x1;
	_ =	shalt  }
.Lfunc_end2:
_tile_overlayer_lowered:
.L_overlay_start_2:
0xab: {  	(tag) =	ssettag $0x2  }
0xac: {  	s0 =	rddreg [dreg:$0x0];
	s2 =	stileid.u32  }
0xad: {  	s1 =	rddreg [dreg:$0x1];
	p0 =	sne.s32 s2, $0x0  }
0xae: {  	s3 =	rddreg [dreg:$0x2];
	[bflag:$0x3] =	sbarrier.arrive $0xFFFF;
	s2 =	simm.s32 @!p0 $0x1C05  }
0xaf: {  	[timem:s3], [sflag:s2] =	dma.local @!p0 [hbm:s0], s1  }
0xb0: {  	s0 =	simm.s32 @!p0 $0x5  }
0xb1: {  	_ =	swait.ge @!p0 [sflag:s0], s1  }
0xb2: {  	s1 =	ssub.s32 @!p0 $0x0, s1;
	[sflag:s0] =	ssyncset.done @!p0 $0x0  }
0xb3: {  	[sflag:s0] =	ssyncadd.s32 @!p0 s1  }
0xb4: {  	[bflag:$0x3] =	sbarrier.arrive $0xFFFF  }
0xb5: {  	_ =	shalt  }

// kernel: kernel.14.cloned.1.call-start
scs
__scs_entry_jumppad:
0x0: {  	(pc) =	sbr.rel $0x88, $3  }
0x1: {  	(tag) =	ssettag $0x0;
	lr =	simm.s32 $0x1  }
0x2: {  	[smem:$0x3F98] =	sst lr;
	_ =	strace $0xD0000000  }
0x3: {  	_ = 	snop  }
0x4: {  	_ = 	snop  }
0x5: {  	_ = 	snop  }
0x6: {  	_ = 	snop  }
0x7: {  	_ = 	snop  }
__scs_overlays_trampoline_lowered:
0x8: {  	[smem:$0x3FA7] =	sst s0  }
0x9: {  	[smem:$0x3FA8] =	sst s1  }
0xa: {  	[smem:$0x3FA9] =	sst s2  }
0xb: {  	[smem:$0x3FAA] =	sst s3  }
0xc: {  	[smem:$0x3FAB] =	sst s4  }
0xd: {  	[smem:$0x3FAC] =	sst s5  }
0xe: {  	[smem:$0x3FAD] =	sst s6  }
0xf: {  	[smem:$0x3FAE] =	sst s7  }
0x10: {  	[smem:$0x3FAF] =	sst s8  }
0x11: {  	[smem:$0x3FB0] =	sst s9;
	s0 =	simm.s32 @!p0 $0x0  }
0x12: {  	s1 =	sld [smem:$0x3F96];
	s0 =	simm.s32 @p0 $0x1  }
0x13: {  	[smem:$0x3FB1] =	sst s0;
	s0 =	simm.s32 @!p1 $0x0  }
0x14: {  	s2 =	sld [smem:$0x3F95];
	s0 =	simm.s32 @p1 $0x1  }
0x15: {  	[smem:$0x3FB2] =	sst s0;
	s0 =	simm.s32 @!p2 $0x0  }
0x16: {  	s3 =	sld [smem:$0x3FDB];
	s0 =	simm.s32 @p2 $0x1  }
0x17: {  	s4 =	simm.s32 $0x1BF5;
	[smem:$0x3FB4] =	sst s0  }
0x18: {  	s0 =	sld [smem:$0x3F97];
	_ =	swait.ge [sflag:s4], $0x0  }
0x19: {  	s7 =	sld [smem:$0x3F98]  }
0x1a: {  	s8 =	sadd.s32 $0xFFFFE003, lr  }
0x1b: {  	s9 =	sadd.s32 $0xFFFFFEF7, lr;
	s5 =	simm.s32 $0xFFFFFFFF;
	p2 =	slt.u32 s8, $0xFFFFF086  }
0x1c: {  	p1 =	slt.u32 s9, $0xF7A;
	s5 =	simm.s32 @!p2 $0x0  }
0x1d: {  	s5 =	simm.s32 @p1 $0x1;
	p0 =	seq.s32 s7, s2  }
0x1e: {  	s7 =	smul.u32 @!p0 $0xF7A, s2;
	p2 =	seq.s32 @!p0 s5, $0x0  }
0x1f: {  	s9 =	smul.u32 $0xF7A, s1;
	s8 =	simm.s32 @!p0 $0x1BF5;
	p2 =	por !p2, p0  }
0x20: {  	[sflag:s8] =	ssyncset.s32 @!p0 $0xFFFFF086;
	s6 =	sadd.s32 @!p0 s3, s7;
	s7 =	simm.s32 @!p0 $0x108  }
0x21: {  	s3 =	sadd.s32 s3, s9;
	s6 =	sadd.s32 @!p0 $0x88, s6;
	s7 =	simm.s32 @p2 $0x1082  }
0x22: {  	[simem:s7], [sflag:s8] =	dma.local @!p0 [hbm:s6], $0xF7A  }
0x23: {  	s9 =	sor.u32 $0xD0000000, s2;
	s6 =	simm.s32 $0x108;
	_ =	swait.ge @!p0 [sflag:s8], $0x0  }
0x24: {  	s3 =	sadd.s32 $0x88, s3;
	s6 =	simm.s32 @!p1 $0x1082;
	[sflag:s4] =	ssyncset.s32 $0xFFFFF086  }
0x25: {  	[simem:s6], [sflag:s4] =	dma.local [hbm:s3], $0xF7A  }
0x26: {  	[smem:$0x3F98] =	sst s1;
	(tag) =	ssettag s2;
	_ =	strace s9  }
0x27: {  	s1 =	sld [smem:$0x3FA8]  }
0x28: {  	s2 =	sld [smem:$0x3FA9]  }
0x29: {  	s4 =	sld [smem:$0x3FAB]  }
0x2a: {  	p0 =	seq.s32 s5, $0x0;
	s5 =	sld [smem:$0x3FAC]  }
0x2b: {  	s6 =	sld [smem:$0x3FAD]  }
0x2c: {  	s7 =	sld [smem:$0x3FAE]  }
0x2d: {  	s3 =	simm.s32 $0x108;
	s8 =	sld [smem:$0x3FAF]  }
0x2e: {  	s3 =	simm.s32 @!p0 $0x1082;
	s9 =	sld [smem:$0x3FB0]  }
0x2f: {  	lr =	sadd.s32 s0, s3;
	s0 =	sld [smem:$0x3FA7]  }
0x30: {  	s3 =	sld [smem:$0x3FAA]  }
0x31: {  	[smem:$0x3FB3] =	sst s10  }
0x32: {  	s10 =	sld [smem:$0x3FB1];
	_ =	sdelay $0x3  }
0x33: {  	p0 =	seq.s32 s10, $0x1;
	s10 =	sld [smem:$0x3FB3];
	_ =	sdelay $0x3  }
0x34: {  	[smem:$0x3FB3] =	sst s10  }
0x35: {  	s10 =	sld [smem:$0x3FB2];
	_ =	sdelay $0x3  }
0x36: {  	p1 =	seq.s32 s10, $0x1;
	s10 =	sld [smem:$0x3FB3];
	_ =	sdelay $0x3  }
0x37: {  	[smem:$0x3FB3] =	sst s10  }
0x38: {  	s10 =	sld [smem:$0x3FB4]  }
0x39: {  	_ = 	snop;
	(pc) =	sbr.ind lr, $3  }
0x3a: {  	_ = 	snop  }
0x3b: {  	_ = 	snop  }
0x3c: {  	p2 =	seq.s32 s10, $0x1;
	s10 =	sld [smem:$0x3FB3]  }
0x3d: {  	_ =	shalt  }
0x3e: {  	_ =	shalt  }
0x3f: {  	_ =	shalt  }
0x40: {  	_ =	shalt  }
0x41: {  	_ =	shalt  }
0x42: {  	_ =	shalt  }
0x43: {  	_ =	shalt  }
0x44: {  	_ =	shalt  }
0x45: {  	_ =	shalt  }
0x46: {  	_ =	shalt  }
0x47: {  	_ =	shalt  }
0x48: {  	_ =	shalt  }
0x49: {  	_ =	shalt  }
0x4a: {  	_ =	shalt  }
0x4b: {  	_ =	shalt  }
0x4c: {  	_ =	shalt  }
0x4d: {  	_ =	shalt  }
0x4e: {  	_ =	shalt  }
0x4f: {  	_ =	shalt  }
0x50: {  	_ =	shalt  }
0x51: {  	_ =	shalt  }
0x52: {  	_ =	shalt  }
0x53: {  	_ =	shalt  }
0x54: {  	_ =	shalt  }
0x55: {  	_ =	shalt  }
0x56: {  	_ =	shalt  }
0x57: {  	_ =	shalt  }
0x58: {  	_ =	shalt  }
0x59: {  	_ =	shalt  }
0x5a: {  	_ =	shalt  }
0x5b: {  	_ =	shalt  }
0x5c: {  	_ =	shalt  }
0x5d: {  	_ =	shalt  }
0x5e: {  	_ =	shalt  }
0x5f: {  	_ =	shalt  }
0x60: {  	_ =	shalt  }
0x61: {  	_ =	shalt  }
0x62: {  	_ =	shalt  }
0x63: {  	_ =	shalt  }
0x64: {  	_ =	shalt  }
0x65: {  	_ =	shalt  }
0x66: {  	_ =	shalt  }
0x67: {  	_ =	shalt  }
0x68: {  	_ =	shalt  }
0x69: {  	_ =	shalt  }
0x6a: {  	_ =	shalt  }
0x6b: {  	_ =	shalt  }
0x6c: {  	_ =	shalt  }
0x6d: {  	_ =	shalt  }
0x6e: {  	_ =	shalt  }
0x6f: {  	_ =	shalt  }
0x70: {  	_ =	shalt  }
0x71: {  	_ =	shalt  }
0x72: {  	_ =	shalt  }
0x73: {  	_ =	shalt  }
0x74: {  	_ =	shalt  }
0x75: {  	_ =	shalt  }
0x76: {  	_ =	shalt  }
0x77: {  	_ =	shalt  }
0x78: {  	_ =	shalt  }
0x79: {  	_ =	shalt  }
0x7a: {  	_ =	shalt  }
0x7b: {  	_ =	shalt  }
0x7c: {  	_ =	shalt  }
0x7d: {  	_ =	shalt  }
0x7e: {  	_ =	shalt  }
0x7f: {  	_ =	shalt  }
0x80: {  	_ =	shalt  }
0x81: {  	_ =	shalt  }
0x82: {  	_ =	shalt  }
0x83: {  	_ =	shalt  }
0x84: {  	_ =	shalt  }
0x85: {  	_ =	shalt  }
0x86: {  	_ =	shalt  }
0x87: {  	_ =	shalt  }
.Lfunc_end0:
.L_simem_size_0:
called_computation.2_lowered:
.L_overlay_start_0:
0x88: {  	s2 =	sld [smem:$0x3FD9]  }
0x89: {  	s3 =	sld [smem:$0x3FFE];
	_ =	sdelay $0x1  }
0x8a: {  	s1 =	srdreg.scid  }
0x8b: {  	s0 =	sand.u32 $0x1, s1  }
0x8c: {  	s17 =	sshll.u32 s0, $0xA;
	s2 =	sadd.s32 s3, s2  }
0x8d: {  	s2 =	sadd.s32 s2, s17  }
0x8e: {  	[smem:$0x3FBF] =	sst s2  }
0x8f: {  	_ = 	snop  }
0x90: {  	s2 =	sld [smem:$0x3FD0];
	(tm) =	ssettm $0x1  }
0x91: {  	s18 =	sld [smem:$0x3FFB];
	_ =	sdelay $0x3  }
0x92: {  	_ =	strace s18  }
0x93: {  	s3 =	sld [smem:$0x3FFC];
	_ =	sdelay $0x3  }
0x94: {  	_ =	strace s3  }
0x95: {  	s3 =	sld [smem:$0x3FFD];
	_ =	sdelay $0x3  }
0x96: {  	_ =	strace s3  }
0x97: {  	_ =	strace $0x8FFFFFFF  }
0x98: {  	s19 =	sld [smem:$0x3FDB];
	_ =	sdelay $0x1  }
0x99: {  	s4 =	simm.s32 $_scs_section_size  }
0x9a: {  	s5 =	simm.s32 $_size__tile_overlayer_lowered;
	s6 =	simm.s32 $_tile_overlayer_lowered  }
0x9b: {  	s22 =	simm.s32 $0x1BFF;
	s21 =	sshll.u32 s6, $0x1;
	s3 =	sadd.s32 s4, s19  }
0x9c: {  	s7 =	simm.s32 $0x0;
	s20 =	sshll.u32 s5, $0x1;
	s5 =	sadd.s32 s21, s3  }
0x9d: {  	[timem:s7], [sflag:s22] =	dma.local [hbm:s5], s20  }
0x9e: {  	_ =	swait.ge [sflag:s22], s20  }
0x9f: {  	s4 =	ssub.s32 $0x0, s20;
	[sflag:s22] =	ssyncset.done $0x0  }
0xa0: {  	[sflag:s22] =	ssyncadd.s32 s4;
	_ =	sdelay $0x1  }
0xa1: {  	s23 =	simm.s32 $0x1B8B  }
0xa2: {  	_ =	swait.ge [sflag:s23], $0x1  }
0xa3: {  	[sflag:s23] =	ssyncset.done $0x0  }
0xa4: {  	s25 =	simm.s32 $0x1B8E;
	s24 =	sld [smem:$0x3FFE];
	[sflag:s23] =	ssyncadd.s32 $0xFFFFFFFF  }
0xa5: {  	s26 =	simm.s32 $execute0_lowered;
	[smem:$0x3FD2] =	sst s25  }
0xa6: {  	s5 =	sshll.u32 s26, $0x1;
	_ =	strace $0x8000004C;
	[dreg:$0x1] =	wrdreg $0xFFFFFFFF  }
0xa7: {  	s28 =	simm.s32 $_size_execute0_lowered;
	s3 =	sadd.s32 s3, s5;
	[dreg:$0x0] =	wrdreg $0x0  }
0xa8: {  	s5 =	sshll.u32 s28, $0x1;
	[dreg:$0x2] =	wrdreg s3  }
0xa9: {  	[dreg:$0x3] =	wrdreg s5  }
0xaa: {  	[dreg:$0x4] =	wrdreg $0xC0  }
0xab: {  	_ =	task [dreg:s7], $0x5FFFF  }
0xac: {  	[dreg:$0x1] =	wrdreg $0xFFFFFFFF  }
0xad: {  	[dreg:$0x0] =	wrdreg $0x60  }
0xae: {  	[dreg:$0x2] =	wrdreg s24  }
0xaf: {  	[dreg:$0x3] =	wrdreg s2  }
0xb0: {  	[dreg:$0x4] =	wrdreg $0x98000  }
0xb1: {  	[dreg:$0x5] =	wrdreg $0x9  }
0xb2: {  	_ =	task.clear_ibuf [dreg:s7], $0x6FFFF;
	_ =	strace $0x9000004C  }
0xb3: {  	s29 =	simm.s32 $0x9;
	_ =	strace $0x8000004E  }
0xb4: {  	_ =	swait.ge [sflag:s29], $0x1  }
0xb5: {  	[sflag:s29] =	ssyncadd.s32 $0xFFFFFFFF  }
0xb6: {  	_ =	strace $0x9000004E  }
0xb7: {  	_ =	sfence  }
0xb8: {  	s30 =	sld [smem:$0x0];
	_ =	sdelay $0x2  }
0xb9: {  	s31 =	sshll.u32 s1, $0xD;
	s1 =	sshrl.u32 s1, $0x2  }
0xba: {  	s3 =	sand.u32 $0x4000, s31;
	s1 =	sadd.s32 s1, s30  }
0xbb: {  	s0 =	sor.u32 s3, s0;
	s1 =	sshll.u32 s1, $0x11  }
0xbc: {  	s0 =	sor.u32 s1, s0  }
0xbd: {  	s0 =	sadd.s32 $0x8F2B, s0  }
0xbe: {  	[sflag:s0] =	ssyncadd.remote.s32 $0x1  }
0xbf: {  	_ =	sfence.sel $0xFFFF  }
0xc0: {  	[dreg:$0x0] =	wrdreg $0xFFFFFFFF;
	(pc) =	sbr.abs _section_cstart, $3  }
0xc1: {  	[dreg:$0x1] =	wrdreg $0xFFFFFFFF  }
0xc2: {  	_ =	task.clear_ibuf [dreg:s7], $0x2FFFF;
	_ =	strace $0x9FFFFFFF  }
0xc3: {  	(tm) =	ssettm $0x7FFFFFFF  }
tec
execute0_lowered:
.L_overlay_start_1:
0x0: {  	(tag) =	ssettag $0x1  }
0x1: {  	s10 =	rddreg [dreg:$0x0]  }
0x2: {  	s7 =	rddreg [dreg:$0x1]  }
0x3: {  	s2 =	rddreg [dreg:$0x2]  }
0x4: {  	s0 =	stileid.u32;
	s4 =	srdreg.scid  }
0x5: {  	s3 =	simm.s32 $0x0;
	s16 =	simm.s32 $0x1000;
	s17 =	simm.s32 $0x7D  }
0x6: {  	s18 =	simm.s32 $0x1800;
	s19 =	simm.s32 $0x1;
	s20 =	simm.s32 $0x5800  }
0x7: {  	s21 =	simm.s32 $0x2;
	s22 =	simm.s32 $0x3;
	s23 =	simm.s32 $0x4  }
0x8: {  	s5 =	smul.u32 $0x280, s0;
	s8 =	sand.u32 $0x1, s4;
	[smem:$0x7FF] =	sst s3  }
0x9: {  	s4 =	sadd.s32 $0x1C8E00, s10;
	s31 =	sshll.u32 s0, $0x6;
	s6 =	smul.u32 $0x138800, s8  }
0xa: {  	_ =	strace $0x8000004D;
	s13 =	ssub.s32 $0x2, s8;
	s8 =	sshll.u32 s8, $0x4  }
0xb: {  	s9 =	smin.u32 s5, $0x2490;
	s5 =	sadd.s32 $0x2C00, s10;
	s14 =	sshrl.u32 s13, $0x1  }
0xc: {  	s29 =	sor.u32 s0, s8;
	s8 =	sor.u32 $0x1C05, s31;
	s11 =	sshll.u32 s9, $0x7  }
0xd: {  	s13 =	ssub.s32 s13, s14;
	s30 =	sshll.u32 s9, $0x4;
	s12 =	sadd.s32 s6, s11  }
0xe: {  	s9 =	smul.u32 $0x5, s29;
	s14 =	simm.s32 $0x5;
	s12 =	sshrl.u32 s12, $0x3  }
0xf: {  	s6 =	sadd.s32 $0xCC00, s10;
	s15 =	sadd.s32 s11, s2;
	s12 =	sadd.s32 s12, s10  }
0x10: {  	s7 =	sadd.s32 s7, s30;
	s10 =	sadd.s32 $0x5F400, s10;
	s11 =	sadd.s32 $0x69400, s12  }
0x11: {  	s12 =	smax.u32 s13, $0x1;
	s13 =	sshrl.u32 s15, $0x3;
	s15 =	simm.s32 $0x800  }
.LBB2_1:
0x12: {  	[spmem:s13], [sflag:s8] =	dma.local [hbm:s7], $0x2800  }
0x13: {  	_ =	swait.ge [sflag:s14], $0x2800  }
0x14: {  	[sflag:s14] =	ssyncset.done $0x0  }
0x15: {  	[sflag:s14] =	ssyncadd.s32 $0xFFFFD800  }
0x16: {  	s24 =	simm.s32 $0x0;
	[bflag:$0x0] =	sbarrier.arrive $0xFFFF  }
.LBB2_2:
0x17: {  	s25 =	sadd.s32 s9, s24  }
0x18: {  	s26 =	sshll.u32 s25, $0x8  }
0x19: {  	s25 =	simm.s32 $0x0;
	s28 =	sadd.s32 s5, s26  }
0x1a: {  	[tilespmem:s25], [sflag:$0x5] =	stream.linear.gather [hbm4b:s28+s25], $0x800, $0x38;
	[tilespmem:$0x1D080] =	vst v63  }
0x1b: {  	_ =	swait.ge [sflag:s14], $0x800  }
0x1c: {  	[sflag:s14] =	ssyncset.done $0x0  }
0x1d: {  	s31 =	sadd.s32 s26, s10;
	[sflag:s14] =	ssyncadd.s32 $0xFFFFF800  }
0x1e: {  	[tilespmem:s15], [sflag:$0x5] =	stream.linear.gather [hbm4b:s31+s25], $0x800, $0x38;
	[tilespmem:$0x1D080] =	vst v63  }
0x1f: {  	_ =	swait.ge [sflag:s14], $0x800  }
0x20: {  	[sflag:s14] =	ssyncset.done $0x0  }
0x21: {  	s26 =	sadd.s32 s6, s26;
	[sflag:s14] =	ssyncadd.s32 $0xFFFFF800  }
0x22: {  	[tilespmem:s16], [sflag:$0x5] =	stream.linear.gather [hbm4b:s26+s25], $0x800, $0x38;
	[tilespmem:$0x1D080] =	vst v63  }
0x23: {  	_ =	swait.ge [sflag:s14], $0x800  }
0x24: {  	[sflag:s14] =	ssyncset.done $0x0  }
0x25: {  	s26 =	simm.s32 $0x0;
	[sflag:s14] =	ssyncadd.s32 $0xFFFFF800  }
0x26: {  	[tilespmem:s18], [sflag:$0x1] =	stream.indirect.gather [hbm4b:s4+s17], $0x80, s25, s17, $0xb8;
	[tilespmem:$0x1D080] =	vst v63  }
.LBB2_3:
0x27: {  	_ =	swait.ge [sflag:s19], $0x3E80;
	s28 =	sshll.u32 s26, $0x1  }
0x28: {  	p0 =	seq.s32 s26, $0x0;
	v1 =	vmov s25;
	[sflag:s19] =	ssyncset.done $0x0;
	s30 =	sshll.u32 s28, $0x7  }
0x29: {  	s29 =	simm.s32 @!p0 $0x4;
	v1 =	vand.u32 $0x7F, v1;
	[sflag:s19] =	ssyncadd.s32 $0xFFFFC180;
	v0 =	vmov s30  }
0x2a: {  	_ =	swait.ge @!p0 [sflag:s29], $0x3E80;
	v1 =	vadd.s32 v0, v1  }
0x2b: {  	s28 =	sor.u32 $0x1, s28;
	[sflag:s29] =	ssyncset.done @!p0 $0x0;
	v1 =	vbroadcast v1, $0x0  }
0x2c: {  	s28 =	sshll.u32 s28, $0x7;
	[sflag:s29] =	ssyncadd.s32 @!p0 $0xFFFFC180;
	s29 =	simm.s32 $0x1840  }
0x2d: {  	[tilespmem:s20], [sflag:$0x2] =	stream.indirect.gather [hbm4b:s4+s17], $0x80, s28, s17, $0xb8;
	[tilespmem:$0x1D080] =	vst v63  }
0x2e: {  	v5 =	vld [tilespmem:s29+$0x30]  }
0x2f: {  	v8 =	vld [tilespmem:s29+$0x10]  }
0x30: {  	v6 =	vld [tilespmem:s29+$0xFFFFFFC0]  }
0x31: {  	v2 =	vld.idx.msk [tilespmem:v1+s16+$0x0], $0xffff  }
0x32: {  	v11 =	vld [tilespmem:s29+$0xFFFFFFE0]  }
0x33: {  	v3 =	vld [tilespmem:s29+$0x20]  }
0x34: {  	v4 =	vld [tilespmem:s29+$0xFFFFFFD0]  }
0x35: {  	v1 =	vld [tilespmem:s29+$0xFFFFFFF0]  }
0x36: {  	v9 =	vmul.f32 v5, v2;
	v5 =	vld [tilespmem:s29+$0x0]  }
0x37: {  	s30 =	simm.s32 $0x1;
	v7 =	vmul.f32 v6, v2  }
0x38: {  	s31 =	simm.s32 $0x2;
	v10 =	vmov s30;
	s30 =	simm.s32 $0x1840;
	v6 =	vmul.f32 v11, v2;
	v8 =	vmul.f32 v8, v2  }
.LBB2_4:
0x39: {  	p0 =	sne.s32 s31, $0x7C  }
0x3a: {  	v10 =	vand.u32 $0x7F, v10;
	v4 =	vmul.f32 v4, v2;
	v3 =	vmul.f32 v3, v2;
	[tilespmem:s29+$0x30] =	vst v9;
	s30 =	sadd.s32 $0x80, s30;
	s1 =	smov.u32 s31;
	s31 =	sadd.s32 $0x1, s31  }
0x3b: {  	v9 =	vadd.s32 v0, v10;
	[tilespmem:s29+$0xFFFFFFC0] =	vst v7;
	v7 =	vmul.f32 v1, v2;
	v2 =	vmul.f32 v5, v2  }
0x3c: {  	v5 =	vbroadcast v9, $0x0;
	[tilespmem:s29+$0x10] =	vst v8  }
0x3d: {  	[tilespmem:s29+$0xFFFFFFE0] =	vst v6  }
0x3e: {  	v1 =	vld [tilespmem:s30+$0xFFFFFFF0];
	[tilespmem:s29+$0xFFFFFFF0] =	vst v7  }
0x3f: {  	v6 =	vld [tilespmem:s30+$0x30];
	[tilespmem:s29+$0x0] =	vst v2  }
0x40: {  	v8 =	vld [tilespmem:s30+$0x10];
	[tilespmem:s29+$0x20] =	vst v3  }
0x41: {  	v7 =	vld [tilespmem:s30+$0xFFFFFFC0];
	[tilespmem:s29+$0xFFFFFFD0] =	vst v4;
	s29 =	smov.u32 s30  }
0x42: {  	v2 =	vld.idx.msk [tilespmem:v5+s16+$0x0], $0xffff  }
0x43: {  	v11 =	vld [tilespmem:s30+$0xFFFFFFE0]  }
0x44: {  	v3 =	vld [tilespmem:s30+$0x20]  }
.Ltmp0:
0x45: {  	v4 =	vld [tilespmem:s30+$0xFFFFFFD0];
	(pc) =	sbr.rel @p0 .LBB2_4-.Ltmp0, $3  }
0x46: {  	v5 =	vld [tilespmem:s30+$0x0];
	_ =	sdelay $0x1  }
0x47: {  	v7 =	vmul.f32 v7, v2;
	v9 =	vmul.f32 v6, v2  }
0x48: {  	v10 =	vmov s1;
	v8 =	vmul.f32 v8, v2;
	v6 =	vmul.f32 v11, v2  }
0x49: {  	[tilespmem:s29+$0xFFFFFFC0] =	vst v7;
	v7 =	vand.u32 $0x7F, v10  }
0x4a: {  	[tilespmem:s29+$0x30] =	vst v9;
	v0 =	vadd.s32 v0, v7  }
0x4b: {  	v1 =	vmul.f32 v1, v2;
	[tilespmem:s29+$0x10] =	vst v8;
	v0 =	vbroadcast v0, $0x0  }
0x4c: {  	s1 =	sadd.s32 $0x80, s30;
	[tilespmem:s29+$0xFFFFFFE0] =	vst v6;
	v5 =	vmul.f32 v5, v2  }
0x4d: {  	v3 =	vmul.f32 v3, v2;
	v6 =	vld [tilespmem:s1+$0xFFFFFFF0];
	[tilespmem:s29+$0xFFFFFFF0] =	vst v1  }
0x4e: {  	v2 =	vmul.f32 v4, v2;
	v1 =	vld [tilespmem:s1+$0x30];
	[tilespmem:s29+$0x0] =	vst v5  }
0x4f: {  	v4 =	vld [tilespmem:s1+$0x10];
	[tilespmem:s29+$0x20] =	vst v3  }
0x50: {  	v3 =	vld [tilespmem:s1+$0xFFFFFFC0];
	[tilespmem:s29+$0xFFFFFFD0] =	vst v2  }
0x51: {  	v0 =	vld.idx.msk [tilespmem:v0+s16+$0x0], $0xffff;
	_ =	sdelay $0x2  }
0x52: {  	v2 =	vld [tilespmem:s1+$0xFFFFFFE0];
	_ =	sdelay $0x1  }
0x53: {  	v5 =	vld [tilespmem:s1+$0x0];
	v1 =	vmul.f32 v1, v0  }
0x54: {  	v7 =	vld [tilespmem:s1+$0x20];
	v3 =	vmul.f32 v3, v0  }
0x55: {  	v8 =	vld [tilespmem:s1+$0xFFFFFFD0];
	v4 =	vmul.f32 v4, v0;
	[tilespmem:s1+$0x30] =	vst v1  }
0x56: {  	v1 =	vmul.f32 v2, v0;
	[tilespmem:s1+$0xFFFFFFC0] =	vst v3  }
0x57: {  	v2 =	vmul.f32 v6, v0;
	[tilespmem:s1+$0x10] =	vst v4  }
0x58: {  	v3 =	vmul.f32 v5, v0;
	[tilespmem:s1+$0xFFFFFFE0] =	vst v1  }
0x59: {  	v1 =	vmul.f32 v7, v0;
	[tilespmem:s1+$0xFFFFFFF0] =	vst v2  }
0x5a: {  	s29 =	sshll.u32 s26, $0xA;
	v0 =	vmul.f32 v8, v0;
	[tilespmem:s1+$0x0] =	vst v3  }
0x5b: {  	s30 =	sshrl.u32 s29, $0x2;
	[tilespmem:s1+$0x20] =	vst v1  }
0x5c: {  	[tilespmem:s1+$0xFFFFFFD0] =	vst v0;
	s1 =	sadd.s32 $0x800, s30  }
0x5d: {  	[spmem:s2] =	stream.indirect.scatter.add.f32 [tilespmem:s18], [sflag:$0x3], $0x80, s1, s17, $0xb8;
	[tilespmem:$0x1D080] =	vst v63  }
0x5e: {  	_ =	swait.ge [sflag:s21], $0x3E80  }
0x5f: {  	s1 =	simm.s32 $0x0;
	[sflag:s21] =	ssyncset.done $0x0  }
0x60: {  	v1 =	vmov s1;
	[sflag:s21] =	ssyncadd.s32 $0xFFFFC180  }
0x61: {  	p0 =	seq.s32 s26, $0x7;
	v0 =	vmov s28;
	v1 =	vand.u32 $0x7F, v1;
	_ =	swait.ge [sflag:s22], $0x3E80  }
0x62: {  	s30 =	simm.s32 @!p0 $0x1800;
	s1 =	sshrl.u32 @!p0 s29, $0x2;
	v1 =	vadd.s32 v0, v1;
	[sflag:s22] =	ssyncset.done $0x0  }
0x63: {  	s29 =	simm.s32 @!p0 $0x7D;
	s1 =	sadd.s32 @!p0 $0x100, s1;
	v1 =	vbroadcast v1, $0x0;
	[sflag:s22] =	ssyncadd.s32 $0xFFFFC180  }
0x64: {  	[tilespmem:s30], [sflag:$0x1] =	stream.indirect.gather @!p0 [hbm4b:s4+s29], $0x80, s1, s29, $0xb8;
	[tilespmem:$0x1D080] =	vst v63  }
0x65: {  	s29 =	simm.s32 $0x5840  }
0x66: {  	v5 =	vld [tilespmem:s29+$0x30]  }
0x67: {  	v8 =	vld [tilespmem:s29+$0x10]  }
0x68: {  	v6 =	vld [tilespmem:s29+$0xFFFFFFC0]  }
0x69: {  	v2 =	vld.idx.msk [tilespmem:v1+s16+$0x0], $0xffff  }
0x6a: {  	v11 =	vld [tilespmem:s29+$0xFFFFFFE0]  }
0x6b: {  	v3 =	vld [tilespmem:s29+$0x20]  }
0x6c: {  	v4 =	vld [tilespmem:s29+$0xFFFFFFD0]  }
0x6d: {  	v1 =	vld [tilespmem:s29+$0xFFFFFFF0]  }
0x6e: {  	v9 =	vmul.f32 v5, v2;
	v5 =	vld [tilespmem:s29+$0x0]  }
0x6f: {  	s1 =	simm.s32 $0x1;
	v7 =	vmul.f32 v6, v2  }
0x70: {  	s31 =	simm.s32 $0x2;
	s30 =	simm.s32 $0x5840;
	v10 =	vmov s1;
	v6 =	vmul.f32 v11, v2;
	v8 =	vmul.f32 v8, v2  }
.LBB2_6:
0x71: {  	p0 =	sne.s32 s31, $0x7C  }
0x72: {  	v10 =	vand.u32 $0x7F, v10;
	v4 =	vmul.f32 v4, v2;
	v3 =	vmul.f32 v3, v2;
	[tilespmem:s29+$0x30] =	vst v9;
	s30 =	sadd.s32 $0x80, s30;
	s1 =	smov.u32 s31;
	s31 =	sadd.s32 $0x1, s31  }
0x73: {  	v9 =	vadd.s32 v0, v10;
	[tilespmem:s29+$0xFFFFFFC0] =	vst v7;
	v7 =	vmul.f32 v1, v2;
	v2 =	vmul.f32 v5, v2  }
0x74: {  	v5 =	vbroadcast v9, $0x0;
	[tilespmem:s29+$0x10] =	vst v8  }
0x75: {  	[tilespmem:s29+$0xFFFFFFE0] =	vst v6  }
0x76: {  	v1 =	vld [tilespmem:s30+$0xFFFFFFF0];
	[tilespmem:s29+$0xFFFFFFF0] =	vst v7  }
0x77: {  	v6 =	vld [tilespmem:s30+$0x30];
	[tilespmem:s29+$0x0] =	vst v2  }
0x78: {  	v8 =	vld [tilespmem:s30+$0x10];
	[tilespmem:s29+$0x20] =	vst v3  }
0x79: {  	v7 =	vld [tilespmem:s30+$0xFFFFFFC0];
	[tilespmem:s29+$0xFFFFFFD0] =	vst v4;
	s29 =	smov.u32 s30  }
0x7a: {  	v2 =	vld.idx.msk [tilespmem:v5+s16+$0x0], $0xffff  }
0x7b: {  	v11 =	vld [tilespmem:s30+$0xFFFFFFE0]  }
0x7c: {  	v3 =	vld [tilespmem:s30+$0x20]  }
.Ltmp1:
0x7d: {  	v4 =	vld [tilespmem:s30+$0xFFFFFFD0];
	(pc) =	sbr.rel @p0 .LBB2_6-.Ltmp1, $3  }
0x7e: {  	v5 =	vld [tilespmem:s30+$0x0];
	_ =	sdelay $0x1  }
0x7f: {  	v7 =	vmul.f32 v7, v2;
	v9 =	vmul.f32 v6, v2  }
0x80: {  	v10 =	vmov s1;
	v8 =	vmul.f32 v8, v2;
	v6 =	vmul.f32 v11, v2  }
0x81: {  	[tilespmem:s29+$0x30] =	vst v9;
	v53 =	vand.u32 $0x7F, v10  }
0x82: {  	[tilespmem:s29+$0xFFFFFFC0] =	vst v7;
	v0 =	vadd.s32 v0, v53  }
0x83: {  	v1 =	vmul.f32 v1, v2;
	[tilespmem:s29+$0x10] =	vst v8;
	v0 =	vbroadcast v0, $0x0  }
0x84: {  	s1 =	sadd.s32 $0x80, s30;
	[tilespmem:s29+$0xFFFFFFE0] =	vst v6;
	v5 =	vmul.f32 v5, v2  }
0x85: {  	v55 =	vmul.f32 v4, v2;
	v6 =	vld [tilespmem:s1+$0xFFFFFFF0];
	[tilespmem:s29+$0xFFFFFFF0] =	vst v1  }
0x86: {  	v3 =	vmul.f32 v3, v2;
	v54 =	vld [tilespmem:s1+$0x30];
	[tilespmem:s29+$0x0] =	vst v5  }
0x87: {  	v57 =	vld [tilespmem:s1+$0xFFFFFFC0];
	[tilespmem:s29+$0xFFFFFFD0] =	vst v55  }
0x88: {  	v56 =	vld [tilespmem:s1+$0x10];
	[tilespmem:s29+$0x20] =	vst v3  }
0x89: {  	v0 =	vld.idx.msk [tilespmem:v0+s16+$0x0], $0xffff;
	_ =	sdelay $0x2  }
0x8a: {  	v2 =	vld [tilespmem:s1+$0xFFFFFFE0];
	_ =	sdelay $0x1  }
0x8b: {  	v5 =	vld [tilespmem:s1+$0x0];
	v1 =	vmul.f32 v54, v0  }
0x8c: {  	v58 =	vld [tilespmem:s1+$0x20];
	v3 =	vmul.f32 v57, v0  }
0x8d: {  	v59 =	vld [tilespmem:s1+$0xFFFFFFD0];
	v4 =	vmul.f32 v56, v0;
	[tilespmem:s1+$0x30] =	vst v1  }
0x8e: {  	v60 =	vmul.f32 v2, v0;
	[tilespmem:s1+$0xFFFFFFC0] =	vst v3  }
0x8f: {  	s26 =	sadd.s32 $0x1, s26;
	v61 =	vmul.f32 v6, v0;
	[tilespmem:s1+$0x10] =	vst v4  }
0x90: {  	p0 =	sne.s32 s26, $0x8;
	v62 =	vmul.f32 v5, v0;
	[tilespmem:s1+$0xFFFFFFE0] =	vst v60  }
.Ltmp2:
0x91: {  	v63 =	vmul.f32 v58, v0;
	[tilespmem:s1+$0xFFFFFFF0] =	vst v61;
	(pc) =	sbr.rel @p0 .LBB2_3-.Ltmp2, $4  }
0x92: {  	v0 =	vmul.f32 v59, v0;
	[tilespmem:s1+$0x0] =	vst v62  }
0x93: {  	[tilespmem:s1+$0x20] =	vst v63  }
0x94: {  	s31 =	sadd.s32 $0x800, s28;
	[tilespmem:s1+$0xFFFFFFD0] =	vst v0  }
0x95: {  	[spmem:s2] =	stream.indirect.scatter.add.f32 [tilespmem:s20], [sflag:$0x4], $0x80, s31, s17, $0xb8;
	[tilespmem:$0x1D080] =	vst v63  }
0x96: {  	s24 =	sadd.s32 $0x1, s24  }
0x97: {  	p0 =	sne.s32 s24, $0x5  }
.Ltmp3:
0x98: {  	_ = 	snop;
	(pc) =	sbr.rel @p0 .LBB2_2-.Ltmp3, $4  }
0x99: {  	_ = 	snop  }
0x9a: {  	_ =	swait.ge [sflag:s23], $0x3E80  }
0x9b: {  	[sflag:s23] =	ssyncset.done $0x0  }
0x9c: {  	[sflag:s23] =	ssyncadd.s32 $0xFFFFC180  }
0x9d: {  	s3 =	sadd.s32 $0x1, s3  }
0x9e: {  	p0 =	sne.s32 s3, s12  }
.Ltmp4:
0x9f: {  	[bflag:$0x0] =	sbarrier.arrive $0xFFFF;
	(pc) =	sbr.rel @p0 .LBB2_1-.Ltmp4, $4  }
0xa0: {  	[hbm:s11], [sflag:s8] =	dma.local [spmem:s13], $0x2800  }
0xa1: {  	_ =	swait.ge [sflag:s14], $0x2800  }
0xa2: {  	[sflag:s14] =	ssyncset.done $0x0  }
0xa3: {  	[sflag:s14] =	ssyncadd.s32 $0xFFFFD800  }
0xa4: {  	_ =	sfence.sel $0x180000  }
0xa5: {  	[bflag:$0x0] =	sbarrier.arrive $0xFFFF  }
0xa6: {  	_ =	strace $0x9000004D  }
0xa7: {  	[bflag:$0x2] =	sbarrier.arrive $0xFFFF  }
0xa8: {  	p0 =	sne.s32 s0, $0x0;
	s0 =	rddreg [dreg:$0x3]  }
0xa9: {  	s0 =	sadd.s32 @!p0 $0x100000, s0  }
0xaa: {  	[sflag:s0] =	ssyncadd.tile.s32 @!p0 $0x1;
	_ =	shalt  }
.Lfunc_end2:
_tile_overlayer_lowered:
.L_overlay_start_2:
0xab: {  	(tag) =	ssettag $0x2  }
0xac: {  	s0 =	rddreg [dreg:$0x0];
	s2 =	stileid.u32  }
0xad: {  	s1 =	rddreg [dreg:$0x1];
	p0 =	sne.s32 s2, $0x0  }
0xae: {  	s3 =	rddreg [dreg:$0x2];
	[bflag:$0x3] =	sbarrier.arrive $0xFFFF;
	s2 =	simm.s32 @!p0 $0x1C05  }
0xaf: {  	[timem:s3], [sflag:s2] =	dma.local @!p0 [hbm:s0], s1  }
0xb0: {  	s0 =	simm.s32 @!p0 $0x5  }
0xb1: {  	_ =	swait.ge @!p0 [sflag:s0], s1  }
0xb2: {  	s1 =	ssub.s32 @!p0 $0x0, s1;
	[sflag:s0] =	ssyncset.done @!p0 $0x0  }
0xb3: {  	[sflag:s0] =	ssyncadd.s32 @!p0 s1  }
0xb4: {  	[bflag:$0x3] =	sbarrier.arrive $0xFFFF  }
0xb5: {  	_ =	shalt  }

// kernel: kernel.8.cloned.1.call-start
scs
__scs_entry_jumppad:
0x0: {  	(pc) =	sbr.rel $0x88, $3  }
0x1: {  	(tag) =	ssettag $0x0;
	lr =	simm.s32 $0x1  }
0x2: {  	[smem:$0x3F98] =	sst lr;
	_ =	strace $0xD0000000  }
0x3: {  	_ = 	snop  }
0x4: {  	_ = 	snop  }
0x5: {  	_ = 	snop  }
0x6: {  	_ = 	snop  }
0x7: {  	_ = 	snop  }
__scs_overlays_trampoline_lowered:
0x8: {  	[smem:$0x3FA7] =	sst s0  }
0x9: {  	[smem:$0x3FA8] =	sst s1  }
0xa: {  	[smem:$0x3FA9] =	sst s2  }
0xb: {  	[smem:$0x3FAA] =	sst s3  }
0xc: {  	[smem:$0x3FAB] =	sst s4  }
0xd: {  	[smem:$0x3FAC] =	sst s5  }
0xe: {  	[smem:$0x3FAD] =	sst s6  }
0xf: {  	[smem:$0x3FAE] =	sst s7  }
0x10: {  	[smem:$0x3FAF] =	sst s8  }
0x11: {  	[smem:$0x3FB0] =	sst s9;
	s0 =	simm.s32 @!p0 $0x0  }
0x12: {  	s1 =	sld [smem:$0x3F96];
	s0 =	simm.s32 @p0 $0x1  }
0x13: {  	[smem:$0x3FB1] =	sst s0;
	s0 =	simm.s32 @!p1 $0x0  }
0x14: {  	s2 =	sld [smem:$0x3F95];
	s0 =	simm.s32 @p1 $0x1  }
0x15: {  	[smem:$0x3FB2] =	sst s0;
	s0 =	simm.s32 @!p2 $0x0  }
0x16: {  	s3 =	sld [smem:$0x3FDB];
	s0 =	simm.s32 @p2 $0x1  }
0x17: {  	s4 =	simm.s32 $0x1BF5;
	[smem:$0x3FB4] =	sst s0  }
0x18: {  	s0 =	sld [smem:$0x3F97];
	_ =	swait.ge [sflag:s4], $0x0  }
0x19: {  	s7 =	sld [smem:$0x3F98]  }
0x1a: {  	s8 =	sadd.s32 $0xFFFFE003, lr  }
0x1b: {  	s9 =	sadd.s32 $0xFFFFFEF7, lr;
	s5 =	simm.s32 $0xFFFFFFFF;
	p2 =	slt.u32 s8, $0xFFFFF086  }
0x1c: {  	p1 =	slt.u32 s9, $0xF7A;
	s5 =	simm.s32 @!p2 $0x0  }
0x1d: {  	s5 =	simm.s32 @p1 $0x1;
	p0 =	seq.s32 s7, s2  }
0x1e: {  	s7 =	smul.u32 @!p0 $0xF7A, s2;
	p2 =	seq.s32 @!p0 s5, $0x0  }
0x1f: {  	s9 =	smul.u32 $0xF7A, s1;
	s8 =	simm.s32 @!p0 $0x1BF5;
	p2 =	por !p2, p0  }
0x20: {  	[sflag:s8] =	ssyncset.s32 @!p0 $0xFFFFF086;
	s6 =	sadd.s32 @!p0 s3, s7;
	s7 =	simm.s32 @!p0 $0x108  }
0x21: {  	s3 =	sadd.s32 s3, s9;
	s6 =	sadd.s32 @!p0 $0x88, s6;
	s7 =	simm.s32 @p2 $0x1082  }
0x22: {  	[simem:s7], [sflag:s8] =	dma.local @!p0 [hbm:s6], $0xF7A  }
0x23: {  	s9 =	sor.u32 $0xD0000000, s2;
	s6 =	simm.s32 $0x108;
	_ =	swait.ge @!p0 [sflag:s8], $0x0  }
0x24: {  	s3 =	sadd.s32 $0x88, s3;
	s6 =	simm.s32 @!p1 $0x1082;
	[sflag:s4] =	ssyncset.s32 $0xFFFFF086  }
0x25: {  	[simem:s6], [sflag:s4] =	dma.local [hbm:s3], $0xF7A  }
0x26: {  	[smem:$0x3F98] =	sst s1;
	(tag) =	ssettag s2;
	_ =	strace s9  }
0x27: {  	s1 =	sld [smem:$0x3FA8]  }
0x28: {  	s2 =	sld [smem:$0x3FA9]  }
0x29: {  	s4 =	sld [smem:$0x3FAB]  }
0x2a: {  	p0 =	seq.s32 s5, $0x0;
	s5 =	sld [smem:$0x3FAC]  }
0x2b: {  	s6 =	sld [smem:$0x3FAD]  }
0x2c: {  	s7 =	sld [smem:$0x3FAE]  }
0x2d: {  	s3 =	simm.s32 $0x108;
	s8 =	sld [smem:$0x3FAF]  }
0x2e: {  	s3 =	simm.s32 @!p0 $0x1082;
	s9 =	sld [smem:$0x3FB0]  }
0x2f: {  	lr =	sadd.s32 s0, s3;
	s0 =	sld [smem:$0x3FA7]  }
0x30: {  	s3 =	sld [smem:$0x3FAA]  }
0x31: {  	[smem:$0x3FB3] =	sst s10  }
0x32: {  	s10 =	sld [smem:$0x3FB1];
	_ =	sdelay $0x3  }
0x33: {  	p0 =	seq.s32 s10, $0x1;
	s10 =	sld [smem:$0x3FB3];
	_ =	sdelay $0x3  }
0x34: {  	[smem:$0x3FB3] =	sst s10  }
0x35: {  	s10 =	sld [smem:$0x3FB2];
	_ =	sdelay $0x3  }
0x36: {  	p1 =	seq.s32 s10, $0x1;
	s10 =	sld [smem:$0x3FB3];
	_ =	sdelay $0x3  }
0x37: {  	[smem:$0x3FB3] =	sst s10  }
0x38: {  	s10 =	sld [smem:$0x3FB4]  }
0x39: {  	_ = 	snop;
	(pc) =	sbr.ind lr, $3  }
0x3a: {  	_ = 	snop  }
0x3b: {  	_ = 	snop  }
0x3c: {  	p2 =	seq.s32 s10, $0x1;
	s10 =	sld [smem:$0x3FB3]  }
0x3d: {  	_ =	shalt  }
0x3e: {  	_ =	shalt  }
0x3f: {  	_ =	shalt  }
0x40: {  	_ =	shalt  }
0x41: {  	_ =	shalt  }
0x42: {  	_ =	shalt  }
0x43: {  	_ =	shalt  }
0x44: {  	_ =	shalt  }
0x45: {  	_ =	shalt  }
0x46: {  	_ =	shalt  }
0x47: {  	_ =	shalt  }
0x48: {  	_ =	shalt  }
0x49: {  	_ =	shalt  }
0x4a: {  	_ =	shalt  }
0x4b: {  	_ =	shalt  }
0x4c: {  	_ =	shalt  }
0x4d: {  	_ =	shalt  }
0x4e: {  	_ =	shalt  }
0x4f: {  	_ =	shalt  }
0x50: {  	_ =	shalt  }
0x51: {  	_ =	shalt  }
0x52: {  	_ =	shalt  }
0x53: {  	_ =	shalt  }
0x54: {  	_ =	shalt  }
0x55: {  	_ =	shalt  }
0x56: {  	_ =	shalt  }
0x57: {  	_ =	shalt  }
0x58: {  	_ =	shalt  }
0x59: {  	_ =	shalt  }
0x5a: {  	_ =	shalt  }
0x5b: {  	_ =	shalt  }
0x5c: {  	_ =	shalt  }
0x5d: {  	_ =	shalt  }
0x5e: {  	_ =	shalt  }
0x5f: {  	_ =	shalt  }
0x60: {  	_ =	shalt  }
0x61: {  	_ =	shalt  }
0x62: {  	_ =	shalt  }
0x63: {  	_ =	shalt  }
0x64: {  	_ =	shalt  }
0x65: {  	_ =	shalt  }
0x66: {  	_ =	shalt  }
0x67: {  	_ =	shalt  }
0x68: {  	_ =	shalt  }
0x69: {  	_ =	shalt  }
0x6a: {  	_ =	shalt  }
0x6b: {  	_ =	shalt  }
0x6c: {  	_ =	shalt  }
0x6d: {  	_ =	shalt  }
0x6e: {  	_ =	shalt  }
0x6f: {  	_ =	shalt  }
0x70: {  	_ =	shalt  }
0x71: {  	_ =	shalt  }
0x72: {  	_ =	shalt  }
0x73: {  	_ =	shalt  }
0x74: {  	_ =	shalt  }
0x75: {  	_ =	shalt  }
0x76: {  	_ =	shalt  }
0x77: {  	_ =	shalt  }
0x78: {  	_ =	shalt  }
0x79: {  	_ =	shalt  }
0x7a: {  	_ =	shalt  }
0x7b: {  	_ =	shalt  }
0x7c: {  	_ =	shalt  }
0x7d: {  	_ =	shalt  }
0x7e: {  	_ =	shalt  }
0x7f: {  	_ =	shalt  }
0x80: {  	_ =	shalt  }
0x81: {  	_ =	shalt  }
0x82: {  	_ =	shalt  }
0x83: {  	_ =	shalt  }
0x84: {  	_ =	shalt  }
0x85: {  	_ =	shalt  }
0x86: {  	_ =	shalt  }
0x87: {  	_ =	shalt  }
.Lfunc_end0:
.L_simem_size_0:
called_computation_lowered:
.L_overlay_start_0:
0x88: {  	s2 =	sld [smem:$0x3FD9]  }
0x89: {  	s3 =	sld [smem:$0x3FFE];
	_ =	sdelay $0x1  }
0x8a: {  	s1 =	srdreg.scid  }
0x8b: {  	s0 =	sand.u32 $0x1, s1  }
0x8c: {  	s17 =	sshll.u32 s0, $0xA;
	s2 =	sadd.s32 s3, s2  }
0x8d: {  	s2 =	sadd.s32 s2, s17  }
0x8e: {  	[smem:$0x3FBF] =	sst s2  }
0x8f: {  	_ = 	snop  }
0x90: {  	s2 =	sld [smem:$0x3FD0];
	(tm) =	ssettm $0x1  }
0x91: {  	s18 =	sld [smem:$0x3FFB];
	_ =	sdelay $0x3  }
0x92: {  	_ =	strace s18  }
0x93: {  	s3 =	sld [smem:$0x3FFC];
	_ =	sdelay $0x3  }
0x94: {  	_ =	strace s3  }
0x95: {  	s3 =	sld [smem:$0x3FFD];
	_ =	sdelay $0x3  }
0x96: {  	_ =	strace s3  }
0x97: {  	_ =	strace $0x8FFFFFFF  }
0x98: {  	s19 =	sld [smem:$0x3FDB];
	_ =	sdelay $0x1  }
0x99: {  	s4 =	simm.s32 $_scs_section_size  }
0x9a: {  	s5 =	simm.s32 $_size__tile_overlayer_lowered;
	s6 =	simm.s32 $_tile_overlayer_lowered  }
0x9b: {  	s22 =	simm.s32 $0x1BFF;
	s21 =	sshll.u32 s6, $0x1;
	s3 =	sadd.s32 s4, s19  }
0x9c: {  	s7 =	simm.s32 $0x0;
	s20 =	sshll.u32 s5, $0x1;
	s5 =	sadd.s32 s21, s3  }
0x9d: {  	[timem:s7], [sflag:s22] =	dma.local [hbm:s5], s20  }
0x9e: {  	_ =	swait.ge [sflag:s22], s20  }
0x9f: {  	s4 =	ssub.s32 $0x0, s20;
	[sflag:s22] =	ssyncset.done $0x0  }
0xa0: {  	[sflag:s22] =	ssyncadd.s32 s4;
	_ =	sdelay $0x1  }
0xa1: {  	s23 =	simm.s32 $0x1B8B  }
0xa2: {  	_ =	swait.ge [sflag:s23], $0x1  }
0xa3: {  	[sflag:s23] =	ssyncset.done $0x0  }
0xa4: {  	s25 =	simm.s32 $0x1B8E;
	s24 =	sld [smem:$0x3FFE];
	[sflag:s23] =	ssyncadd.s32 $0xFFFFFFFF  }
0xa5: {  	s26 =	simm.s32 $execute0_lowered;
	[smem:$0x3FD2] =	sst s25  }
0xa6: {  	s5 =	sshll.u32 s26, $0x1;
	_ =	strace $0x80000046;
	[dreg:$0x1] =	wrdreg $0xFFFFFFFF  }
0xa7: {  	s28 =	simm.s32 $_size_execute0_lowered;
	s3 =	sadd.s32 s3, s5;
	[dreg:$0x0] =	wrdreg $0x0  }
0xa8: {  	s5 =	sshll.u32 s28, $0x1;
	[dreg:$0x2] =	wrdreg s3  }
0xa9: {  	[dreg:$0x3] =	wrdreg s5  }
0xaa: {  	[dreg:$0x4] =	wrdreg $0xC0  }
0xab: {  	_ =	task [dreg:s7], $0x5FFFF  }
0xac: {  	[dreg:$0x1] =	wrdreg $0xFFFFFFFF  }
0xad: {  	[dreg:$0x0] =	wrdreg $0x60  }
0xae: {  	[dreg:$0x2] =	wrdreg s24  }
0xaf: {  	[dreg:$0x3] =	wrdreg s2  }
0xb0: {  	[dreg:$0x4] =	wrdreg $0x199000  }
0xb1: {  	[dreg:$0x5] =	wrdreg $0x9  }
0xb2: {  	_ =	task.clear_ibuf [dreg:s7], $0x6FFFF;
	_ =	strace $0x90000046  }
0xb3: {  	s29 =	simm.s32 $0x9;
	_ =	strace $0x80000048  }
0xb4: {  	_ =	swait.ge [sflag:s29], $0x1  }
0xb5: {  	[sflag:s29] =	ssyncadd.s32 $0xFFFFFFFF  }
0xb6: {  	_ =	strace $0x90000048  }
0xb7: {  	_ =	sfence  }
0xb8: {  	s30 =	sld [smem:$0x0];
	_ =	sdelay $0x2  }
0xb9: {  	s31 =	sshll.u32 s1, $0xD;
	s1 =	sshrl.u32 s1, $0x2  }
0xba: {  	s3 =	sand.u32 $0x4000, s31;
	s1 =	sadd.s32 s1, s30  }
0xbb: {  	s0 =	sor.u32 s3, s0;
	s1 =	sshll.u32 s1, $0x11  }
0xbc: {  	s0 =	sor.u32 s1, s0  }
0xbd: {  	s0 =	sadd.s32 $0x8F2B, s0  }
0xbe: {  	[sflag:s0] =	ssyncadd.remote.s32 $0x1  }
0xbf: {  	_ =	sfence.sel $0xFFFF  }
0xc0: {  	[dreg:$0x0] =	wrdreg $0xFFFFFFFF;
	(pc) =	sbr.abs _section_cstart, $3  }
0xc1: {  	[dreg:$0x1] =	wrdreg $0xFFFFFFFF  }
0xc2: {  	_ =	task.clear_ibuf [dreg:s7], $0x2FFFF;
	_ =	strace $0x9FFFFFFF  }
0xc3: {  	(tm) =	ssettm $0x7FFFFFFF  }
tec
execute0_lowered:
.L_overlay_start_1:
0x0: {  	(tag) =	ssettag $0x1  }
0x1: {  	s0 =	rddreg [dreg:$0x0]  }
0x2: {  	s2 =	rddreg [dreg:$0x1]  }
0x3: {  	s3 =	rddreg [dreg:$0x2]  }
0x4: {  	s11 =	stileid.u32;
	s4 =	simm.s32 $0x0;
	s22 =	srdreg.scid  }
0x5: {  	s15 =	simm.s32 $0x2;
	s16 =	simm.s32 $0x1000;
	s17 =	simm.s32 $0x2000  }
0x6: {  	s18 =	simm.s32 $0x50;
	s13 =	simm.s32 $0x4000;
	s20 =	simm.s32 $0x5000  }
0x7: {  	s14 =	simm.s32 $0x4800;
	s19 =	simm.s32 $0x4900;
	s21 =	simm.s32 $0x4980  }
0x8: {  	s28 =	simm.s32 $0x1;
	s29 =	simm.s32 $0x6080;
	s30 =	simm.s32 $0x5080  }
0x9: {  	s1 =	smul.u32 $0x1400, s11;
	[smem:$0x7FF] =	sst s4;
	s4 =	sand.u32 $0x1, s22  }
0xa: {  	s5 =	sadd.s32 $0x2C00, s0;
	s7 =	sadd.s32 $0x41400, s0;
	s24 =	sshll.u32 s11, $0x6  }
0xb: {  	s22 =	simm.s32 $0x4A00;
	_ =	strace $0x80000047;
	s8 =	ssub.s32 $0x2, s4  }
0xc: {  	s23 =	sshll.u32 s4, $0x4;
	s25 =	sor.u32 $0x1C02, s24;
	p0 =	sne.s32 s4, $0x0  }
0xd: {  	s4 =	simm.s32 $0x4880;
	s24 =	simm.s32 $0x4B00;
	s1 =	smin.u32 s1, $0x12480  }
0xe: {  	s10 =	sshrl.u32 s8, $0x1;
	s12 =	sor.u32 s11, s23;
	[dreg:$0x5] =	wrdreg s25  }
0xf: {  	s23 =	simm.s32 $0x4A80;
	s25 =	simm.s32 $0x4B80;
	s6 =	sshrl.u32 s1, $0x3  }
0x10: {  	s8 =	ssub.s32 s8, s10;
	s1 =	sadd.s32 s1, s3;
	s10 =	smul.u32 $0xA, s11  }
0x11: {  	s11 =	sadd.s32 $0x16C00, s0;
	s12 =	smul.u32 $0x5, s12;
	s26 =	smax.u32 s8, $0x1  }
0x12: {  	s9 =	sadd.s32 s6, s0;
	s31 =	sshrl.u32 s1, $0x3;
	[dreg:$0x6] =	wrdreg s26  }
0x13: {  	s6 =	sadd.s32 $0x2D400, s0;
	s9 =	sadd.s32 $0x2AC00, s9;
	[dreg:$0x7] =	wrdreg s31  }
0x14: {  	v0 =	vimm.f32 $1.000000000e+00;
	s1 =	simm.s32 $0x0;
	s26 =	simm.s32 $0x4C00;
	[dreg:$0x4] =	wrdreg s9  }
.LBB2_1:
0x15: {  	[dreg:$0x8] =	wrdreg s1  }
0x16: {  	s0 =	rddreg [dreg:$0x4]  }
0x17: {  	s9 =	rddreg [dreg:$0x5]  }
0x18: {  	s8 =	rddreg [dreg:$0x7]  }
0x19: {  	[spmem:s8], [sflag:s9] =	dma.local [hbm:s0], $0x280  }
0x1a: {  	_ =	swait.ge [sflag:s15], $0x280  }
0x1b: {  	[sflag:s15] =	ssyncset.done $0x0  }
0x1c: {  	[sflag:s15] =	ssyncadd.s32 $0xFFFFFD80  }
0x1d: {  	[tilespmem:$0x5000] =	vst v0  }
0x1e: {  	[tilespmem:$0x5010] =	vst v0  }
0x1f: {  	[tilespmem:$0x5020] =	vst v0  }
0x20: {  	[tilespmem:$0x5030] =	vst v0  }
0x21: {  	[tilespmem:$0x5040] =	vst v0  }
0x22: {  	s31 =	simm.s32 $0x0;
	[bflag:$0x0] =	sbarrier.arrive $0xFFFF  }
.LBB2_2:
0x23: {  	s0 =	sadd.s32 s10, s31  }
0x24: {  	s0 =	sshll.u32 s0, $0x9  }
0x25: {  	s8 =	simm.s32 $0x0;
	s1 =	sadd.s32 s5, s0  }
0x26: {  	[tilespmem:s8], [sflag:$0x2] =	stream.linear.gather [hbm4b:s1+s8], $0xC80, $0x38;
	[tilespmem:$0x1AC88] =	vst v63  }
0x27: {  	_ =	swait.ge [sflag:s15], $0xC80  }
0x28: {  	[sflag:s15] =	ssyncset.done $0x0  }
0x29: {  	s9 =	sadd.s32 s0, s11;
	[sflag:s15] =	ssyncadd.s32 $0xFFFFF380  }
0x2a: {  	[tilespmem:s16], [sflag:$0x2] =	stream.linear.gather [hbm4b:s9+s8], $0xC80, $0x38;
	[tilespmem:$0x1AC88] =	vst v63  }
0x2b: {  	_ =	swait.ge [sflag:s15], $0xC80  }
0x2c: {  	[sflag:s15] =	ssyncset.done $0x0  }
0x2d: {  	s9 =	sadd.s32 s2, s0;
	[sflag:s15] =	ssyncadd.s32 $0xFFFFF380  }
0x2e: {  	[tilespmem:s17], [sflag:$0x2] =	stream.linear.gather [hbm4b:s9+s8], $0xC80, $0x38;
	[tilespmem:$0x1AC88] =	vst v63  }
0x2f: {  	_ =	swait.ge [sflag:s15], $0xC80  }
0x30: {  	[sflag:s15] =	ssyncset.done $0x0  }
0x31: {  	s1 =	simm.s32 $0x0;
	[sflag:s15] =	ssyncadd.s32 $0xFFFFF380  }
0x32: {  	v1 =	vld [tilespmem:s1+$0x2040]  }
0x33: {  	v3 =	vld [tilespmem:s1+$0x2000]  }
0x34: {  	v4 =	vld [tilespmem:s1+$0x40]  }
0x35: {  	v5 =	vld [tilespmem:s1+$0x2010]  }
0x36: {  	v7 =	vld [tilespmem:s1+$0x1000]  }
0x37: {  	v10 =	vld [tilespmem:s1+$0x1010]  }
0x38: {  	v12 =	vld [tilespmem:s1+$0x1020]  }
0x39: {  	v13 =	vld [tilespmem:s1+$0x1030]  }
0x3a: {  	v11 =	vld [tilespmem:s1+$0x2020];
	v6 =	vmul.u32 $0x2710, v1  }
0x3b: {  	v2 =	vld [tilespmem:s1+$0x2030]  }
0x3c: {  	v4 =	vadd.s32 v4, v6;
	v6 =	vld [tilespmem:s1+$0x1040]  }
0x3d: {  	v9 =	vld [tilespmem:s1+$0x0];
	v12 =	vshll.u32 v12, $0x3;
	[tilespmem:s1+$0x3040] =	vst v4;
	v4 =	vshll.u32 v7, $0x3  }
0x3e: {  	v8 =	vld [tilespmem:s1+$0x10];
	v13 =	vshll.u32 v13, $0x3;
	v7 =	vshll.u32 v10, $0x3;
	v4 =	vadd.s32 v3, v4  }
0x3f: {  	v12 =	vadd.s32 v11, v12;
	v10 =	vld [tilespmem:s1+$0x20];
	[tilespmem:s1+$0x4000] =	vst v4;
	v4 =	vmul.u32 $0x2710, v3;
	v3 =	vadd.s32 v5, v7  }
0x40: {  	s8 =	simm.s32 $0x80;
	s9 =	simm.s32 $0x400;
	v7 =	vmul.u32 $0x2710, v5;
	v5 =	vmul.u32 $0x2710, v11;
	v11 =	vld [tilespmem:s1+$0x30];
	[tilespmem:s1+$0x4010] =	vst v3;
	v3 =	vmul.u32 $0x2710, v2  }
.LBB2_3:
0x41: {  	p1 =	sne.s32 s9, $0x3000;
	v14 =	vld [tilespmem:s8+$0x2040];
	[tilespmem:s1+$0x4020] =	vst v12;
	v2 =	vadd.s32 v2, v13;
	v6 =	vshll.u32 v6, $0x3  }
0x42: {  	v12 =	vld [tilespmem:s8+$0x2000];
	v4 =	vadd.s32 v9, v4;
	[tilespmem:s1+$0x4030] =	vst v2;
	v6 =	vadd.s32 v1, v6  }
0x43: {  	v9 =	vld [tilespmem:s8+$0x40];
	[tilespmem:s1+$0x3000] =	vst v4;
	v1 =	vadd.s32 v8, v7  }
0x44: {  	v13 =	vld [tilespmem:s8+$0x2010];
	[tilespmem:s1+$0x3010] =	vst v1;
	v5 =	vadd.s32 v10, v5  }
0x45: {  	v15 =	vld [tilespmem:s8+$0x2020];
	[tilespmem:s1+$0x3020] =	vst v5;
	v4 =	vadd.s32 v11, v3  }
0x46: {  	v2 =	vld [tilespmem:s8+$0x2030];
	v3 =	vmul.u32 $0x2710, v14;
	[tilespmem:s1+$0x3030] =	vst v4;
	v1 =	vmov v14  }
0x47: {  	v4 =	vmul.u32 $0x2710, v12;
	v8 =	vld [tilespmem:s8+$0x1000];
	[tilespmem:s1+$0x4040] =	vst v6;
	s1 =	smov.u32 s8  }
0x48: {  	v10 =	vld [tilespmem:s1+$0x1010];
	v3 =	vadd.s32 v9, v3  }
0x49: {  	v7 =	vmul.u32 $0x2710, v13;
	v11 =	vld [tilespmem:s1+$0x1020];
	[tilespmem:s1+$0x3040] =	vst v3  }
0x4a: {  	v5 =	vmul.u32 $0x2710, v15;
	v14 =	vld [tilespmem:s1+$0x1030]  }
.Ltmp0:
0x4b: {  	v3 =	vmul.u32 $0x2710, v2;
	v6 =	vld [tilespmem:s1+$0x1040];
	(pc) =	sbr.rel @p1 .LBB2_3-.Ltmp0, $4  }
0x4c: {  	v9 =	vld [tilespmem:s1+$0x0];
	v8 =	vshll.u32 v8, $0x3  }
0x4d: {  	v12 =	vadd.s32 v12, v8;
	v8 =	vld [tilespmem:s1+$0x10];
	v10 =	vshll.u32 v10, $0x3  }
0x4e: {  	[tilespmem:s1+$0x4000] =	vst v12;
	v12 =	vadd.s32 v13, v10;
	v10 =	vld [tilespmem:s1+$0x20];
	v11 =	vshll.u32 v11, $0x3  }
0x4f: {  	s8 =	sshra.s32 s9, $0x2;
	s9 =	sadd.s32 $0x200, s9;
	[tilespmem:s1+$0x4010] =	vst v12;
	v12 =	vadd.s32 v15, v11;
	v11 =	vld [tilespmem:s1+$0x30];
	v13 =	vshll.u32 v14, $0x3  }
0x50: {  	v14 =	vld [tilespmem:s8+$0x2040];
	[tilespmem:s1+$0x4020] =	vst v12;
	v2 =	vadd.s32 v2, v13  }
0x51: {  	v12 =	vld [tilespmem:s8+$0x2000];
	[tilespmem:s1+$0x4030] =	vst v2;
	v2 =	vadd.s32 v9, v4  }
0x52: {  	v54 =	vld [tilespmem:s8+$0x40];
	[tilespmem:s1+$0x3000] =	vst v2;
	v2 =	vadd.s32 v8, v7  }
0x53: {  	v55 =	vld [tilespmem:s8+$0x2010];
	[tilespmem:s1+$0x3010] =	vst v2;
	v2 =	vadd.s32 v10, v5  }
0x54: {  	v6 =	vshll.u32 v6, $0x3;
	v56 =	vld [tilespmem:s8+$0x2020];
	[tilespmem:s1+$0x3020] =	vst v2;
	v2 =	vadd.s32 v11, v3  }
0x55: {  	v1 =	vadd.s32 v1, v6;
	v3 =	vld [tilespmem:s8+$0x2030];
	[tilespmem:s1+$0x3030] =	vst v2  }
0x56: {  	v2 =	vld [tilespmem:s8+$0x1000];
	[tilespmem:s1+$0x4040] =	vst v1  }
0x57: {  	v1 =	vld [tilespmem:s8+$0x1010]  }
0x58: {  	v58 =	vld [tilespmem:s8+$0x1020]  }
0x59: {  	v57 =	vmul.u32 $0x2710, v14;
	v59 =	vld [tilespmem:s8+$0x1030]  }
0x5a: {  	v60 =	vld [tilespmem:s8+$0x1040]  }
0x5b: {  	v4 =	vadd.s32 v54, v57;
	v61 =	vld [tilespmem:s8+$0x0];
	v2 =	vshll.u32 v2, $0x3  }
0x5c: {  	v62 =	vld [tilespmem:s8+$0x10];
	[tilespmem:s8+$0x3040] =	vst v4;
	v2 =	vadd.s32 v12, v2;
	v1 =	vshll.u32 v1, $0x3  }
0x5d: {  	v6 =	vshll.u32 v58, $0x3;
	[tilespmem:s8+$0x4000] =	vst v2;
	v1 =	vadd.s32 v55, v1;
	v2 =	vld [tilespmem:s8+$0x20]  }
0x5e: {  	v63 =	vld [tilespmem:s8+$0x30];
	v4 =	vshll.u32 v59, $0x3;
	v6 =	vadd.s32 v56, v6;
	[tilespmem:s8+$0x4010] =	vst v1;
	v1 =	vmul.u32 $0x2710, v12  }
0x5f: {  	v7 =	vmul.u32 $0x2710, v55;
	v4 =	vadd.s32 v3, v4;
	[tilespmem:s8+$0x4020] =	vst v6  }
0x60: {  	v5 =	vmul.u32 $0x2710, v56;
	[tilespmem:s8+$0x4030] =	vst v4;
	v1 =	vadd.s32 v61, v1  }
0x61: {  	v3 =	vmul.u32 $0x2710, v3;
	[tilespmem:s8+$0x3000] =	vst v1;
	v1 =	vadd.s32 v62, v7  }
0x62: {  	[tilespmem:s8+$0x3010] =	vst v1;
	v1 =	vadd.s32 v2, v5  }
0x63: {  	v2 =	vshll.u32 v60, $0x3;
	[tilespmem:s8+$0x3020] =	vst v1;
	v1 =	vadd.s32 v63, v3  }
0x64: {  	v2 =	vadd.s32 v14, v2;
	[tilespmem:s8+$0x3030] =	vst v1  }
0x65: {  	s0 =	sadd.s32 @!p0 s6, s0;
	s1 =	simm.s32 @!p0 $0x0;
	[tilespmem:s8+$0x4040] =	vst v2;
	s8 =	simm.s32 @!p0 $0x3000  }
0x66: {  	[hbm4b:s0+s1] =	stream.linear.scatter @!p0 [tilespmem:s8], [sflag:$0x2], $0xC80, $0x38;
	[tilespmem:$0x1AC88] =	vst v63  }
0x67: {  	s0 =	simm.s32 @!p0 $0x2  }
0x68: {  	_ =	swait.ge @!p0 [sflag:s0], $0xC80  }
0x69: {  	[sflag:s0] =	ssyncset.done @!p0 $0x0  }
0x6a: {  	[sflag:s0] =	ssyncadd.s32 @!p0 $0xFFFFF380  }
0x6b: {  	[spmem:s3] =	stream.indirect.scatter.add.f32 [tilespmem:s20], [sflag:$0x1], $0x1, s13, s18, $0xb8;
	[tilespmem:$0x1AC88] =	vst v63  }
0x6c: {  	s1 =	simm.s32 $0x4080  }
0x6d: {  	[spmem:s3] =	stream.indirect.scatter.add.f32 [tilespmem:s20], [sflag:$0x1], $0x1, s1, s18, $0xb8;
	[tilespmem:$0x1AC88] =	vst v63  }
0x6e: {  	s8 =	simm.s32 $0x4100  }
0x6f: {  	[spmem:s3] =	stream.indirect.scatter.add.f32 [tilespmem:s20], [sflag:$0x1], $0x1, s8, s18, $0xb8;
	[tilespmem:$0x1AC88] =	vst v63  }
0x70: {  	s9 =	simm.s32 $0x4180  }
0x71: {  	[spmem:s3] =	stream.indirect.scatter.add.f32 [tilespmem:s20], [sflag:$0x1], $0x1, s9, s18, $0xb8;
	[tilespmem:$0x1AC88] =	vst v63  }
0x72: {  	s1 =	simm.s32 $0x4200  }
0x73: {  	[spmem:s3] =	stream.indirect.scatter.add.f32 [tilespmem:s20], [sflag:$0x1], $0x1, s1, s18, $0xb8;
	[tilespmem:$0x1AC88] =	vst v63  }
0x74: {  	s8 =	simm.s32 $0x4280  }
0x75: {  	[spmem:s3] =	stream.indirect.scatter.add.f32 [tilespmem:s20], [sflag:$0x1], $0x1, s8, s18, $0xb8;
	[tilespmem:$0x1AC88] =	vst v63  }
0x76: {  	s9 =	simm.s32 $0x4300  }
0x77: {  	[spmem:s3] =	stream.indirect.scatter.add.f32 [tilespmem:s20], [sflag:$0x1], $0x1, s9, s18, $0xb8;
	[tilespmem:$0x1AC88] =	vst v63  }
0x78: {  	s1 =	simm.s32 $0x4380  }
0x79: {  	[spmem:s3] =	stream.indirect.scatter.add.f32 [tilespmem:s20], [sflag:$0x1], $0x1, s1, s18, $0xb8;
	[tilespmem:$0x1AC88] =	vst v63  }
0x7a: {  	s8 =	simm.s32 $0x4400  }
0x7b: {  	[spmem:s3] =	stream.indirect.scatter.add.f32 [tilespmem:s20], [sflag:$0x1], $0x1, s8, s18, $0xb8;
	[tilespmem:$0x1AC88] =	vst v63  }
0x7c: {  	s9 =	simm.s32 $0x4480  }
0x7d: {  	[spmem:s3] =	stream.indirect.scatter.add.f32 [tilespmem:s20], [sflag:$0x1], $0x1, s9, s18, $0xb8;
	[tilespmem:$0x1AC88] =	vst v63  }
0x7e: {  	s1 =	simm.s32 $0x4500  }
0x7f: {  	[spmem:s3] =	stream.indirect.scatter.add.f32 [tilespmem:s20], [sflag:$0x1], $0x1, s1, s18, $0xb8;
	[tilespmem:$0x1AC88] =	vst v63  }
0x80: {  	s8 =	simm.s32 $0x4580  }
0x81: {  	[spmem:s3] =	stream.indirect.scatter.add.f32 [tilespmem:s20], [sflag:$0x1], $0x1, s8, s18, $0xb8;
	[tilespmem:$0x1AC88] =	vst v63  }
0x82: {  	s9 =	simm.s32 $0x4600  }
0x83: {  	[spmem:s3] =	stream.indirect.scatter.add.f32 [tilespmem:s20], [sflag:$0x1], $0x1, s9, s18, $0xb8;
	[tilespmem:$0x1AC88] =	vst v63  }
0x84: {  	s1 =	simm.s32 $0x4680  }
0x85: {  	[spmem:s3] =	stream.indirect.scatter.add.f32 [tilespmem:s20], [sflag:$0x1], $0x1, s1, s18, $0xb8;
	[tilespmem:$0x1AC88] =	vst v63  }
0x86: {  	s8 =	simm.s32 $0x4700  }
0x87: {  	[spmem:s3] =	stream.indirect.scatter.add.f32 [tilespmem:s20], [sflag:$0x1], $0x1, s8, s18, $0xb8;
	[tilespmem:$0x1AC88] =	vst v63  }
0x88: {  	s9 =	simm.s32 $0x4780  }
0x89: {  	[spmem:s3] =	stream.indirect.scatter.add.f32 [tilespmem:s20], [sflag:$0x1], $0x1, s9, s18, $0xb8;
	[tilespmem:$0x1AC88] =	vst v63  }
0x8a: {  	_ = 	snop  }
0x8b: {  	[spmem:s3] =	stream.indirect.scatter.add.f32 [tilespmem:s20], [sflag:$0x1], $0x1, s14, s18, $0xb8;
	[tilespmem:$0x1AC88] =	vst v63  }
0x8c: {  	_ = 	snop  }
0x8d: {  	[spmem:s3] =	stream.indirect.scatter.add.f32 [tilespmem:s20], [sflag:$0x1], $0x1, s4, s18, $0xb8;
	[tilespmem:$0x1AC88] =	vst v63  }
0x8e: {  	_ = 	snop  }
0x8f: {  	[spmem:s3] =	stream.indirect.scatter.add.f32 [tilespmem:s20], [sflag:$0x1], $0x1, s19, s18, $0xb8;
	[tilespmem:$0x1AC88] =	vst v63  }
0x90: {  	_ = 	snop  }
0x91: {  	[spmem:s3] =	stream.indirect.scatter.add.f32 [tilespmem:s20], [sflag:$0x1], $0x1, s21, s18, $0xb8;
	[tilespmem:$0x1AC88] =	vst v63  }
0x92: {  	_ = 	snop  }
0x93: {  	[spmem:s3] =	stream.indirect.scatter.add.f32 [tilespmem:s20], [sflag:$0x1], $0x1, s22, s18, $0xb8;
	[tilespmem:$0x1AC88] =	vst v63  }
0x94: {  	_ = 	snop  }
0x95: {  	[spmem:s3] =	stream.indirect.scatter.add.f32 [tilespmem:s20], [sflag:$0x1], $0x1, s23, s18, $0xb8;
	[tilespmem:$0x1AC88] =	vst v63  }
0x96: {  	_ = 	snop  }
0x97: {  	[spmem:s3] =	stream.indirect.scatter.add.f32 [tilespmem:s20], [sflag:$0x1], $0x1, s24, s18, $0xb8;
	[tilespmem:$0x1AC88] =	vst v63  }
0x98: {  	_ = 	snop  }
0x99: {  	[spmem:s3] =	stream.indirect.scatter.add.f32 [tilespmem:s20], [sflag:$0x1], $0x1, s25, s18, $0xb8;
	[tilespmem:$0x1AC88] =	vst v63  }
0x9a: {  	_ = 	snop  }
0x9b: {  	[spmem:s3] =	stream.indirect.scatter.add.f32 [tilespmem:s20], [sflag:$0x1], $0x1, s26, s18, $0xb8;
	[tilespmem:$0x1AC88] =	vst v63  }
0x9c: {  	_ =	swait.ge [sflag:s28], $0x50  }
0x9d: {  	[sflag:s28] =	ssyncset.done $0x0  }
0x9e: {  	[sflag:s28] =	ssyncadd.s32 $0xFFFFFFB0  }
0x9f: {  	_ =	swait.ge [sflag:s28], $0x50  }
0xa0: {  	[sflag:s28] =	ssyncset.done $0x0  }
0xa1: {  	[sflag:s28] =	ssyncadd.s32 $0xFFFFFFB0  }
0xa2: {  	_ =	swait.ge [sflag:s28], $0x50  }
0xa3: {  	[sflag:s28] =	ssyncset.done $0x0  }
0xa4: {  	[sflag:s28] =	ssyncadd.s32 $0xFFFFFFB0  }
0xa5: {  	_ =	swait.ge [sflag:s28], $0x50  }
0xa6: {  	[sflag:s28] =	ssyncset.done $0x0  }
0xa7: {  	[sflag:s28] =	ssyncadd.s32 $0xFFFFFFB0  }
0xa8: {  	_ =	swait.ge [sflag:s28], $0x50  }
0xa9: {  	[sflag:s28] =	ssyncset.done $0x0  }
0xaa: {  	[sflag:s28] =	ssyncadd.s32 $0xFFFFFFB0  }
0xab: {  	_ =	swait.ge [sflag:s28], $0x50  }
0xac: {  	[sflag:s28] =	ssyncset.done $0x0  }
0xad: {  	[sflag:s28] =	ssyncadd.s32 $0xFFFFFFB0  }
0xae: {  	_ =	swait.ge [sflag:s28], $0x50  }
0xaf: {  	[sflag:s28] =	ssyncset.done $0x0  }
0xb0: {  	[sflag:s28] =	ssyncadd.s32 $0xFFFFFFB0  }
0xb1: {  	_ =	swait.ge [sflag:s28], $0x50  }
0xb2: {  	[sflag:s28] =	ssyncset.done $0x0  }
0xb3: {  	[sflag:s28] =	ssyncadd.s32 $0xFFFFFFB0  }
0xb4: {  	_ =	swait.ge [sflag:s28], $0x50  }
0xb5: {  	[sflag:s28] =	ssyncset.done $0x0  }
0xb6: {  	[sflag:s28] =	ssyncadd.s32 $0xFFFFFFB0  }
0xb7: {  	_ =	swait.ge [sflag:s28], $0x50  }
0xb8: {  	[sflag:s28] =	ssyncset.done $0x0  }
0xb9: {  	[sflag:s28] =	ssyncadd.s32 $0xFFFFFFB0  }
0xba: {  	_ =	swait.ge [sflag:s28], $0x50  }
0xbb: {  	[sflag:s28] =	ssyncset.done $0x0  }
0xbc: {  	[sflag:s28] =	ssyncadd.s32 $0xFFFFFFB0  }
0xbd: {  	_ =	swait.ge [sflag:s28], $0x50  }
0xbe: {  	[sflag:s28] =	ssyncset.done $0x0  }
0xbf: {  	[sflag:s28] =	ssyncadd.s32 $0xFFFFFFB0  }
0xc0: {  	_ =	swait.ge [sflag:s28], $0x50  }
0xc1: {  	[sflag:s28] =	ssyncset.done $0x0  }
0xc2: {  	[sflag:s28] =	ssyncadd.s32 $0xFFFFFFB0  }
0xc3: {  	_ =	swait.ge [sflag:s28], $0x50  }
0xc4: {  	[sflag:s28] =	ssyncset.done $0x0  }
0xc5: {  	[sflag:s28] =	ssyncadd.s32 $0xFFFFFFB0  }
0xc6: {  	_ =	swait.ge [sflag:s28], $0x50  }
0xc7: {  	[sflag:s28] =	ssyncset.done $0x0  }
0xc8: {  	[sflag:s28] =	ssyncadd.s32 $0xFFFFFFB0  }
0xc9: {  	_ =	swait.ge [sflag:s28], $0x50  }
0xca: {  	[sflag:s28] =	ssyncset.done $0x0  }
0xcb: {  	[sflag:s28] =	ssyncadd.s32 $0xFFFFFFB0  }
0xcc: {  	_ =	swait.ge [sflag:s28], $0x50  }
0xcd: {  	[sflag:s28] =	ssyncset.done $0x0  }
0xce: {  	[sflag:s28] =	ssyncadd.s32 $0xFFFFFFB0  }
0xcf: {  	_ =	swait.ge [sflag:s28], $0x50  }
0xd0: {  	[sflag:s28] =	ssyncset.done $0x0  }
0xd1: {  	[sflag:s28] =	ssyncadd.s32 $0xFFFFFFB0  }
0xd2: {  	_ =	swait.ge [sflag:s28], $0x50  }
0xd3: {  	[sflag:s28] =	ssyncset.done $0x0  }
0xd4: {  	[sflag:s28] =	ssyncadd.s32 $0xFFFFFFB0  }
0xd5: {  	_ =	swait.ge [sflag:s28], $0x50  }
0xd6: {  	[sflag:s28] =	ssyncset.done $0x0  }
0xd7: {  	[sflag:s28] =	ssyncadd.s32 $0xFFFFFFB0  }
0xd8: {  	_ =	swait.ge [sflag:s28], $0x50  }
0xd9: {  	[sflag:s28] =	ssyncset.done $0x0  }
0xda: {  	[sflag:s28] =	ssyncadd.s32 $0xFFFFFFB0  }
0xdb: {  	_ =	swait.ge [sflag:s28], $0x50  }
0xdc: {  	[sflag:s28] =	ssyncset.done $0x0  }
0xdd: {  	[sflag:s28] =	ssyncadd.s32 $0xFFFFFFB0  }
0xde: {  	_ =	swait.ge [sflag:s28], $0x50  }
0xdf: {  	[sflag:s28] =	ssyncset.done $0x0  }
0xe0: {  	s31 =	sadd.s32 $0x1, s31;
	[sflag:s28] =	ssyncadd.s32 $0xFFFFFFB0  }
0xe1: {  	p1 =	sne.s32 s31, $0xA;
	_ =	swait.ge [sflag:s28], $0x50  }
.Ltmp1:
0xe2: {  	[sflag:s28] =	ssyncset.done $0x0;
	(pc) =	sbr.rel @p1 .LBB2_2-.Ltmp1, $4  }
0xe3: {  	[sflag:s28] =	ssyncadd.s32 $0xFFFFFFB0  }
0xe4: {  	_ =	swait.ge [sflag:s28], $0x50  }
0xe5: {  	[sflag:s28] =	ssyncset.done $0x0  }
0xe6: {  	[sflag:s28] =	ssyncadd.s32 $0xFFFFFFB0  }
0xe7: {  	[bflag:$0x0] =	sbarrier.arrive $0xFFFF  }
0xe8: {  	[tilespmem:s29], [sflag:$0x2] =	stream.linear.gather [spmem:s3], $0x13880, $0x38;
	[tilespmem:$0x1AC88] =	vst v63  }
0xe9: {  	_ =	swait.ge [sflag:s15], $0x13880  }
0xea: {  	[sflag:s15] =	ssyncset.done $0x0  }
0xeb: {  	s31 =	simm.s32 $0x0;
	s0 =	simm.s32 $0x0;
	[sflag:s15] =	ssyncadd.s32 $0xFFFEC780  }
.LBB2_6:
0xec: {  	s1 =	sadd.s32 s12, s0  }
0xed: {  	s1 =	sshll.u32 s1, $0x9  }
0xee: {  	s8 =	sadd.s32 s1, s11  }
0xef: {  	[tilespmem:s16], [sflag:$0x2] =	stream.linear.gather [hbm4b:s8+s31], $0xC80, $0x38;
	[tilespmem:$0x1AC88] =	vst v63  }
0xf0: {  	_ =	swait.ge [sflag:s15], $0xC80  }
0xf1: {  	[sflag:s15] =	ssyncset.done $0x0  }
0xf2: {  	s13 =	sadd.s32 s2, s1;
	[sflag:s15] =	ssyncadd.s32 $0xFFFFF380  }
0xf3: {  	[tilespmem:s17], [sflag:$0x2] =	stream.linear.gather [hbm4b:s13+s31], $0xC80, $0x38;
	[tilespmem:$0x1AC88] =	vst v63  }
0xf4: {  	_ =	swait.ge [sflag:s15], $0xC80  }
0xf5: {  	[sflag:s15] =	ssyncset.done $0x0  }
0xf6: {  	s8 =	simm.s32 $0x0;
	[sflag:s15] =	ssyncadd.s32 $0xFFFFF380  }
0xf7: {  	v1 =	vld [tilespmem:s8+$0x1000]  }
0xf8: {  	v2 =	vld [tilespmem:s8+$0x2000];
	_ =	sdelay $0x3  }
0xf9: {  	v1 =	vshll.u32 v1, $0x3  }
0xfa: {  	v1 =	vadd.s32 v2, v1;
	_ =	sdelay $0x4  }
0xfb: {  	v1 =	vld.idx.msk [tilespmem:v1+s29+$0x0], $0xffff;
	_ =	sdelay $0x4  }
0xfc: {  	v1 =	vmax.f32 v1, $1.000000000e+00  }
0xfd: {  	v2 =	vld [tilespmem:s8+$0x1010];
	(erf) = vrcp.f32 v1  }
0xfe: {  	v1 =	vld [tilespmem:s8+$0x2010];
	_ =	sdelay $0x3  }
0xff: {  	v2 =	vshll.u32 v2, $0x3  }
0x100: {  	v1 =	vadd.s32 v1, v2;
	_ =	sdelay $0x2  }
0x101: {  	v2 =	vpop (erf)  }
0x102: {  	[tilespmem:s8+$0x5080] =	vst v2  }
0x103: {  	v1 =	vld.idx.msk [tilespmem:v1+s29+$0x0], $0xffff;
	_ =	sdelay $0x4  }
0x104: {  	v1 =	vmax.f32 v1, $1.000000000e+00  }
0x105: {  	v2 =	vld [tilespmem:s8+$0x1020];
	(erf) = vrcp.f32 v1  }
0x106: {  	v1 =	vld [tilespmem:s8+$0x2020];
	_ =	sdelay $0x3  }
0x107: {  	v2 =	vshll.u32 v2, $0x3  }
0x108: {  	v1 =	vadd.s32 v1, v2;
	_ =	sdelay $0x2  }
0x109: {  	v2 =	vpop (erf)  }
0x10a: {  	[tilespmem:s8+$0x5090] =	vst v2  }
0x10b: {  	v1 =	vld.idx.msk [tilespmem:v1+s29+$0x0], $0xffff;
	_ =	sdelay $0x4  }
0x10c: {  	v1 =	vmax.f32 v1, $1.000000000e+00  }
0x10d: {  	v2 =	vld [tilespmem:s8+$0x1030];
	(erf) = vrcp.f32 v1  }
0x10e: {  	v1 =	vld [tilespmem:s8+$0x2030];
	_ =	sdelay $0x3  }
0x10f: {  	v2 =	vshll.u32 v2, $0x3  }
0x110: {  	v1 =	vadd.s32 v1, v2;
	_ =	sdelay $0x2  }
0x111: {  	v2 =	vpop (erf)  }
0x112: {  	[tilespmem:s8+$0x50A0] =	vst v2  }
0x113: {  	v1 =	vld.idx.msk [tilespmem:v1+s29+$0x0], $0xffff;
	_ =	sdelay $0x4  }
0x114: {  	v1 =	vmax.f32 v1, $1.000000000e+00  }
0x115: {  	v2 =	vld [tilespmem:s8+$0x1040];
	(erf) = vrcp.f32 v1  }
0x116: {  	v1 =	vld [tilespmem:s8+$0x2040];
	_ =	sdelay $0x3  }
0x117: {  	v2 =	vshll.u32 v2, $0x3  }
0x118: {  	v1 =	vadd.s32 v1, v2;
	_ =	sdelay $0x2  }
0x119: {  	v2 =	vpop (erf)  }
0x11a: {  	[tilespmem:s8+$0x50B0] =	vst v2  }
0x11b: {  	v1 =	vld.idx.msk [tilespmem:v1+s29+$0x0], $0xffff;
	_ =	sdelay $0x4  }
0x11c: {  	s9 =	simm.s32 $0x400;
	s13 =	simm.s32 $0x80;
	v1 =	vmax.f32 v1, $1.000000000e+00  }
.LBB2_7:
0x11d: {  	p1 =	sne.s32 s9, $0x3000;
	v2 =	vld [tilespmem:s13+$0x1000];
	(erf) = vrcp.f32 v1  }
0x11e: {  	v1 =	vld [tilespmem:s13+$0x2000];
	_ =	sdelay $0x3  }
0x11f: {  	v2 =	vshll.u32 v2, $0x3  }
0x120: {  	v1 =	vadd.s32 v1, v2;
	_ =	sdelay $0x2  }
0x121: {  	v2 =	vpop (erf)  }
0x122: {  	[tilespmem:s8+$0x50C0] =	vst v2;
	s8 =	smov.u32 s13  }
0x123: {  	v1 =	vld.idx.msk [tilespmem:v1+s29+$0x0], $0xffff;
	_ =	sdelay $0x5  }
0x124: {  	v1 =	vmax.f32 v1, $1.000000000e+00  }
0x125: {  	v2 =	vld [tilespmem:s8+$0x1010];
	(erf) = vrcp.f32 v1  }
0x126: {  	v1 =	vld [tilespmem:s8+$0x2010];
	_ =	sdelay $0x3  }
0x127: {  	v2 =	vshll.u32 v2, $0x3  }
0x128: {  	v1 =	vadd.s32 v1, v2;
	_ =	sdelay $0x2  }
0x129: {  	v2 =	vpop (erf)  }
0x12a: {  	[tilespmem:s8+$0x5080] =	vst v2  }
0x12b: {  	v1 =	vld.idx.msk [tilespmem:v1+s29+$0x0], $0xffff;
	_ =	sdelay $0x5  }
0x12c: {  	v1 =	vmax.f32 v1, $1.000000000e+00  }
0x12d: {  	v2 =	vld [tilespmem:s8+$0x1020];
	(erf) = vrcp.f32 v1  }
0x12e: {  	v1 =	vld [tilespmem:s8+$0x2020];
	_ =	sdelay $0x3  }
0x12f: {  	v2 =	vshll.u32 v2, $0x3  }
0x130: {  	v1 =	vadd.s32 v1, v2;
	_ =	sdelay $0x2  }
0x131: {  	v2 =	vpop (erf)  }
0x132: {  	[tilespmem:s8+$0x5090] =	vst v2  }
0x133: {  	v1 =	vld.idx.msk [tilespmem:v1+s29+$0x0], $0xffff;
	_ =	sdelay $0x5  }
0x134: {  	v1 =	vmax.f32 v1, $1.000000000e+00  }
0x135: {  	v2 =	vld [tilespmem:s8+$0x1030];
	(erf) = vrcp.f32 v1  }
0x136: {  	v1 =	vld [tilespmem:s8+$0x2030];
	_ =	sdelay $0x3  }
0x137: {  	v2 =	vshll.u32 v2, $0x3  }
0x138: {  	v1 =	vadd.s32 v1, v2;
	_ =	sdelay $0x2  }
0x139: {  	v2 =	vpop (erf)  }
0x13a: {  	[tilespmem:s8+$0x50A0] =	vst v2  }
0x13b: {  	v1 =	vld.idx.msk [tilespmem:v1+s29+$0x0], $0xffff;
	_ =	sdelay $0x5  }
0x13c: {  	v1 =	vmax.f32 v1, $1.000000000e+00  }
0x13d: {  	v2 =	vld [tilespmem:s8+$0x1040];
	(erf) = vrcp.f32 v1  }
0x13e: {  	v1 =	vld [tilespmem:s8+$0x2040];
	_ =	sdelay $0x3  }
0x13f: {  	v2 =	vshll.u32 v2, $0x3  }
0x140: {  	v1 =	vadd.s32 v1, v2;
	_ =	sdelay $0x2  }
0x141: {  	v2 =	vpop (erf)  }
0x142: {  	[tilespmem:s8+$0x50B0] =	vst v2  }
0x143: {  	v1 =	vld.idx.msk [tilespmem:v1+s29+$0x0], $0xffff;
	_ =	sdelay $0x1  }
.Ltmp2:
0x144: {  	(pc) =	sbr.rel @p1 .LBB2_7-.Ltmp2, $2  }
0x145: {  	_ =	sdelay $0x2  }
0x146: {  	s13 =	sshra.s32 s9, $0x2;
	s9 =	sadd.s32 $0x200, s9;
	v1 =	vmax.f32 v1, $1.000000000e+00  }
0x147: {  	v2 =	vld [tilespmem:s13+$0x1000];
	(erf) = vrcp.f32 v1  }
0x148: {  	v1 =	vld [tilespmem:s13+$0x2000];
	_ =	sdelay $0x3  }
0x149: {  	v2 =	vshll.u32 v2, $0x3  }
0x14a: {  	v1 =	vadd.s32 v1, v2;
	_ =	sdelay $0x2  }
0x14b: {  	v2 =	vpop (erf)  }
0x14c: {  	[tilespmem:s8+$0x50C0] =	vst v2  }
0x14d: {  	v1 =	vld.idx.msk [tilespmem:v1+s29+$0x0], $0xffff;
	_ =	sdelay $0x4  }
0x14e: {  	v1 =	vmax.f32 v1, $1.000000000e+00  }
0x14f: {  	v2 =	vld [tilespmem:s13+$0x1010];
	(erf) = vrcp.f32 v1  }
0x150: {  	v1 =	vld [tilespmem:s13+$0x2010];
	_ =	sdelay $0x3  }
0x151: {  	v2 =	vshll.u32 v2, $0x3  }
0x152: {  	v1 =	vadd.s32 v1, v2;
	_ =	sdelay $0x2  }
0x153: {  	v2 =	vpop (erf)  }
0x154: {  	[tilespmem:s13+$0x5080] =	vst v2  }
0x155: {  	v1 =	vld.idx.msk [tilespmem:v1+s29+$0x0], $0xffff;
	_ =	sdelay $0x4  }
0x156: {  	v1 =	vmax.f32 v1, $1.000000000e+00  }
0x157: {  	v2 =	vld [tilespmem:s13+$0x1020];
	(erf) = vrcp.f32 v1  }
0x158: {  	v1 =	vld [tilespmem:s13+$0x2020];
	_ =	sdelay $0x3  }
0x159: {  	v2 =	vshll.u32 v2, $0x3  }
0x15a: {  	v1 =	vadd.s32 v1, v2;
	_ =	sdelay $0x2  }
0x15b: {  	v2 =	vpop (erf)  }
0x15c: {  	[tilespmem:s13+$0x5090] =	vst v2  }
0x15d: {  	v1 =	vld.idx.msk [tilespmem:v1+s29+$0x0], $0xffff;
	_ =	sdelay $0x4  }
0x15e: {  	v1 =	vmax.f32 v1, $1.000000000e+00  }
0x15f: {  	v2 =	vld [tilespmem:s13+$0x1030];
	(erf) = vrcp.f32 v1  }
0x160: {  	v1 =	vld [tilespmem:s13+$0x2030];
	_ =	sdelay $0x3  }
0x161: {  	v2 =	vshll.u32 v2, $0x3  }
0x162: {  	v1 =	vadd.s32 v1, v2;
	_ =	sdelay $0x2  }
0x163: {  	v2 =	vpop (erf)  }
0x164: {  	[tilespmem:s13+$0x50A0] =	vst v2  }
0x165: {  	v1 =	vld.idx.msk [tilespmem:v1+s29+$0x0], $0xffff;
	_ =	sdelay $0x4  }
0x166: {  	v1 =	vmax.f32 v1, $1.000000000e+00  }
0x167: {  	v2 =	vld [tilespmem:s13+$0x1040];
	(erf) = vrcp.f32 v1  }
0x168: {  	v1 =	vld [tilespmem:s13+$0x2040];
	_ =	sdelay $0x3  }
0x169: {  	v2 =	vshll.u32 v2, $0x3  }
0x16a: {  	v1 =	vadd.s32 v1, v2;
	_ =	sdelay $0x2  }
0x16b: {  	v2 =	vpop (erf)  }
0x16c: {  	[tilespmem:s13+$0x50B0] =	vst v2  }
0x16d: {  	v1 =	vld.idx.msk [tilespmem:v1+s29+$0x0], $0xffff;
	_ =	sdelay $0x4  }
0x16e: {  	v1 =	vmax.f32 v1, $1.000000000e+00  }
0x16f: {  	(erf) = vrcp.f32 v1;
	_ =	sdelay $0x7  }
0x170: {  	s0 =	sadd.s32 $0x1, s0  }
0x171: {  	p1 =	sne.s32 s0, $0x5;
	v1 =	vpop (erf)  }
.Ltmp3:
0x172: {  	s1 =	sadd.s32 s7, s1;
	[tilespmem:s13+$0x50C0] =	vst v1;
	s13 =	simm.s32 $0x0;
	(pc) =	sbr.rel @p1 .LBB2_6-.Ltmp3, $4  }
0x173: {  	[hbm4b:s1+s13] =	stream.linear.scatter [tilespmem:s30], [sflag:$0x2], $0xC80, $0x38;
	[tilespmem:$0x1AC88] =	vst v63  }
0x174: {  	_ =	swait.ge [sflag:s15], $0xC80  }
0x175: {  	[sflag:s15] =	ssyncset.done $0x0  }
0x176: {  	[sflag:s15] =	ssyncadd.s32 $0xFFFFF380  }
0x177: {  	s1 =	rddreg [dreg:$0x8]  }
0x178: {  	s0 =	rddreg [dreg:$0x6];
	s1 =	sadd.s32 $0x1, s1  }
0x179: {  	p1 =	sne.s32 s1, s0  }
.Ltmp4:
0x17a: {  	_ = 	snop;
	(pc) =	sbr.rel @p1 .LBB2_1-.Ltmp4, $2  }
0x17b: {  	_ =	sdelay $0x2  }
0x17c: {  	s13 =	simm.s32 $0x4000  }
0x17d: {  	_ =	sfence.sel $0x180000  }
0x17e: {  	[bflag:$0x0] =	sbarrier.arrive $0xFFFF  }
0x17f: {  	_ =	strace $0x90000047  }
0x180: {  	s0 =	stileid.u32;
	[bflag:$0x2] =	sbarrier.arrive $0xFFFF  }
0x181: {  	p0 =	sne.s32 s0, $0x0;
	s0 =	rddreg [dreg:$0x3]  }
0x182: {  	s0 =	sadd.s32 @!p0 $0x100000, s0  }
0x183: {  	[sflag:s0] =	ssyncadd.tile.s32 @!p0 $0x1;
	_ =	shalt  }
.Lfunc_end2:
_tile_overlayer_lowered:
.L_overlay_start_2:
0x184: {  	(tag) =	ssettag $0x2  }
0x185: {  	s0 =	rddreg [dreg:$0x0];
	s2 =	stileid.u32  }
0x186: {  	s1 =	rddreg [dreg:$0x1];
	p0 =	sne.s32 s2, $0x0  }
0x187: {  	s3 =	rddreg [dreg:$0x2];
	[bflag:$0x3] =	sbarrier.arrive $0xFFFF;
	s2 =	simm.s32 @!p0 $0x1C02  }
0x188: {  	[timem:s3], [sflag:s2] =	dma.local @!p0 [hbm:s0], s1  }
0x189: {  	s0 =	simm.s32 @!p0 $0x2  }
0x18a: {  	_ =	swait.ge @!p0 [sflag:s0], s1  }
0x18b: {  	s1 =	ssub.s32 @!p0 $0x0, s1;
	[sflag:s0] =	ssyncset.done @!p0 $0x0  }
0x18c: {  	[sflag:s0] =	ssyncadd.s32 @!p0 s1  }
0x18d: {  	[bflag:$0x3] =	sbarrier.arrive $0xFFFF  }
0x18e: {  	_ =	shalt  }

</sc_bundles>
